<compile_context>
chip_gen: v7x
topology: tpu7x:2x2x1
jax: 0.10.2.dev20260603
libtpu: 0.0.44.dev20260713+nightly
codegen_flags: <defaults>
</compile_context>

<pallas_src>
import functools

import jax
import jax.numpy as jnp
from jax import lax
from jax.experimental import pallas as pl
from jax.experimental.pallas import tpu as pltpu
from jax.experimental.pallas import tpu_sc as plsc

ROWS = 128
T_IN = 122880
T_OUT = 23552

NUM_CORES = 2
NUM_SUBCORES = 16
NUM_WORKERS = NUM_CORES * NUM_SUBCORES
ROWS_PER_WORKER = ROWS // NUM_WORKERS

SEG0 = (0, 8, 0, 5, 16384, 2048, 5)
SEG1 = (81920, 4, 10240, 2, 18432, 4608, 4)
COPY_SEG = (118784, 19456, 4096)

IN_BUF = 18432
OUT_BUF = 4608
D_OUT = 2


def _decimator_body(x_hbm, out_hbm,
                    iv0, iv1, iv2, iv3, iv4, ov0, ov1, tv0, tv1,
                    si0, si1, si2, si3, si4, so0, so1, st0, st1):
  cid = lax.axis_index("c")
  sid = lax.axis_index("s")
  wid = cid * NUM_SUBCORES + sid
  row0 = wid * ROWS_PER_WORKER

  lanes = lax.iota(jnp.int32, 16)
  in_v = (iv0, iv1, iv2, iv3, iv4)
  out_v = (ov0, ov1)
  tl_v = (tv0, tv1)
  sin = (si0, si1, si2, si3, si4)
  sout = (so0, so1)
  stl = (st0, st1)

  def run_segment(seg):
    in_off, stride, out_off, cpr, in_chunk, out_chunk, d_in = seg
    n = cpr * ROWS_PER_WORKER
    iters = n // d_in
    idx0 = lanes * stride
    step = 16 * stride
    n_gather = out_chunk // 16

    def chunk_row_off(i):
      r = row0 + i // cpr
      c = i % cpr
      return r, c

    def in_copy(i, b):
      r, c = chunk_row_off(i)
      return pltpu.make_async_copy(
          x_hbm.at[r, pl.ds(in_off + c * in_chunk, in_chunk)],
          in_v[b].at[pl.ds(0, in_chunk)],
          sin[b],
      )

    def out_copy(i, b):
      r, c = chunk_row_off(i)
      return pltpu.make_async_copy(
          out_v[b].at[pl.ds(0, out_chunk)],
          out_hbm.at[r, pl.ds(out_off + c * out_chunk, out_chunk)],
          sout[b],
      )

    def gather(bi, bo):
      src = in_v[bi]
      dst = out_v[bo]

      @plsc.parallel_loop(0, n_gather, unroll=8)
      def _(j):
        idx = idx0 + j * step
        vals = plsc.load_gather(src, [idx])
        dst[pl.ds(j * 16, 16)] = vals

    def prev_dist(j):
      b = j % D_OUT
      prevs = [jj for jj in range(j) if jj % D_OUT == b]
      if prevs:
        return j - prevs[-1], True
      lasts = [jj for jj in range(d_in) if jj % D_OUT == b]
      return j + d_in - lasts[-1], False

    for j in range(d_in):
      in_copy(j, j).start()

    def loop_body(t, carry):
      for j in range(d_in):
        i = d_in * t + j
        bo = j % D_OUT
        dist, same_iter = prev_dist(j)

        if same_iter:
          out_copy(i - dist, bo).wait()
        else:
          @pl.when(t > 0)
          def _():
            out_copy(i - dist, bo).wait()
        in_copy(i, j).wait()
        gather(j, bo)
        out_copy(i, bo).start()

        @pl.when(t + 1 < iters)
        def _():
          in_copy(i + d_in, j).start()
      return carry

    lax.fori_loop(0, iters, loop_body, 0)
    for b in range(D_OUT):
      j_b = max(jj for jj in range(d_in) if jj % D_OUT == b)
      out_copy(n - d_in + j_b, b).wait()

  in_off, out_off, length = COPY_SEG

  def tail_in(k):
    return pltpu.make_async_copy(
        x_hbm.at[row0 + k, pl.ds(in_off, length)],
        tl_v[k % 2].at[pl.ds(0, length)],
        stl[k % 2],
    )

  def tail_out(k):
    return pltpu.make_async_copy(
        tl_v[k % 2].at[pl.ds(0, length)],
        out_hbm.at[row0 + k, pl.ds(out_off, length)],
        sout[k % 2],
    )

  tail_in(0).start()
  tail_in(1).start()

  run_segment(SEG0)
  run_segment(SEG1)

  tail_in(0).wait()
  tail_out(0).start()
  tail_in(1).wait()
  tail_out(1).start()
  tail_out(0).wait()
  tail_in(2).start()
  tail_out(1).wait()
  tail_in(3).start()
  tail_in(2).wait()
  tail_out(2).start()
  tail_in(3).wait()
  tail_out(3).start()
  tail_out(2).wait()
  tail_out(3).wait()


@jax.jit
def _decimate(x2d):
  mesh = plsc.VectorSubcoreMesh(core_axis_name="c", subcore_axis_name="s")
  f = functools.partial(
      pl.kernel,
      mesh=mesh,
      out_type=jax.ShapeDtypeStruct((ROWS, T_OUT), jnp.float32),
      scratch_types=[
          pltpu.VMEM((IN_BUF,), jnp.float32),
          pltpu.VMEM((IN_BUF,), jnp.float32),
          pltpu.VMEM((IN_BUF,), jnp.float32),
          pltpu.VMEM((IN_BUF,), jnp.float32),
          pltpu.VMEM((IN_BUF,), jnp.float32),
          pltpu.VMEM((OUT_BUF,), jnp.float32),
          pltpu.VMEM((OUT_BUF,), jnp.float32),
          pltpu.VMEM((4096,), jnp.float32),
          pltpu.VMEM((4096,), jnp.float32),
          pltpu.SemaphoreType.DMA,
          pltpu.SemaphoreType.DMA,
          pltpu.SemaphoreType.DMA,
          pltpu.SemaphoreType.DMA,
          pltpu.SemaphoreType.DMA,
          pltpu.SemaphoreType.DMA,
          pltpu.SemaphoreType.DMA,
          pltpu.SemaphoreType.DMA,
          pltpu.SemaphoreType.DMA,
      ],
      compiler_params=pltpu.CompilerParams(needs_layout_passes=False),
  )(_decimator_body)
  return f(x2d)


def kernel(X):
  assert X.shape == (16, 8, T_IN), X.shape
  x2d = X.reshape(ROWS, T_IN)
  out = _decimate(x2d)
  return out.reshape(16, 8, T_OUT)

# --- scband reference (transcript-rebuilt; emitter-appended) ---
"""Pipeline reference for scband-decimator-34265249088270 (READ-ONLY COPY).

The authoritative reference and input builder live on the scoring server;
editing this copy changes nothing except your own understanding.
"""

import jax, jax.numpy as jnp
import numpy as np

SAMPLE_RATE = 2048
SCHEDULE = np.array([[0, 40, 256], [40, 58, 512], [58, 60, 2048]], dtype=np.int64)

def _build_variable_indices():
    idx = np.array([], dtype=np.int64)
    for s in SCHEDULE:
        if idx.size == 0:
            start = int(s[0] * SAMPLE_RATE)
        else:
            start = int(idx[-1]) + int(idx[-1] - idx[-2])
        stop = int(start + (s[1] - s[0]) * SAMPLE_RATE)
        step = int(SAMPLE_RATE // s[2])
        new_idx = np.arange(start, stop, step, dtype=np.int64)
        idx = np.concatenate([idx, new_idx])
    return idx

IDX = jnp.asarray(_build_variable_indices())
EXPECTED_LEN = int((SCHEDULE[-1, 1] - SCHEDULE[0, 0]) * SAMPLE_RATE)

def setup_inputs(seed: int = 0) -> dict:
    key = jax.random.key(seed)
    X = jax.random.normal(key, (16, 8, EXPECTED_LEN), dtype=jnp.float32)
    return {"X": X}

def reference(X):
    # Decimator.forward with split=False: gather along the time axis
    # using the precomputed variable-rate decimation indices.
    assert X.shape[-1] == EXPECTED_LEN
    return jnp.take(X, IDX, axis=-1)

if __name__ == "__main__":
    import jax
    _d = setup_inputs()
    print(jax.jit(kernel)(*tuple(_d.values())))

</pallas_src>

<mosaic_0001>
#map = affine_map<(d0, d1) -> (0, 0)>
module attributes {stable_mosaic.version = 14 : i64} {
  func.func @_decimator_body(%arg0: i32, %arg1: i32, %arg2: memref<128x122880xf32, #tpu.memory_space<hbm>>, %arg3: memref<128x23552xf32, #tpu.memory_space<hbm>>, %arg4: memref<18432xf32, #tpu.memory_space<vmem>>, %arg5: memref<18432xf32, #tpu.memory_space<vmem>>, %arg6: memref<18432xf32, #tpu.memory_space<vmem>>, %arg7: memref<18432xf32, #tpu.memory_space<vmem>>, %arg8: memref<18432xf32, #tpu.memory_space<vmem>>, %arg9: memref<4608xf32, #tpu.memory_space<vmem>>, %arg10: memref<4608xf32, #tpu.memory_space<vmem>>, %arg11: memref<4096xf32, #tpu.memory_space<vmem>>, %arg12: memref<4096xf32, #tpu.memory_space<vmem>>, %arg13: memref<!tpu.dma_semaphore, #tpu.memory_space<semaphore_mem>>, %arg14: memref<!tpu.dma_semaphore, #tpu.memory_space<semaphore_mem>>, %arg15: memref<!tpu.dma_semaphore, #tpu.memory_space<semaphore_mem>>, %arg16: memref<!tpu.dma_semaphore, #tpu.memory_space<semaphore_mem>>, %arg17: memref<!tpu.dma_semaphore, #tpu.memory_space<semaphore_mem>>, %arg18: memref<!tpu.dma_semaphore, #tpu.memory_space<semaphore_mem>>, %arg19: memref<!tpu.dma_semaphore, #tpu.memory_space<semaphore_mem>>, %arg20: memref<!tpu.dma_semaphore, #tpu.memory_space<semaphore_mem>>, %arg21: memref<!tpu.dma_semaphore, #tpu.memory_space<semaphore_mem>>) attributes {dimension_semantics = [#tpu.dimension_semantics<core_parallel>, #tpu.dimension_semantics<subcore_parallel>], iteration_bounds = array<i64: 2, 16>, scalar_prefetch = 0 : i64, scratch_operands = 18 : i64, tpu.core_type = #tpu.core_type<sc_vector_subcore>, window_params = [{transform_indices = #map}, {transform_indices = #map}]} {
    %mul3A = arith.constant 16 : i32
    %mul3A_0 = arith.muli %arg0, %mul3A : i32
    %add3A = arith.addi %mul3A_0, %arg1 : i32
    %mul3A_1 = arith.constant 4 : i32
    %mul3A_2 = arith.muli %add3A, %mul3A_1 : i32
    %iota3A = tpu.iota {dimensions = array<i32: 0>} : vector<16xi32>
    %add3A_3 = arith.constant 0 : i32
    %add3A_4 = arith.addi %mul3A_2, %add3A_3 : i32
    %dma_start3A = arith.constant 0 : i32
    %dma_start3A_5 = tpu.memref_slice %arg11[%dma_start3A] : memref<4096xf32, #tpu.memory_space<vmem>> -> memref<4096xf32, #tpu.memory_space<vmem>>
    %dma_start3A_6 = arith.constant 118784 : i32
    %dma_start3A_7 = tpu.memref_slice %arg2[%add3A_4, %dma_start3A_6] : memref<128x122880xf32, #tpu.memory_space<hbm>> -> memref<1x4096xf32, #tpu.memory_space<hbm>>
    %dma_start3A_8 = tpu.memref_squeeze %dma_start3A_7 : memref<1x4096xf32, #tpu.memory_space<hbm>> -> memref<4096xf32, #tpu.memory_space<hbm>>
    %dma_start3A_9 = arith.constant 0 : i32
    %dma_start3A_10 = tpu.memref_slice %arg11[%dma_start3A_9] : memref<4096xf32, #tpu.memory_space<vmem>> -> memref<4096xf32, #tpu.memory_space<vmem>>
    %dma_start3A_11 = arith.constant 118784 : i32
    %dma_start3A_12 = tpu.memref_slice %arg2[%add3A_4, %dma_start3A_11] : memref<128x122880xf32, #tpu.memory_space<hbm>> -> memref<1x4096xf32, #tpu.memory_space<hbm>>
    %dma_start3A_13 = tpu.memref_squeeze %dma_start3A_12 : memref<1x4096xf32, #tpu.memory_space<hbm>> -> memref<4096xf32, #tpu.memory_space<hbm>>
    tpu.enqueue_dma source(%dma_start3A_13 : memref<4096xf32, #tpu.memory_space<hbm>>) target(%dma_start3A_10 : memref<4096xf32, #tpu.memory_space<vmem>>) target_semaphore(%arg20 : memref<!tpu.dma_semaphore, #tpu.memory_space<semaphore_mem>>)
    %add3A_14 = arith.constant 1 : i32
    %add3A_15 = arith.addi %mul3A_2, %add3A_14 : i32
    %dma_start3A_16 = arith.constant 0 : i32
    %dma_start3A_17 = tpu.memref_slice %arg12[%dma_start3A_16] : memref<4096xf32, #tpu.memory_space<vmem>> -> memref<4096xf32, #tpu.memory_space<vmem>>
    %dma_start3A_18 = arith.constant 118784 : i32
    %dma_start3A_19 = tpu.memref_slice %arg2[%add3A_15, %dma_start3A_18] : memref<128x122880xf32, #tpu.memory_space<hbm>> -> memref<1x4096xf32, #tpu.memory_space<hbm>>
    %dma_start3A_20 = tpu.memref_squeeze %dma_start3A_19 : memref<1x4096xf32, #tpu.memory_space<hbm>> -> memref<4096xf32, #tpu.memory_space<hbm>>
    %dma_start3A_21 = arith.constant 0 : i32
    %dma_start3A_22 = tpu.memref_slice %arg12[%dma_start3A_21] : memref<4096xf32, #tpu.memory_space<vmem>> -> memref<4096xf32, #tpu.memory_space<vmem>>
    %dma_start3A_23 = arith.constant 118784 : i32
    %dma_start3A_24 = tpu.memref_slice %arg2[%add3A_15, %dma_start3A_23] : memref<128x122880xf32, #tpu.memory_space<hbm>> -> memref<1x4096xf32, #tpu.memory_space<hbm>>
    %dma_start3A_25 = tpu.memref_squeeze %dma_start3A_24 : memref<1x4096xf32, #tpu.memory_space<hbm>> -> memref<4096xf32, #tpu.memory_space<hbm>>
    tpu.enqueue_dma source(%dma_start3A_25 : memref<4096xf32, #tpu.memory_space<hbm>>) target(%dma_start3A_22 : memref<4096xf32, #tpu.memory_space<vmem>>) target_semaphore(%arg21 : memref<!tpu.dma_semaphore, #tpu.memory_space<semaphore_mem>>)
    %mul3A_26 = arith.constant 8 : i32
    %mul3A_27 = vector.broadcast %mul3A_26 : i32 to vector<16xi32>
    %mul3A_28 = arith.muli %iota3A, %mul3A_27 : vector<16xi32>
    %add3A_29 = arith.constant 0 : i32
    %add3A_30 = arith.addi %mul3A_2, %add3A_29 : i32
    %dma_start3A_31 = arith.constant 0 : i32
    %dma_start3A_32 = tpu.memref_slice %arg4[%dma_start3A_31] : memref<18432xf32, #tpu.memory_space<vmem>> -> memref<16384xf32, #tpu.memory_space<vmem>>
    %dma_start3A_33 = arith.constant 0 : i32
    %dma_start3A_34 = tpu.memref_slice %arg2[%add3A_30, %dma_start3A_33] : memref<128x122880xf32, #tpu.memory_space<hbm>> -> memref<1x16384xf32, #tpu.memory_space<hbm>>
    %dma_start3A_35 = tpu.memref_squeeze %dma_start3A_34 : memref<1x16384xf32, #tpu.memory_space<hbm>> -> memref<16384xf32, #tpu.memory_space<hbm>>
    %dma_start3A_36 = arith.constant 0 : i32
    %dma_start3A_37 = tpu.memref_slice %arg4[%dma_start3A_36] : memref<18432xf32, #tpu.memory_space<vmem>> -> memref<16384xf32, #tpu.memory_space<vmem>>
    %dma_start3A_38 = arith.constant 0 : i32
    %dma_start3A_39 = tpu.memref_slice %arg2[%add3A_30, %dma_start3A_38] : memref<128x122880xf32, #tpu.memory_space<hbm>> -> memref<1x16384xf32, #tpu.memory_space<hbm>>
    %dma_start3A_40 = tpu.memref_squeeze %dma_start3A_39 : memref<1x16384xf32, #tpu.memory_space<hbm>> -> memref<16384xf32, #tpu.memory_space<hbm>>
    tpu.enqueue_dma source(%dma_start3A_40 : memref<16384xf32, #tpu.memory_space<hbm>>) target(%dma_start3A_37 : memref<16384xf32, #tpu.memory_space<vmem>>) target_semaphore(%arg13 : memref<!tpu.dma_semaphore, #tpu.memory_space<semaphore_mem>>)
    %add3A_41 = arith.constant 0 : i32
    %add3A_42 = arith.addi %mul3A_2, %add3A_41 : i32
    %dma_start3A_43 = arith.constant 0 : i32
    %dma_start3A_44 = tpu.memref_slice %arg5[%dma_start3A_43] : memref<18432xf32, #tpu.memory_space<vmem>> -> memref<16384xf32, #tpu.memory_space<vmem>>
    %dma_start3A_45 = arith.constant 16384 : i32
    %dma_start3A_46 = tpu.memref_slice %arg2[%add3A_42, %dma_start3A_45] : memref<128x122880xf32, #tpu.memory_space<hbm>> -> memref<1x16384xf32, #tpu.memory_space<hbm>>
    %dma_start3A_47 = tpu.memref_squeeze %dma_start3A_46 : memref<1x16384xf32, #tpu.memory_space<hbm>> -> memref<16384xf32, #tpu.memory_space<hbm>>
    %dma_start3A_48 = arith.constant 0 : i32
    %dma_start3A_49 = tpu.memref_slice %arg5[%dma_start3A_48] : memref<18432xf32, #tpu.memory_space<vmem>> -> memref<16384xf32, #tpu.memory_space<vmem>>
    %dma_start3A_50 = arith.constant 16384 : i32
    %dma_start3A_51 = tpu.memref_slice %arg2[%add3A_42, %dma_start3A_50] : memref<128x122880xf32, #tpu.memory_space<hbm>> -> memref<1x16384xf32, #tpu.memory_space<hbm>>
    %dma_start3A_52 = tpu.memref_squeeze %dma_start3A_51 : memref<1x16384xf32, #tpu.memory_space<hbm>> -> memref<16384xf32, #tpu.memory_space<hbm>>
    tpu.enqueue_dma source(%dma_start3A_52 : memref<16384xf32, #tpu.memory_space<hbm>>) target(%dma_start3A_49 : memref<16384xf32, #tpu.memory_space<vmem>>) target_semaphore(%arg14 : memref<!tpu.dma_semaphore, #tpu.memory_space<semaphore_mem>>)
    %add3A_53 = arith.constant 0 : i32
    %add3A_54 = arith.addi %mul3A_2, %add3A_53 : i32
    %dma_start3A_55 = arith.constant 0 : i32
    %dma_start3A_56 = tpu.memref_slice %arg6[%dma_start3A_55] : memref<18432xf32, #tpu.memory_space<vmem>> -> memref<16384xf32, #tpu.memory_space<vmem>>
    %dma_start3A_57 = arith.constant 32768 : i32
    %dma_start3A_58 = tpu.memref_slice %arg2[%add3A_54, %dma_start3A_57] : memref<128x122880xf32, #tpu.memory_space<hbm>> -> memref<1x16384xf32, #tpu.memory_space<hbm>>
    %dma_start3A_59 = tpu.memref_squeeze %dma_start3A_58 : memref<1x16384xf32, #tpu.memory_space<hbm>> -> memref<16384xf32, #tpu.memory_space<hbm>>
    %dma_start3A_60 = arith.constant 0 : i32
    %dma_start3A_61 = tpu.memref_slice %arg6[%dma_start3A_60] : memref<18432xf32, #tpu.memory_space<vmem>> -> memref<16384xf32, #tpu.memory_space<vmem>>
    %dma_start3A_62 = arith.constant 32768 : i32
    %dma_start3A_63 = tpu.memref_slice %arg2[%add3A_54, %dma_start3A_62] : memref<128x122880xf32, #tpu.memory_space<hbm>> -> memref<1x16384xf32, #tpu.memory_space<hbm>>
    %dma_start3A_64 = tpu.memref_squeeze %dma_start3A_63 : memref<1x16384xf32, #tpu.memory_space<hbm>> -> memref<16384xf32, #tpu.memory_space<hbm>>
    tpu.enqueue_dma source(%dma_start3A_64 : memref<16384xf32, #tpu.memory_space<hbm>>) target(%dma_start3A_61 : memref<16384xf32, #tpu.memory_space<vmem>>) target_semaphore(%arg15 : memref<!tpu.dma_semaphore, #tpu.memory_space<semaphore_mem>>)
    %add3A_65 = arith.constant 0 : i32
    %add3A_66 = arith.addi %mul3A_2, %add3A_65 : i32
    %dma_start3A_67 = arith.constant 0 : i32
    %dma_start3A_68 = tpu.memref_slice %arg7[%dma_start3A_67] : memref<18432xf32, #tpu.memory_space<vmem>> -> memref<16384xf32, #tpu.memory_space<vmem>>
    %dma_start3A_69 = arith.constant 49152 : i32
    %dma_start3A_70 = tpu.memref_slice %arg2[%add3A_66, %dma_start3A_69] : memref<128x122880xf32, #tpu.memory_space<hbm>> -> memref<1x16384xf32, #tpu.memory_space<hbm>>
    %dma_start3A_71 = tpu.memref_squeeze %dma_start3A_70 : memref<1x16384xf32, #tpu.memory_space<hbm>> -> memref<16384xf32, #tpu.memory_space<hbm>>
    %dma_start3A_72 = arith.constant 0 : i32
    %dma_start3A_73 = tpu.memref_slice %arg7[%dma_start3A_72] : memref<18432xf32, #tpu.memory_space<vmem>> -> memref<16384xf32, #tpu.memory_space<vmem>>
    %dma_start3A_74 = arith.constant 49152 : i32
    %dma_start3A_75 = tpu.memref_slice %arg2[%add3A_66, %dma_start3A_74] : memref<128x122880xf32, #tpu.memory_space<hbm>> -> memref<1x16384xf32, #tpu.memory_space<hbm>>
    %dma_start3A_76 = tpu.memref_squeeze %dma_start3A_75 : memref<1x16384xf32, #tpu.memory_space<hbm>> -> memref<16384xf32, #tpu.memory_space<hbm>>
    tpu.enqueue_dma source(%dma_start3A_76 : memref<16384xf32, #tpu.memory_space<hbm>>) target(%dma_start3A_73 : memref<16384xf32, #tpu.memory_space<vmem>>) target_semaphore(%arg16 : memref<!tpu.dma_semaphore, #tpu.memory_space<semaphore_mem>>)
    %add3A_77 = arith.constant 0 : i32
    %add3A_78 = arith.addi %mul3A_2, %add3A_77 : i32
    %dma_start3A_79 = arith.constant 0 : i32
    %dma_start3A_80 = tpu.memref_slice %arg8[%dma_start3A_79] : memref<18432xf32, #tpu.memory_space<vmem>> -> memref<16384xf32, #tpu.memory_space<vmem>>
    %dma_start3A_81 = arith.constant 65536 : i32
    %dma_start3A_82 = tpu.memref_slice %arg2[%add3A_78, %dma_start3A_81] : memref<128x122880xf32, #tpu.memory_space<hbm>> -> memref<1x16384xf32, #tpu.memory_space<hbm>>
    %dma_start3A_83 = tpu.memref_squeeze %dma_start3A_82 : memref<1x16384xf32, #tpu.memory_space<hbm>> -> memref<16384xf32, #tpu.memory_space<hbm>>
    %dma_start3A_84 = arith.constant 0 : i32
    %dma_start3A_85 = tpu.memref_slice %arg8[%dma_start3A_84] : memref<18432xf32, #tpu.memory_space<vmem>> -> memref<16384xf32, #tpu.memory_space<vmem>>
    %dma_start3A_86 = arith.constant 65536 : i32
    %dma_start3A_87 = tpu.memref_slice %arg2[%add3A_78, %dma_start3A_86] : memref<128x122880xf32, #tpu.memory_space<hbm>> -> memref<1x16384xf32, #tpu.memory_space<hbm>>
    %dma_start3A_88 = tpu.memref_squeeze %dma_start3A_87 : memref<1x16384xf32, #tpu.memory_space<hbm>> -> memref<16384xf32, #tpu.memory_space<hbm>>
    tpu.enqueue_dma source(%dma_start3A_88 : memref<16384xf32, #tpu.memory_space<hbm>>) target(%dma_start3A_85 : memref<16384xf32, #tpu.memory_space<vmem>>) target_semaphore(%arg17 : memref<!tpu.dma_semaphore, #tpu.memory_space<semaphore_mem>>)
    %scan3A = arith.constant 0 : i32
    %scan3A_89 = arith.constant 0 : i32
    %scan3A_90 = arith.constant 4 : i32
    %scan3A_91 = arith.addi %scan3A_89, %scan3A_90 : i32
    %scan3A_92 = arith.constant 1 : i32
    scf.for %scan3A_366 = %scan3A_89 to %scan3A_91 step %scan3A_92  : i32 {
      %mul3A_367 = arith.constant 5 : i32
      %mul3A_368 = arith.muli %mul3A_367, %scan3A_366 : i32
      %add3A_369 = arith.constant 0 : i32
      %add3A_370 = arith.addi %mul3A_368, %add3A_369 : i32
      %gt3A = arith.constant 0 : i32
      %gt3A_371 = arith.cmpi sgt, %scan3A_366, %gt3A : i32
      %convert_element_type3A = arith.extui %gt3A_371 : i1 to i32
      %cond3A = arith.constant 0 : i32
      %cond3A_372 = arith.cmpi ne, %convert_element_type3A, %cond3A : i32
      scf.if %cond3A_372 {
        %sub3A_1128 = arith.constant 1 : i32
        %sub3A_1129 = arith.subi %add3A_370, %sub3A_1128 : i32
        %jit3A_1130 = arith.constant 5 : i32
        %div3A_1131 = arith.divsi %sub3A_1129, %jit3A_1130 : i32
        %sign3A_1132 = arith.constant 0 : i32
        %sign3A_1133 = arith.cmpi sgt, %sub3A_1129, %sign3A_1132 : i32
        %sign3A_1134 = arith.extui %sign3A_1133 : i1 to i32
        %sign3A_1135 = arith.constant 0 : i32
        %sign3A_1136 = arith.cmpi slt, %sub3A_1129, %sign3A_1135 : i32
        %sign3A_1137 = arith.extui %sign3A_1136 : i1 to i32
        %sign3A_1138 = arith.subi %sign3A_1134, %sign3A_1137 : i32
        %sign3A_1139 = arith.constant 0 : i32
        %sign3A_1140 = arith.cmpi sgt, %jit3A_1130, %sign3A_1139 : i32
        %sign3A_1141 = arith.extui %sign3A_1140 : i1 to i32
        %sign3A_1142 = arith.constant 0 : i32
        %sign3A_1143 = arith.cmpi slt, %jit3A_1130, %sign3A_1142 : i32
        %sign3A_1144 = arith.extui %sign3A_1143 : i1 to i32
        %sign3A_1145 = arith.subi %sign3A_1141, %sign3A_1144 : i32
        %ne3A_1146 = arith.cmpi ne, %sign3A_1138, %sign3A_1145 : i32
        %rem3A_1147 = arith.remsi %sub3A_1129, %jit3A_1130 : i32
        %ne3A_1148 = arith.constant 0 : i32
        %ne3A_1149 = arith.cmpi ne, %rem3A_1147, %ne3A_1148 : i32
        %and3A_1150 = arith.andi %ne3A_1146, %ne3A_1149 : i1
        %sub3A_1151 = arith.constant 1 : i32
        %sub3A_1152 = arith.subi %div3A_1131, %sub3A_1151 : i32
        %select_n3A_1153 = arith.select %and3A_1150, %sub3A_1152, %div3A_1131 : i32
        %add3A_1154 = arith.addi %mul3A_2, %select_n3A_1153 : i32
        %jit3A_1155 = arith.constant 5 : i32
        %eq3A_1156 = arith.constant 0 : i32
        %eq3A_1157 = arith.cmpi eq, %jit3A_1155, %eq3A_1156 : i32
        %jit3A_1158 = arith.constant 1 : i32
        %select_n3A_1159 = arith.select %eq3A_1157, %jit3A_1158, %jit3A_1155 : i32
        %rem3A_1160 = arith.remsi %sub3A_1129, %select_n3A_1159 : i32
        %ne3A_1161 = arith.constant 0 : i32
        %ne3A_1162 = arith.cmpi ne, %rem3A_1160, %ne3A_1161 : i32
        %lt3A_1163 = arith.constant 0 : i32
        %lt3A_1164 = arith.cmpi slt, %rem3A_1160, %lt3A_1163 : i32
        %lt3A_1165 = arith.constant 0 : i32
        %lt3A_1166 = arith.cmpi slt, %select_n3A_1159, %lt3A_1165 : i32
        %ne3A_1167 = arith.xori %lt3A_1164, %lt3A_1166 : i1
        %and3A_1168 = arith.andi %ne3A_1167, %ne3A_1162 : i1
        %add3A_1169 = arith.addi %rem3A_1160, %select_n3A_1159 : i32
        %select_n3A_1170 = arith.select %and3A_1168, %add3A_1169, %rem3A_1160 : i32
        %mul3A_1171 = arith.constant 2048 : i32
        %mul3A_1172 = arith.muli %select_n3A_1170, %mul3A_1171 : i32
        %add3A_1173 = arith.constant 0 : i32
        %add3A_1174 = arith.addi %add3A_1173, %mul3A_1172 : i32
        %dma_wait3A_1175 = arith.constant 0 : i32
        %dma_wait3A_1176 = tpu.memref_slice %arg9[%dma_wait3A_1175] : memref<4608xf32, #tpu.memory_space<vmem>> -> memref<2048xf32, #tpu.memory_space<vmem>>
        %dma_wait3A_1177 = tpu.memref_slice %arg3[%add3A_1154, %add3A_1174] : memref<128x23552xf32, #tpu.memory_space<hbm>> -> memref<1x2048xf32, #tpu.memory_space<hbm>>
        %dma_wait3A_1178 = tpu.memref_squeeze %dma_wait3A_1177 : memref<1x2048xf32, #tpu.memory_space<hbm>> -> memref<2048xf32, #tpu.memory_space<hbm>>
        %dma_wait3A_1179 = tpu.memref_slice %arg3[%add3A_1154, %add3A_1174] : memref<128x23552xf32, #tpu.memory_space<hbm>> -> memref<1x2048xf32, #tpu.memory_space<hbm>>
        %dma_wait3A_1180 = tpu.memref_squeeze %dma_wait3A_1179 : memref<1x2048xf32, #tpu.memory_space<hbm>> -> memref<2048xf32, #tpu.memory_space<hbm>>
        %dma_wait3A_1181 = arith.constant 0 : i32
        %dma_wait3A_1182 = tpu.memref_slice %arg9[%dma_wait3A_1181] : memref<4608xf32, #tpu.memory_space<vmem>> -> memref<2048xf32, #tpu.memory_space<vmem>>
        tpu.wait_dma2 semaphore(%arg18 : memref<!tpu.dma_semaphore, #tpu.memory_space<semaphore_mem>>) src(%dma_wait3A_1182 : memref<2048xf32, #tpu.memory_space<vmem>>) dst(%dma_wait3A_1180 : memref<2048xf32, #tpu.memory_space<hbm>>)
      } else {
      }
      %jit3A = arith.constant 5 : i32
      %div3A = arith.divsi %add3A_370, %jit3A : i32
      %sign3A = arith.constant 0 : i32
      %sign3A_373 = arith.cmpi sgt, %add3A_370, %sign3A : i32
      %sign3A_374 = arith.extui %sign3A_373 : i1 to i32
      %sign3A_375 = arith.constant 0 : i32
      %sign3A_376 = arith.cmpi slt, %add3A_370, %sign3A_375 : i32
      %sign3A_377 = arith.extui %sign3A_376 : i1 to i32
      %sign3A_378 = arith.subi %sign3A_374, %sign3A_377 : i32
      %sign3A_379 = arith.constant 0 : i32
      %sign3A_380 = arith.cmpi sgt, %jit3A, %sign3A_379 : i32
      %sign3A_381 = arith.extui %sign3A_380 : i1 to i32
      %sign3A_382 = arith.constant 0 : i32
      %sign3A_383 = arith.cmpi slt, %jit3A, %sign3A_382 : i32
      %sign3A_384 = arith.extui %sign3A_383 : i1 to i32
      %sign3A_385 = arith.subi %sign3A_381, %sign3A_384 : i32
      %ne3A = arith.cmpi ne, %sign3A_378, %sign3A_385 : i32
      %rem3A = arith.remsi %add3A_370, %jit3A : i32
      %ne3A_386 = arith.constant 0 : i32
      %ne3A_387 = arith.cmpi ne, %rem3A, %ne3A_386 : i32
      %and3A = arith.andi %ne3A, %ne3A_387 : i1
      %sub3A = arith.constant 1 : i32
      %sub3A_388 = arith.subi %div3A, %sub3A : i32
      %select_n3A = arith.select %and3A, %sub3A_388, %div3A : i32
      %add3A_389 = arith.addi %mul3A_2, %select_n3A : i32
      %jit3A_390 = arith.constant 5 : i32
      %eq3A = arith.constant 0 : i32
      %eq3A_391 = arith.cmpi eq, %jit3A_390, %eq3A : i32
      %jit3A_392 = arith.constant 1 : i32
      %select_n3A_393 = arith.select %eq3A_391, %jit3A_392, %jit3A_390 : i32
      %rem3A_394 = arith.remsi %add3A_370, %select_n3A_393 : i32
      %ne3A_395 = arith.constant 0 : i32
      %ne3A_396 = arith.cmpi ne, %rem3A_394, %ne3A_395 : i32
      %lt3A = arith.constant 0 : i32
      %lt3A_397 = arith.cmpi slt, %rem3A_394, %lt3A : i32
      %lt3A_398 = arith.constant 0 : i32
      %lt3A_399 = arith.cmpi slt, %select_n3A_393, %lt3A_398 : i32
      %ne3A_400 = arith.xori %lt3A_397, %lt3A_399 : i1
      %and3A_401 = arith.andi %ne3A_400, %ne3A_396 : i1
      %add3A_402 = arith.addi %rem3A_394, %select_n3A_393 : i32
      %select_n3A_403 = arith.select %and3A_401, %add3A_402, %rem3A_394 : i32
      %mul3A_404 = arith.constant 16384 : i32
      %mul3A_405 = arith.muli %select_n3A_403, %mul3A_404 : i32
      %add3A_406 = arith.constant 0 : i32
      %add3A_407 = arith.addi %add3A_406, %mul3A_405 : i32
      %dma_wait3A_408 = arith.constant 0 : i32
      %dma_wait3A_409 = tpu.memref_slice %arg4[%dma_wait3A_408] : memref<18432xf32, #tpu.memory_space<vmem>> -> memref<16384xf32, #tpu.memory_space<vmem>>
      %dma_wait3A_410 = tpu.memref_slice %arg2[%add3A_389, %add3A_407] : memref<128x122880xf32, #tpu.memory_space<hbm>> -> memref<1x16384xf32, #tpu.memory_space<hbm>>
      %dma_wait3A_411 = tpu.memref_squeeze %dma_wait3A_410 : memref<1x16384xf32, #tpu.memory_space<hbm>> -> memref<16384xf32, #tpu.memory_space<hbm>>
      %dma_wait3A_412 = arith.constant 0 : i32
      %dma_wait3A_413 = tpu.memref_slice %arg4[%dma_wait3A_412] : memref<18432xf32, #tpu.memory_space<vmem>> -> memref<16384xf32, #tpu.memory_space<vmem>>
      %dma_wait3A_414 = tpu.memref_slice %arg2[%add3A_389, %add3A_407] : memref<128x122880xf32, #tpu.memory_space<hbm>> -> memref<1x16384xf32, #tpu.memory_space<hbm>>
      %dma_wait3A_415 = tpu.memref_squeeze %dma_wait3A_414 : memref<1x16384xf32, #tpu.memory_space<hbm>> -> memref<16384xf32, #tpu.memory_space<hbm>>
      tpu.wait_dma2 semaphore(%arg13 : memref<!tpu.dma_semaphore, #tpu.memory_space<semaphore_mem>>) src(%dma_wait3A_415 : memref<16384xf32, #tpu.memory_space<hbm>>) dst(%dma_wait3A_413 : memref<16384xf32, #tpu.memory_space<vmem>>)
      %parallel_loop3A = arith.constant 0 : i32
      %parallel_loop3A_416 = arith.constant 128 : i32
      %parallel_loop3A_417 = arith.constant 1 : i32
      scf.for %parallel_loop3A_1128 = %parallel_loop3A to %parallel_loop3A_416 step %parallel_loop3A_417  : i32 {
        %parallel_loop3A_1129 = arith.constant 128 : i32
        %parallel_loop3A_1130 = arith.muli %parallel_loop3A_1128, %parallel_loop3A_1129 : i32
        %parallel_loop3A_1131 = vector.broadcast %parallel_loop3A_1130 : i32 to vector<16xi32>
        %parallel_loop3A_1132 = arith.addi %mul3A_28, %parallel_loop3A_1131 : vector<16xi32>
        %parallel_loop3A_1133 = tpu.vector_load_idx %arg4[%parallel_loop3A_1132] : memref<18432xf32, #tpu.memory_space<vmem>>[vector<16xi32>], vector<16xf32>,
        %parallel_loop3A_1134 = arith.constant 16 : i32
        %parallel_loop3A_1135 = arith.muli %parallel_loop3A_1128, %parallel_loop3A_1134 : i32
        %parallel_loop3A_1136 = arith.index_cast %parallel_loop3A_1135 : i32 to index
        %parallel_loop3A_1137 = tpu.vector_load %arg9[%parallel_loop3A_1136] {strides = array<i32>} : memref<4608xf32, #tpu.memory_space<vmem>>, vector<16xf32>,
        tpu.vector_store %arg9[%parallel_loop3A_1136], %parallel_loop3A_1133 {strides = array<i32>} : memref<4608xf32, #tpu.memory_space<vmem>>, vector<16xf32>,
      } {sc.loop_unroll_factor = 8 : i64, sc.parallel_access}
      %jit3A_418 = arith.constant 5 : i32
      %div3A_419 = arith.divsi %add3A_370, %jit3A_418 : i32
      %sign3A_420 = arith.constant 0 : i32
      %sign3A_421 = arith.cmpi sgt, %add3A_370, %sign3A_420 : i32
      %sign3A_422 = arith.extui %sign3A_421 : i1 to i32
      %sign3A_423 = arith.constant 0 : i32
      %sign3A_424 = arith.cmpi slt, %add3A_370, %sign3A_423 : i32
      %sign3A_425 = arith.extui %sign3A_424 : i1 to i32
      %sign3A_426 = arith.subi %sign3A_422, %sign3A_425 : i32
      %sign3A_427 = arith.constant 0 : i32
      %sign3A_428 = arith.cmpi sgt, %jit3A_418, %sign3A_427 : i32
      %sign3A_429 = arith.extui %sign3A_428 : i1 to i32
      %sign3A_430 = arith.constant 0 : i32
      %sign3A_431 = arith.cmpi slt, %jit3A_418, %sign3A_430 : i32
      %sign3A_432 = arith.extui %sign3A_431 : i1 to i32
      %sign3A_433 = arith.subi %sign3A_429, %sign3A_432 : i32
      %ne3A_434 = arith.cmpi ne, %sign3A_426, %sign3A_433 : i32
      %rem3A_435 = arith.remsi %add3A_370, %jit3A_418 : i32
      %ne3A_436 = arith.constant 0 : i32
      %ne3A_437 = arith.cmpi ne, %rem3A_435, %ne3A_436 : i32
      %and3A_438 = arith.andi %ne3A_434, %ne3A_437 : i1
      %sub3A_439 = arith.constant 1 : i32
      %sub3A_440 = arith.subi %div3A_419, %sub3A_439 : i32
      %select_n3A_441 = arith.select %and3A_438, %sub3A_440, %div3A_419 : i32
      %add3A_442 = arith.addi %mul3A_2, %select_n3A_441 : i32
      %jit3A_443 = arith.constant 5 : i32
      %eq3A_444 = arith.constant 0 : i32
      %eq3A_445 = arith.cmpi eq, %jit3A_443, %eq3A_444 : i32
      %jit3A_446 = arith.constant 1 : i32
      %select_n3A_447 = arith.select %eq3A_445, %jit3A_446, %jit3A_443 : i32
      %rem3A_448 = arith.remsi %add3A_370, %select_n3A_447 : i32
      %ne3A_449 = arith.constant 0 : i32
      %ne3A_450 = arith.cmpi ne, %rem3A_448, %ne3A_449 : i32
      %lt3A_451 = arith.constant 0 : i32
      %lt3A_452 = arith.cmpi slt, %rem3A_448, %lt3A_451 : i32
      %lt3A_453 = arith.constant 0 : i32
      %lt3A_454 = arith.cmpi slt, %select_n3A_447, %lt3A_453 : i32
      %ne3A_455 = arith.xori %lt3A_452, %lt3A_454 : i1
      %and3A_456 = arith.andi %ne3A_455, %ne3A_450 : i1
      %add3A_457 = arith.addi %rem3A_448, %select_n3A_447 : i32
      %select_n3A_458 = arith.select %and3A_456, %add3A_457, %rem3A_448 : i32
      %mul3A_459 = arith.constant 2048 : i32
      %mul3A_460 = arith.muli %select_n3A_458, %mul3A_459 : i32
      %add3A_461 = arith.constant 0 : i32
      %add3A_462 = arith.addi %add3A_461, %mul3A_460 : i32
      %dma_start3A_463 = arith.constant 0 : i32
      %dma_start3A_464 = tpu.memref_slice %arg9[%dma_start3A_463] : memref<4608xf32, #tpu.memory_space<vmem>> -> memref<2048xf32, #tpu.memory_space<vmem>>
      %dma_start3A_465 = tpu.memref_slice %arg3[%add3A_442, %add3A_462] : memref<128x23552xf32, #tpu.memory_space<hbm>> -> memref<1x2048xf32, #tpu.memory_space<hbm>>
      %dma_start3A_466 = tpu.memref_squeeze %dma_start3A_465 : memref<1x2048xf32, #tpu.memory_space<hbm>> -> memref<2048xf32, #tpu.memory_space<hbm>>
      %dma_start3A_467 = tpu.memref_slice %arg3[%add3A_442, %add3A_462] : memref<128x23552xf32, #tpu.memory_space<hbm>> -> memref<1x2048xf32, #tpu.memory_space<hbm>>
      %dma_start3A_468 = tpu.memref_squeeze %dma_start3A_467 : memref<1x2048xf32, #tpu.memory_space<hbm>> -> memref<2048xf32, #tpu.memory_space<hbm>>
      %dma_start3A_469 = arith.constant 0 : i32
      %dma_start3A_470 = tpu.memref_slice %arg9[%dma_start3A_469] : memref<4608xf32, #tpu.memory_space<vmem>> -> memref<2048xf32, #tpu.memory_space<vmem>>
      tpu.enqueue_dma source(%dma_start3A_470 : memref<2048xf32, #tpu.memory_space<vmem>>) target(%dma_start3A_468 : memref<2048xf32, #tpu.memory_space<hbm>>) target_semaphore(%arg18 : memref<!tpu.dma_semaphore, #tpu.memory_space<semaphore_mem>>)
      %add3A_471 = arith.constant 1 : i32
      %add3A_472 = arith.addi %scan3A_366, %add3A_471 : i32
      %lt3A_473 = arith.constant 4 : i32
      %lt3A_474 = arith.cmpi slt, %add3A_472, %lt3A_473 : i32
      %convert_element_type3A_475 = arith.extui %lt3A_474 : i1 to i32
      %cond3A_476 = arith.constant 0 : i32
      %cond3A_477 = arith.cmpi ne, %convert_element_type3A_475, %cond3A_476 : i32
      scf.if %cond3A_477 {
        %add3A_1128 = arith.constant 5 : i32
        %add3A_1129 = arith.addi %add3A_370, %add3A_1128 : i32
        %jit3A_1130 = arith.constant 5 : i32
        %div3A_1131 = arith.divsi %add3A_1129, %jit3A_1130 : i32
        %sign3A_1132 = arith.constant 0 : i32
        %sign3A_1133 = arith.cmpi sgt, %add3A_1129, %sign3A_1132 : i32
        %sign3A_1134 = arith.extui %sign3A_1133 : i1 to i32
        %sign3A_1135 = arith.constant 0 : i32
        %sign3A_1136 = arith.cmpi slt, %add3A_1129, %sign3A_1135 : i32
        %sign3A_1137 = arith.extui %sign3A_1136 : i1 to i32
        %sign3A_1138 = arith.subi %sign3A_1134, %sign3A_1137 : i32
        %sign3A_1139 = arith.constant 0 : i32
        %sign3A_1140 = arith.cmpi sgt, %jit3A_1130, %sign3A_1139 : i32
        %sign3A_1141 = arith.extui %sign3A_1140 : i1 to i32
        %sign3A_1142 = arith.constant 0 : i32
        %sign3A_1143 = arith.cmpi slt, %jit3A_1130, %sign3A_1142 : i32
        %sign3A_1144 = arith.extui %sign3A_1143 : i1 to i32
        %sign3A_1145 = arith.subi %sign3A_1141, %sign3A_1144 : i32
        %ne3A_1146 = arith.cmpi ne, %sign3A_1138, %sign3A_1145 : i32
        %rem3A_1147 = arith.remsi %add3A_1129, %jit3A_1130 : i32
        %ne3A_1148 = arith.constant 0 : i32
        %ne3A_1149 = arith.cmpi ne, %rem3A_1147, %ne3A_1148 : i32
        %and3A_1150 = arith.andi %ne3A_1146, %ne3A_1149 : i1
        %sub3A_1151 = arith.constant 1 : i32
        %sub3A_1152 = arith.subi %div3A_1131, %sub3A_1151 : i32
        %select_n3A_1153 = arith.select %and3A_1150, %sub3A_1152, %div3A_1131 : i32
        %add3A_1154 = arith.addi %mul3A_2, %select_n3A_1153 : i32
        %jit3A_1155 = arith.constant 5 : i32
        %eq3A_1156 = arith.constant 0 : i32
        %eq3A_1157 = arith.cmpi eq, %jit3A_1155, %eq3A_1156 : i32
        %jit3A_1158 = arith.constant 1 : i32
        %select_n3A_1159 = arith.select %eq3A_1157, %jit3A_1158, %jit3A_1155 : i32
        %rem3A_1160 = arith.remsi %add3A_1129, %select_n3A_1159 : i32
        %ne3A_1161 = arith.constant 0 : i32
        %ne3A_1162 = arith.cmpi ne, %rem3A_1160, %ne3A_1161 : i32
        %lt3A_1163 = arith.constant 0 : i32
        %lt3A_1164 = arith.cmpi slt, %rem3A_1160, %lt3A_1163 : i32
        %lt3A_1165 = arith.constant 0 : i32
        %lt3A_1166 = arith.cmpi slt, %select_n3A_1159, %lt3A_1165 : i32
        %ne3A_1167 = arith.xori %lt3A_1164, %lt3A_1166 : i1
        %and3A_1168 = arith.andi %ne3A_1167, %ne3A_1162 : i1
        %add3A_1169 = arith.addi %rem3A_1160, %select_n3A_1159 : i32
        %select_n3A_1170 = arith.select %and3A_1168, %add3A_1169, %rem3A_1160 : i32
        %mul3A_1171 = arith.constant 16384 : i32
        %mul3A_1172 = arith.muli %select_n3A_1170, %mul3A_1171 : i32
        %add3A_1173 = arith.constant 0 : i32
        %add3A_1174 = arith.addi %add3A_1173, %mul3A_1172 : i32
        %dma_start3A_1175 = arith.constant 0 : i32
        %dma_start3A_1176 = tpu.memref_slice %arg4[%dma_start3A_1175] : memref<18432xf32, #tpu.memory_space<vmem>> -> memref<16384xf32, #tpu.memory_space<vmem>>
        %dma_start3A_1177 = tpu.memref_slice %arg2[%add3A_1154, %add3A_1174] : memref<128x122880xf32, #tpu.memory_space<hbm>> -> memref<1x16384xf32, #tpu.memory_space<hbm>>
        %dma_start3A_1178 = tpu.memref_squeeze %dma_start3A_1177 : memref<1x16384xf32, #tpu.memory_space<hbm>> -> memref<16384xf32, #tpu.memory_space<hbm>>
        %dma_start3A_1179 = arith.constant 0 : i32
        %dma_start3A_1180 = tpu.memref_slice %arg4[%dma_start3A_1179] : memref<18432xf32, #tpu.memory_space<vmem>> -> memref<16384xf32, #tpu.memory_space<vmem>>
        %dma_start3A_1181 = tpu.memref_slice %arg2[%add3A_1154, %add3A_1174] : memref<128x122880xf32, #tpu.memory_space<hbm>> -> memref<1x16384xf32, #tpu.memory_space<hbm>>
        %dma_start3A_1182 = tpu.memref_squeeze %dma_start3A_1181 : memref<1x16384xf32, #tpu.memory_space<hbm>> -> memref<16384xf32, #tpu.memory_space<hbm>>
        tpu.enqueue_dma source(%dma_start3A_1182 : memref<16384xf32, #tpu.memory_space<hbm>>) target(%dma_start3A_1180 : memref<16384xf32, #tpu.memory_space<vmem>>) target_semaphore(%arg13 : memref<!tpu.dma_semaphore, #tpu.memory_space<semaphore_mem>>)
      } else {
      }
      %mul3A_478 = arith.constant 5 : i32
      %mul3A_479 = arith.muli %mul3A_478, %scan3A_366 : i32
      %add3A_480 = arith.constant 1 : i32
      %add3A_481 = arith.addi %mul3A_479, %add3A_480 : i32
      %gt3A_482 = arith.constant 0 : i32
      %gt3A_483 = arith.cmpi sgt, %scan3A_366, %gt3A_482 : i32
      %convert_element_type3A_484 = arith.extui %gt3A_483 : i1 to i32
      %cond3A_485 = arith.constant 0 : i32
      %cond3A_486 = arith.cmpi ne, %convert_element_type3A_484, %cond3A_485 : i32
      scf.if %cond3A_486 {
        %sub3A_1128 = arith.constant 3 : i32
        %sub3A_1129 = arith.subi %add3A_481, %sub3A_1128 : i32
        %jit3A_1130 = arith.constant 5 : i32
        %div3A_1131 = arith.divsi %sub3A_1129, %jit3A_1130 : i32
        %sign3A_1132 = arith.constant 0 : i32
        %sign3A_1133 = arith.cmpi sgt, %sub3A_1129, %sign3A_1132 : i32
        %sign3A_1134 = arith.extui %sign3A_1133 : i1 to i32
        %sign3A_1135 = arith.constant 0 : i32
        %sign3A_1136 = arith.cmpi slt, %sub3A_1129, %sign3A_1135 : i32
        %sign3A_1137 = arith.extui %sign3A_1136 : i1 to i32
        %sign3A_1138 = arith.subi %sign3A_1134, %sign3A_1137 : i32
        %sign3A_1139 = arith.constant 0 : i32
        %sign3A_1140 = arith.cmpi sgt, %jit3A_1130, %sign3A_1139 : i32
        %sign3A_1141 = arith.extui %sign3A_1140 : i1 to i32
        %sign3A_1142 = arith.constant 0 : i32
        %sign3A_1143 = arith.cmpi slt, %jit3A_1130, %sign3A_1142 : i32
        %sign3A_1144 = arith.extui %sign3A_1143 : i1 to i32
        %sign3A_1145 = arith.subi %sign3A_1141, %sign3A_1144 : i32
        %ne3A_1146 = arith.cmpi ne, %sign3A_1138, %sign3A_1145 : i32
        %rem3A_1147 = arith.remsi %sub3A_1129, %jit3A_1130 : i32
        %ne3A_1148 = arith.constant 0 : i32
        %ne3A_1149 = arith.cmpi ne, %rem3A_1147, %ne3A_1148 : i32
        %and3A_1150 = arith.andi %ne3A_1146, %ne3A_1149 : i1
        %sub3A_1151 = arith.constant 1 : i32
        %sub3A_1152 = arith.subi %div3A_1131, %sub3A_1151 : i32
        %select_n3A_1153 = arith.select %and3A_1150, %sub3A_1152, %div3A_1131 : i32
        %add3A_1154 = arith.addi %mul3A_2, %select_n3A_1153 : i32
        %jit3A_1155 = arith.constant 5 : i32
        %eq3A_1156 = arith.constant 0 : i32
        %eq3A_1157 = arith.cmpi eq, %jit3A_1155, %eq3A_1156 : i32
        %jit3A_1158 = arith.constant 1 : i32
        %select_n3A_1159 = arith.select %eq3A_1157, %jit3A_1158, %jit3A_1155 : i32
        %rem3A_1160 = arith.remsi %sub3A_1129, %select_n3A_1159 : i32
        %ne3A_1161 = arith.constant 0 : i32
        %ne3A_1162 = arith.cmpi ne, %rem3A_1160, %ne3A_1161 : i32
        %lt3A_1163 = arith.constant 0 : i32
        %lt3A_1164 = arith.cmpi slt, %rem3A_1160, %lt3A_1163 : i32
        %lt3A_1165 = arith.constant 0 : i32
        %lt3A_1166 = arith.cmpi slt, %select_n3A_1159, %lt3A_1165 : i32
        %ne3A_1167 = arith.xori %lt3A_1164, %lt3A_1166 : i1
        %and3A_1168 = arith.andi %ne3A_1167, %ne3A_1162 : i1
        %add3A_1169 = arith.addi %rem3A_1160, %select_n3A_1159 : i32
        %select_n3A_1170 = arith.select %and3A_1168, %add3A_1169, %rem3A_1160 : i32
        %mul3A_1171 = arith.constant 2048 : i32
        %mul3A_1172 = arith.muli %select_n3A_1170, %mul3A_1171 : i32
        %add3A_1173 = arith.constant 0 : i32
        %add3A_1174 = arith.addi %add3A_1173, %mul3A_1172 : i32
        %dma_wait3A_1175 = arith.constant 0 : i32
        %dma_wait3A_1176 = tpu.memref_slice %arg10[%dma_wait3A_1175] : memref<4608xf32, #tpu.memory_space<vmem>> -> memref<2048xf32, #tpu.memory_space<vmem>>
        %dma_wait3A_1177 = tpu.memref_slice %arg3[%add3A_1154, %add3A_1174] : memref<128x23552xf32, #tpu.memory_space<hbm>> -> memref<1x2048xf32, #tpu.memory_space<hbm>>
        %dma_wait3A_1178 = tpu.memref_squeeze %dma_wait3A_1177 : memref<1x2048xf32, #tpu.memory_space<hbm>> -> memref<2048xf32, #tpu.memory_space<hbm>>
        %dma_wait3A_1179 = tpu.memref_slice %arg3[%add3A_1154, %add3A_1174] : memref<128x23552xf32, #tpu.memory_space<hbm>> -> memref<1x2048xf32, #tpu.memory_space<hbm>>
        %dma_wait3A_1180 = tpu.memref_squeeze %dma_wait3A_1179 : memref<1x2048xf32, #tpu.memory_space<hbm>> -> memref<2048xf32, #tpu.memory_space<hbm>>
        %dma_wait3A_1181 = arith.constant 0 : i32
        %dma_wait3A_1182 = tpu.memref_slice %arg10[%dma_wait3A_1181] : memref<4608xf32, #tpu.memory_space<vmem>> -> memref<2048xf32, #tpu.memory_space<vmem>>
        tpu.wait_dma2 semaphore(%arg19 : memref<!tpu.dma_semaphore, #tpu.memory_space<semaphore_mem>>) src(%dma_wait3A_1182 : memref<2048xf32, #tpu.memory_space<vmem>>) dst(%dma_wait3A_1180 : memref<2048xf32, #tpu.memory_space<hbm>>)
      } else {
      }
      %jit3A_487 = arith.constant 5 : i32
      %div3A_488 = arith.divsi %add3A_481, %jit3A_487 : i32
      %sign3A_489 = arith.constant 0 : i32
      %sign3A_490 = arith.cmpi sgt, %add3A_481, %sign3A_489 : i32
      %sign3A_491 = arith.extui %sign3A_490 : i1 to i32
      %sign3A_492 = arith.constant 0 : i32
      %sign3A_493 = arith.cmpi slt, %add3A_481, %sign3A_492 : i32
      %sign3A_494 = arith.extui %sign3A_493 : i1 to i32
      %sign3A_495 = arith.subi %sign3A_491, %sign3A_494 : i32
      %sign3A_496 = arith.constant 0 : i32
      %sign3A_497 = arith.cmpi sgt, %jit3A_487, %sign3A_496 : i32
      %sign3A_498 = arith.extui %sign3A_497 : i1 to i32
      %sign3A_499 = arith.constant 0 : i32
      %sign3A_500 = arith.cmpi slt, %jit3A_487, %sign3A_499 : i32
      %sign3A_501 = arith.extui %sign3A_500 : i1 to i32
      %sign3A_502 = arith.subi %sign3A_498, %sign3A_501 : i32
      %ne3A_503 = arith.cmpi ne, %sign3A_495, %sign3A_502 : i32
      %rem3A_504 = arith.remsi %add3A_481, %jit3A_487 : i32
      %ne3A_505 = arith.constant 0 : i32
      %ne3A_506 = arith.cmpi ne, %rem3A_504, %ne3A_505 : i32
      %and3A_507 = arith.andi %ne3A_503, %ne3A_506 : i1
      %sub3A_508 = arith.constant 1 : i32
      %sub3A_509 = arith.subi %div3A_488, %sub3A_508 : i32
      %select_n3A_510 = arith.select %and3A_507, %sub3A_509, %div3A_488 : i32
      %add3A_511 = arith.addi %mul3A_2, %select_n3A_510 : i32
      %jit3A_512 = arith.constant 5 : i32
      %eq3A_513 = arith.constant 0 : i32
      %eq3A_514 = arith.cmpi eq, %jit3A_512, %eq3A_513 : i32
      %jit3A_515 = arith.constant 1 : i32
      %select_n3A_516 = arith.select %eq3A_514, %jit3A_515, %jit3A_512 : i32
      %rem3A_517 = arith.remsi %add3A_481, %select_n3A_516 : i32
      %ne3A_518 = arith.constant 0 : i32
      %ne3A_519 = arith.cmpi ne, %rem3A_517, %ne3A_518 : i32
      %lt3A_520 = arith.constant 0 : i32
      %lt3A_521 = arith.cmpi slt, %rem3A_517, %lt3A_520 : i32
      %lt3A_522 = arith.constant 0 : i32
      %lt3A_523 = arith.cmpi slt, %select_n3A_516, %lt3A_522 : i32
      %ne3A_524 = arith.xori %lt3A_521, %lt3A_523 : i1
      %and3A_525 = arith.andi %ne3A_524, %ne3A_519 : i1
      %add3A_526 = arith.addi %rem3A_517, %select_n3A_516 : i32
      %select_n3A_527 = arith.select %and3A_525, %add3A_526, %rem3A_517 : i32
      %mul3A_528 = arith.constant 16384 : i32
      %mul3A_529 = arith.muli %select_n3A_527, %mul3A_528 : i32
      %add3A_530 = arith.constant 0 : i32
      %add3A_531 = arith.addi %add3A_530, %mul3A_529 : i32
      %dma_wait3A_532 = arith.constant 0 : i32
      %dma_wait3A_533 = tpu.memref_slice %arg5[%dma_wait3A_532] : memref<18432xf32, #tpu.memory_space<vmem>> -> memref<16384xf32, #tpu.memory_space<vmem>>
      %dma_wait3A_534 = tpu.memref_slice %arg2[%add3A_511, %add3A_531] : memref<128x122880xf32, #tpu.memory_space<hbm>> -> memref<1x16384xf32, #tpu.memory_space<hbm>>
      %dma_wait3A_535 = tpu.memref_squeeze %dma_wait3A_534 : memref<1x16384xf32, #tpu.memory_space<hbm>> -> memref<16384xf32, #tpu.memory_space<hbm>>
      %dma_wait3A_536 = arith.constant 0 : i32
      %dma_wait3A_537 = tpu.memref_slice %arg5[%dma_wait3A_536] : memref<18432xf32, #tpu.memory_space<vmem>> -> memref<16384xf32, #tpu.memory_space<vmem>>
      %dma_wait3A_538 = tpu.memref_slice %arg2[%add3A_511, %add3A_531] : memref<128x122880xf32, #tpu.memory_space<hbm>> -> memref<1x16384xf32, #tpu.memory_space<hbm>>
      %dma_wait3A_539 = tpu.memref_squeeze %dma_wait3A_538 : memref<1x16384xf32, #tpu.memory_space<hbm>> -> memref<16384xf32, #tpu.memory_space<hbm>>
      tpu.wait_dma2 semaphore(%arg14 : memref<!tpu.dma_semaphore, #tpu.memory_space<semaphore_mem>>) src(%dma_wait3A_539 : memref<16384xf32, #tpu.memory_space<hbm>>) dst(%dma_wait3A_537 : memref<16384xf32, #tpu.memory_space<vmem>>)
      %parallel_loop3A_540 = arith.constant 0 : i32
      %parallel_loop3A_541 = arith.constant 128 : i32
      %parallel_loop3A_542 = arith.constant 1 : i32
      scf.for %parallel_loop3A_1128 = %parallel_loop3A_540 to %parallel_loop3A_541 step %parallel_loop3A_542  : i32 {
        %parallel_loop3A_1129 = arith.constant 128 : i32
        %parallel_loop3A_1130 = arith.muli %parallel_loop3A_1128, %parallel_loop3A_1129 : i32
        %parallel_loop3A_1131 = vector.broadcast %parallel_loop3A_1130 : i32 to vector<16xi32>
        %parallel_loop3A_1132 = arith.addi %mul3A_28, %parallel_loop3A_1131 : vector<16xi32>
        %parallel_loop3A_1133 = tpu.vector_load_idx %arg5[%parallel_loop3A_1132] : memref<18432xf32, #tpu.memory_space<vmem>>[vector<16xi32>], vector<16xf32>,
        %parallel_loop3A_1134 = arith.constant 16 : i32
        %parallel_loop3A_1135 = arith.muli %parallel_loop3A_1128, %parallel_loop3A_1134 : i32
        %parallel_loop3A_1136 = arith.index_cast %parallel_loop3A_1135 : i32 to index
        %parallel_loop3A_1137 = tpu.vector_load %arg10[%parallel_loop3A_1136] {strides = array<i32>} : memref<4608xf32, #tpu.memory_space<vmem>>, vector<16xf32>,
        tpu.vector_store %arg10[%parallel_loop3A_1136], %parallel_loop3A_1133 {strides = array<i32>} : memref<4608xf32, #tpu.memory_space<vmem>>, vector<16xf32>,
      } {sc.loop_unroll_factor = 8 : i64, sc.parallel_access}
      %jit3A_543 = arith.constant 5 : i32
      %div3A_544 = arith.divsi %add3A_481, %jit3A_543 : i32
      %sign3A_545 = arith.constant 0 : i32
      %sign3A_546 = arith.cmpi sgt, %add3A_481, %sign3A_545 : i32
      %sign3A_547 = arith.extui %sign3A_546 : i1 to i32
      %sign3A_548 = arith.constant 0 : i32
      %sign3A_549 = arith.cmpi slt, %add3A_481, %sign3A_548 : i32
      %sign3A_550 = arith.extui %sign3A_549 : i1 to i32
      %sign3A_551 = arith.subi %sign3A_547, %sign3A_550 : i32
      %sign3A_552 = arith.constant 0 : i32
      %sign3A_553 = arith.cmpi sgt, %jit3A_543, %sign3A_552 : i32
      %sign3A_554 = arith.extui %sign3A_553 : i1 to i32
      %sign3A_555 = arith.constant 0 : i32
      %sign3A_556 = arith.cmpi slt, %jit3A_543, %sign3A_555 : i32
      %sign3A_557 = arith.extui %sign3A_556 : i1 to i32
      %sign3A_558 = arith.subi %sign3A_554, %sign3A_557 : i32
      %ne3A_559 = arith.cmpi ne, %sign3A_551, %sign3A_558 : i32
      %rem3A_560 = arith.remsi %add3A_481, %jit3A_543 : i32
      %ne3A_561 = arith.constant 0 : i32
      %ne3A_562 = arith.cmpi ne, %rem3A_560, %ne3A_561 : i32
      %and3A_563 = arith.andi %ne3A_559, %ne3A_562 : i1
      %sub3A_564 = arith.constant 1 : i32
      %sub3A_565 = arith.subi %div3A_544, %sub3A_564 : i32
      %select_n3A_566 = arith.select %and3A_563, %sub3A_565, %div3A_544 : i32
      %add3A_567 = arith.addi %mul3A_2, %select_n3A_566 : i32
      %jit3A_568 = arith.constant 5 : i32
      %eq3A_569 = arith.constant 0 : i32
      %eq3A_570 = arith.cmpi eq, %jit3A_568, %eq3A_569 : i32
      %jit3A_571 = arith.constant 1 : i32
      %select_n3A_572 = arith.select %eq3A_570, %jit3A_571, %jit3A_568 : i32
      %rem3A_573 = arith.remsi %add3A_481, %select_n3A_572 : i32
      %ne3A_574 = arith.constant 0 : i32
      %ne3A_575 = arith.cmpi ne, %rem3A_573, %ne3A_574 : i32
      %lt3A_576 = arith.constant 0 : i32
      %lt3A_577 = arith.cmpi slt, %rem3A_573, %lt3A_576 : i32
      %lt3A_578 = arith.constant 0 : i32
      %lt3A_579 = arith.cmpi slt, %select_n3A_572, %lt3A_578 : i32
      %ne3A_580 = arith.xori %lt3A_577, %lt3A_579 : i1
      %and3A_581 = arith.andi %ne3A_580, %ne3A_575 : i1
      %add3A_582 = arith.addi %rem3A_573, %select_n3A_572 : i32
      %select_n3A_583 = arith.select %and3A_581, %add3A_582, %rem3A_573 : i32
      %mul3A_584 = arith.constant 2048 : i32
      %mul3A_585 = arith.muli %select_n3A_583, %mul3A_584 : i32
      %add3A_586 = arith.constant 0 : i32
      %add3A_587 = arith.addi %add3A_586, %mul3A_585 : i32
      %dma_start3A_588 = arith.constant 0 : i32
      %dma_start3A_589 = tpu.memref_slice %arg10[%dma_start3A_588] : memref<4608xf32, #tpu.memory_space<vmem>> -> memref<2048xf32, #tpu.memory_space<vmem>>
      %dma_start3A_590 = tpu.memref_slice %arg3[%add3A_567, %add3A_587] : memref<128x23552xf32, #tpu.memory_space<hbm>> -> memref<1x2048xf32, #tpu.memory_space<hbm>>
      %dma_start3A_591 = tpu.memref_squeeze %dma_start3A_590 : memref<1x2048xf32, #tpu.memory_space<hbm>> -> memref<2048xf32, #tpu.memory_space<hbm>>
      %dma_start3A_592 = tpu.memref_slice %arg3[%add3A_567, %add3A_587] : memref<128x23552xf32, #tpu.memory_space<hbm>> -> memref<1x2048xf32, #tpu.memory_space<hbm>>
      %dma_start3A_593 = tpu.memref_squeeze %dma_start3A_592 : memref<1x2048xf32, #tpu.memory_space<hbm>> -> memref<2048xf32, #tpu.memory_space<hbm>>
      %dma_start3A_594 = arith.constant 0 : i32
      %dma_start3A_595 = tpu.memref_slice %arg10[%dma_start3A_594] : memref<4608xf32, #tpu.memory_space<vmem>> -> memref<2048xf32, #tpu.memory_space<vmem>>
      tpu.enqueue_dma source(%dma_start3A_595 : memref<2048xf32, #tpu.memory_space<vmem>>) target(%dma_start3A_593 : memref<2048xf32, #tpu.memory_space<hbm>>) target_semaphore(%arg19 : memref<!tpu.dma_semaphore, #tpu.memory_space<semaphore_mem>>)
      %add3A_596 = arith.constant 1 : i32
      %add3A_597 = arith.addi %scan3A_366, %add3A_596 : i32
      %lt3A_598 = arith.constant 4 : i32
      %lt3A_599 = arith.cmpi slt, %add3A_597, %lt3A_598 : i32
      %convert_element_type3A_600 = arith.extui %lt3A_599 : i1 to i32
      %cond3A_601 = arith.constant 0 : i32
      %cond3A_602 = arith.cmpi ne, %convert_element_type3A_600, %cond3A_601 : i32
      scf.if %cond3A_602 {
        %add3A_1128 = arith.constant 5 : i32
        %add3A_1129 = arith.addi %add3A_481, %add3A_1128 : i32
        %jit3A_1130 = arith.constant 5 : i32
        %div3A_1131 = arith.divsi %add3A_1129, %jit3A_1130 : i32
        %sign3A_1132 = arith.constant 0 : i32
        %sign3A_1133 = arith.cmpi sgt, %add3A_1129, %sign3A_1132 : i32
        %sign3A_1134 = arith.extui %sign3A_1133 : i1 to i32
        %sign3A_1135 = arith.constant 0 : i32
        %sign3A_1136 = arith.cmpi slt, %add3A_1129, %sign3A_1135 : i32
        %sign3A_1137 = arith.extui %sign3A_1136 : i1 to i32
        %sign3A_1138 = arith.subi %sign3A_1134, %sign3A_1137 : i32
        %sign3A_1139 = arith.constant 0 : i32
        %sign3A_1140 = arith.cmpi sgt, %jit3A_1130, %sign3A_1139 : i32
        %sign3A_1141 = arith.extui %sign3A_1140 : i1 to i32
        %sign3A_1142 = arith.constant 0 : i32
        %sign3A_1143 = arith.cmpi slt, %jit3A_1130, %sign3A_1142 : i32
        %sign3A_1144 = arith.extui %sign3A_1143 : i1 to i32
        %sign3A_1145 = arith.subi %sign3A_1141, %sign3A_1144 : i32
        %ne3A_1146 = arith.cmpi ne, %sign3A_1138, %sign3A_1145 : i32
        %rem3A_1147 = arith.remsi %add3A_1129, %jit3A_1130 : i32
        %ne3A_1148 = arith.constant 0 : i32
        %ne3A_1149 = arith.cmpi ne, %rem3A_1147, %ne3A_1148 : i32
        %and3A_1150 = arith.andi %ne3A_1146, %ne3A_1149 : i1
        %sub3A_1151 = arith.constant 1 : i32
        %sub3A_1152 = arith.subi %div3A_1131, %sub3A_1151 : i32
        %select_n3A_1153 = arith.select %and3A_1150, %sub3A_1152, %div3A_1131 : i32
        %add3A_1154 = arith.addi %mul3A_2, %select_n3A_1153 : i32
        %jit3A_1155 = arith.constant 5 : i32
        %eq3A_1156 = arith.constant 0 : i32
        %eq3A_1157 = arith.cmpi eq, %jit3A_1155, %eq3A_1156 : i32
        %jit3A_1158 = arith.constant 1 : i32
        %select_n3A_1159 = arith.select %eq3A_1157, %jit3A_1158, %jit3A_1155 : i32
        %rem3A_1160 = arith.remsi %add3A_1129, %select_n3A_1159 : i32
        %ne3A_1161 = arith.constant 0 : i32
        %ne3A_1162 = arith.cmpi ne, %rem3A_1160, %ne3A_1161 : i32
        %lt3A_1163 = arith.constant 0 : i32
        %lt3A_1164 = arith.cmpi slt, %rem3A_1160, %lt3A_1163 : i32
        %lt3A_1165 = arith.constant 0 : i32
        %lt3A_1166 = arith.cmpi slt, %select_n3A_1159, %lt3A_1165 : i32
        %ne3A_1167 = arith.xori %lt3A_1164, %lt3A_1166 : i1
        %and3A_1168 = arith.andi %ne3A_1167, %ne3A_1162 : i1
        %add3A_1169 = arith.addi %rem3A_1160, %select_n3A_1159 : i32
        %select_n3A_1170 = arith.select %and3A_1168, %add3A_1169, %rem3A_1160 : i32
        %mul3A_1171 = arith.constant 16384 : i32
        %mul3A_1172 = arith.muli %select_n3A_1170, %mul3A_1171 : i32
        %add3A_1173 = arith.constant 0 : i32
        %add3A_1174 = arith.addi %add3A_1173, %mul3A_1172 : i32
        %dma_start3A_1175 = arith.constant 0 : i32
        %dma_start3A_1176 = tpu.memref_slice %arg5[%dma_start3A_1175] : memref<18432xf32, #tpu.memory_space<vmem>> -> memref<16384xf32, #tpu.memory_space<vmem>>
        %dma_start3A_1177 = tpu.memref_slice %arg2[%add3A_1154, %add3A_1174] : memref<128x122880xf32, #tpu.memory_space<hbm>> -> memref<1x16384xf32, #tpu.memory_space<hbm>>
        %dma_start3A_1178 = tpu.memref_squeeze %dma_start3A_1177 : memref<1x16384xf32, #tpu.memory_space<hbm>> -> memref<16384xf32, #tpu.memory_space<hbm>>
        %dma_start3A_1179 = arith.constant 0 : i32
        %dma_start3A_1180 = tpu.memref_slice %arg5[%dma_start3A_1179] : memref<18432xf32, #tpu.memory_space<vmem>> -> memref<16384xf32, #tpu.memory_space<vmem>>
        %dma_start3A_1181 = tpu.memref_slice %arg2[%add3A_1154, %add3A_1174] : memref<128x122880xf32, #tpu.memory_space<hbm>> -> memref<1x16384xf32, #tpu.memory_space<hbm>>
        %dma_start3A_1182 = tpu.memref_squeeze %dma_start3A_1181 : memref<1x16384xf32, #tpu.memory_space<hbm>> -> memref<16384xf32, #tpu.memory_space<hbm>>
        tpu.enqueue_dma source(%dma_start3A_1182 : memref<16384xf32, #tpu.memory_space<hbm>>) target(%dma_start3A_1180 : memref<16384xf32, #tpu.memory_space<vmem>>) target_semaphore(%arg14 : memref<!tpu.dma_semaphore, #tpu.memory_space<semaphore_mem>>)
      } else {
      }
      %mul3A_603 = arith.constant 5 : i32
      %mul3A_604 = arith.muli %mul3A_603, %scan3A_366 : i32
      %add3A_605 = arith.constant 2 : i32
      %add3A_606 = arith.addi %mul3A_604, %add3A_605 : i32
      %sub3A_607 = arith.constant 2 : i32
      %sub3A_608 = arith.subi %add3A_606, %sub3A_607 : i32
      %jit3A_609 = arith.constant 5 : i32
      %div3A_610 = arith.divsi %sub3A_608, %jit3A_609 : i32
      %sign3A_611 = arith.constant 0 : i32
      %sign3A_612 = arith.cmpi sgt, %sub3A_608, %sign3A_611 : i32
      %sign3A_613 = arith.extui %sign3A_612 : i1 to i32
      %sign3A_614 = arith.constant 0 : i32
      %sign3A_615 = arith.cmpi slt, %sub3A_608, %sign3A_614 : i32
      %sign3A_616 = arith.extui %sign3A_615 : i1 to i32
      %sign3A_617 = arith.subi %sign3A_613, %sign3A_616 : i32
      %sign3A_618 = arith.constant 0 : i32
      %sign3A_619 = arith.cmpi sgt, %jit3A_609, %sign3A_618 : i32
      %sign3A_620 = arith.extui %sign3A_619 : i1 to i32
      %sign3A_621 = arith.constant 0 : i32
      %sign3A_622 = arith.cmpi slt, %jit3A_609, %sign3A_621 : i32
      %sign3A_623 = arith.extui %sign3A_622 : i1 to i32
      %sign3A_624 = arith.subi %sign3A_620, %sign3A_623 : i32
      %ne3A_625 = arith.cmpi ne, %sign3A_617, %sign3A_624 : i32
      %rem3A_626 = arith.remsi %sub3A_608, %jit3A_609 : i32
      %ne3A_627 = arith.constant 0 : i32
      %ne3A_628 = arith.cmpi ne, %rem3A_626, %ne3A_627 : i32
      %and3A_629 = arith.andi %ne3A_625, %ne3A_628 : i1
      %sub3A_630 = arith.constant 1 : i32
      %sub3A_631 = arith.subi %div3A_610, %sub3A_630 : i32
      %select_n3A_632 = arith.select %and3A_629, %sub3A_631, %div3A_610 : i32
      %add3A_633 = arith.addi %mul3A_2, %select_n3A_632 : i32
      %jit3A_634 = arith.constant 5 : i32
      %eq3A_635 = arith.constant 0 : i32
      %eq3A_636 = arith.cmpi eq, %jit3A_634, %eq3A_635 : i32
      %jit3A_637 = arith.constant 1 : i32
      %select_n3A_638 = arith.select %eq3A_636, %jit3A_637, %jit3A_634 : i32
      %rem3A_639 = arith.remsi %sub3A_608, %select_n3A_638 : i32
      %ne3A_640 = arith.constant 0 : i32
      %ne3A_641 = arith.cmpi ne, %rem3A_639, %ne3A_640 : i32
      %lt3A_642 = arith.constant 0 : i32
      %lt3A_643 = arith.cmpi slt, %rem3A_639, %lt3A_642 : i32
      %lt3A_644 = arith.constant 0 : i32
      %lt3A_645 = arith.cmpi slt, %select_n3A_638, %lt3A_644 : i32
      %ne3A_646 = arith.xori %lt3A_643, %lt3A_645 : i1
      %and3A_647 = arith.andi %ne3A_646, %ne3A_641 : i1
      %add3A_648 = arith.addi %rem3A_639, %select_n3A_638 : i32
      %select_n3A_649 = arith.select %and3A_647, %add3A_648, %rem3A_639 : i32
      %mul3A_650 = arith.constant 2048 : i32
      %mul3A_651 = arith.muli %select_n3A_649, %mul3A_650 : i32
      %add3A_652 = arith.constant 0 : i32
      %add3A_653 = arith.addi %add3A_652, %mul3A_651 : i32
      %dma_wait3A_654 = arith.constant 0 : i32
      %dma_wait3A_655 = tpu.memref_slice %arg9[%dma_wait3A_654] : memref<4608xf32, #tpu.memory_space<vmem>> -> memref<2048xf32, #tpu.memory_space<vmem>>
      %dma_wait3A_656 = tpu.memref_slice %arg3[%add3A_633, %add3A_653] : memref<128x23552xf32, #tpu.memory_space<hbm>> -> memref<1x2048xf32, #tpu.memory_space<hbm>>
      %dma_wait3A_657 = tpu.memref_squeeze %dma_wait3A_656 : memref<1x2048xf32, #tpu.memory_space<hbm>> -> memref<2048xf32, #tpu.memory_space<hbm>>
      %dma_wait3A_658 = tpu.memref_slice %arg3[%add3A_633, %add3A_653] : memref<128x23552xf32, #tpu.memory_space<hbm>> -> memref<1x2048xf32, #tpu.memory_space<hbm>>
      %dma_wait3A_659 = tpu.memref_squeeze %dma_wait3A_658 : memref<1x2048xf32, #tpu.memory_space<hbm>> -> memref<2048xf32, #tpu.memory_space<hbm>>
      %dma_wait3A_660 = arith.constant 0 : i32
      %dma_wait3A_661 = tpu.memref_slice %arg9[%dma_wait3A_660] : memref<4608xf32, #tpu.memory_space<vmem>> -> memref<2048xf32, #tpu.memory_space<vmem>>
      tpu.wait_dma2 semaphore(%arg18 : memref<!tpu.dma_semaphore, #tpu.memory_space<semaphore_mem>>) src(%dma_wait3A_661 : memref<2048xf32, #tpu.memory_space<vmem>>) dst(%dma_wait3A_659 : memref<2048xf32, #tpu.memory_space<hbm>>)
      %jit3A_662 = arith.constant 5 : i32
      %div3A_663 = arith.divsi %add3A_606, %jit3A_662 : i32
      %sign3A_664 = arith.constant 0 : i32
      %sign3A_665 = arith.cmpi sgt, %add3A_606, %sign3A_664 : i32
      %sign3A_666 = arith.extui %sign3A_665 : i1 to i32
      %sign3A_667 = arith.constant 0 : i32
      %sign3A_668 = arith.cmpi slt, %add3A_606, %sign3A_667 : i32
      %sign3A_669 = arith.extui %sign3A_668 : i1 to i32
      %sign3A_670 = arith.subi %sign3A_666, %sign3A_669 : i32
      %sign3A_671 = arith.constant 0 : i32
      %sign3A_672 = arith.cmpi sgt, %jit3A_662, %sign3A_671 : i32
      %sign3A_673 = arith.extui %sign3A_672 : i1 to i32
      %sign3A_674 = arith.constant 0 : i32
      %sign3A_675 = arith.cmpi slt, %jit3A_662, %sign3A_674 : i32
      %sign3A_676 = arith.extui %sign3A_675 : i1 to i32
      %sign3A_677 = arith.subi %sign3A_673, %sign3A_676 : i32
      %ne3A_678 = arith.cmpi ne, %sign3A_670, %sign3A_677 : i32
      %rem3A_679 = arith.remsi %add3A_606, %jit3A_662 : i32
      %ne3A_680 = arith.constant 0 : i32
      %ne3A_681 = arith.cmpi ne, %rem3A_679, %ne3A_680 : i32
      %and3A_682 = arith.andi %ne3A_678, %ne3A_681 : i1
      %sub3A_683 = arith.constant 1 : i32
      %sub3A_684 = arith.subi %div3A_663, %sub3A_683 : i32
      %select_n3A_685 = arith.select %and3A_682, %sub3A_684, %div3A_663 : i32
      %add3A_686 = arith.addi %mul3A_2, %select_n3A_685 : i32
      %jit3A_687 = arith.constant 5 : i32
      %eq3A_688 = arith.constant 0 : i32
      %eq3A_689 = arith.cmpi eq, %jit3A_687, %eq3A_688 : i32
      %jit3A_690 = arith.constant 1 : i32
      %select_n3A_691 = arith.select %eq3A_689, %jit3A_690, %jit3A_687 : i32
      %rem3A_692 = arith.remsi %add3A_606, %select_n3A_691 : i32
      %ne3A_693 = arith.constant 0 : i32
      %ne3A_694 = arith.cmpi ne, %rem3A_692, %ne3A_693 : i32
      %lt3A_695 = arith.constant 0 : i32
      %lt3A_696 = arith.cmpi slt, %rem3A_692, %lt3A_695 : i32
      %lt3A_697 = arith.constant 0 : i32
      %lt3A_698 = arith.cmpi slt, %select_n3A_691, %lt3A_697 : i32
      %ne3A_699 = arith.xori %lt3A_696, %lt3A_698 : i1
      %and3A_700 = arith.andi %ne3A_699, %ne3A_694 : i1
      %add3A_701 = arith.addi %rem3A_692, %select_n3A_691 : i32
      %select_n3A_702 = arith.select %and3A_700, %add3A_701, %rem3A_692 : i32
      %mul3A_703 = arith.constant 16384 : i32
      %mul3A_704 = arith.muli %select_n3A_702, %mul3A_703 : i32
      %add3A_705 = arith.constant 0 : i32
      %add3A_706 = arith.addi %add3A_705, %mul3A_704 : i32
      %dma_wait3A_707 = arith.constant 0 : i32
      %dma_wait3A_708 = tpu.memref_slice %arg6[%dma_wait3A_707] : memref<18432xf32, #tpu.memory_space<vmem>> -> memref<16384xf32, #tpu.memory_space<vmem>>
      %dma_wait3A_709 = tpu.memref_slice %arg2[%add3A_686, %add3A_706] : memref<128x122880xf32, #tpu.memory_space<hbm>> -> memref<1x16384xf32, #tpu.memory_space<hbm>>
      %dma_wait3A_710 = tpu.memref_squeeze %dma_wait3A_709 : memref<1x16384xf32, #tpu.memory_space<hbm>> -> memref<16384xf32, #tpu.memory_space<hbm>>
      %dma_wait3A_711 = arith.constant 0 : i32
      %dma_wait3A_712 = tpu.memref_slice %arg6[%dma_wait3A_711] : memref<18432xf32, #tpu.memory_space<vmem>> -> memref<16384xf32, #tpu.memory_space<vmem>>
      %dma_wait3A_713 = tpu.memref_slice %arg2[%add3A_686, %add3A_706] : memref<128x122880xf32, #tpu.memory_space<hbm>> -> memref<1x16384xf32, #tpu.memory_space<hbm>>
      %dma_wait3A_714 = tpu.memref_squeeze %dma_wait3A_713 : memref<1x16384xf32, #tpu.memory_space<hbm>> -> memref<16384xf32, #tpu.memory_space<hbm>>
      tpu.wait_dma2 semaphore(%arg15 : memref<!tpu.dma_semaphore, #tpu.memory_space<semaphore_mem>>) src(%dma_wait3A_714 : memref<16384xf32, #tpu.memory_space<hbm>>) dst(%dma_wait3A_712 : memref<16384xf32, #tpu.memory_space<vmem>>)
      %parallel_loop3A_715 = arith.constant 0 : i32
      %parallel_loop3A_716 = arith.constant 128 : i32
      %parallel_loop3A_717 = arith.constant 1 : i32
      scf.for %parallel_loop3A_1128 = %parallel_loop3A_715 to %parallel_loop3A_716 step %parallel_loop3A_717  : i32 {
        %parallel_loop3A_1129 = arith.constant 128 : i32
        %parallel_loop3A_1130 = arith.muli %parallel_loop3A_1128, %parallel_loop3A_1129 : i32
        %parallel_loop3A_1131 = vector.broadcast %parallel_loop3A_1130 : i32 to vector<16xi32>
        %parallel_loop3A_1132 = arith.addi %mul3A_28, %parallel_loop3A_1131 : vector<16xi32>
        %parallel_loop3A_1133 = tpu.vector_load_idx %arg6[%parallel_loop3A_1132] : memref<18432xf32, #tpu.memory_space<vmem>>[vector<16xi32>], vector<16xf32>,
        %parallel_loop3A_1134 = arith.constant 16 : i32
        %parallel_loop3A_1135 = arith.muli %parallel_loop3A_1128, %parallel_loop3A_1134 : i32
        %parallel_loop3A_1136 = arith.index_cast %parallel_loop3A_1135 : i32 to index
        %parallel_loop3A_1137 = tpu.vector_load %arg9[%parallel_loop3A_1136] {strides = array<i32>} : memref<4608xf32, #tpu.memory_space<vmem>>, vector<16xf32>,
        tpu.vector_store %arg9[%parallel_loop3A_1136], %parallel_loop3A_1133 {strides = array<i32>} : memref<4608xf32, #tpu.memory_space<vmem>>, vector<16xf32>,
      } {sc.loop_unroll_factor = 8 : i64, sc.parallel_access}
      %jit3A_718 = arith.constant 5 : i32
      %div3A_719 = arith.divsi %add3A_606, %jit3A_718 : i32
      %sign3A_720 = arith.constant 0 : i32
      %sign3A_721 = arith.cmpi sgt, %add3A_606, %sign3A_720 : i32
      %sign3A_722 = arith.extui %sign3A_721 : i1 to i32
      %sign3A_723 = arith.constant 0 : i32
      %sign3A_724 = arith.cmpi slt, %add3A_606, %sign3A_723 : i32
      %sign3A_725 = arith.extui %sign3A_724 : i1 to i32
      %sign3A_726 = arith.subi %sign3A_722, %sign3A_725 : i32
      %sign3A_727 = arith.constant 0 : i32
      %sign3A_728 = arith.cmpi sgt, %jit3A_718, %sign3A_727 : i32
      %sign3A_729 = arith.extui %sign3A_728 : i1 to i32
      %sign3A_730 = arith.constant 0 : i32
      %sign3A_731 = arith.cmpi slt, %jit3A_718, %sign3A_730 : i32
      %sign3A_732 = arith.extui %sign3A_731 : i1 to i32
      %sign3A_733 = arith.subi %sign3A_729, %sign3A_732 : i32
      %ne3A_734 = arith.cmpi ne, %sign3A_726, %sign3A_733 : i32
      %rem3A_735 = arith.remsi %add3A_606, %jit3A_718 : i32
      %ne3A_736 = arith.constant 0 : i32
      %ne3A_737 = arith.cmpi ne, %rem3A_735, %ne3A_736 : i32
      %and3A_738 = arith.andi %ne3A_734, %ne3A_737 : i1
      %sub3A_739 = arith.constant 1 : i32
      %sub3A_740 = arith.subi %div3A_719, %sub3A_739 : i32
      %select_n3A_741 = arith.select %and3A_738, %sub3A_740, %div3A_719 : i32
      %add3A_742 = arith.addi %mul3A_2, %select_n3A_741 : i32
      %jit3A_743 = arith.constant 5 : i32
      %eq3A_744 = arith.constant 0 : i32
      %eq3A_745 = arith.cmpi eq, %jit3A_743, %eq3A_744 : i32
      %jit3A_746 = arith.constant 1 : i32
      %select_n3A_747 = arith.select %eq3A_745, %jit3A_746, %jit3A_743 : i32
      %rem3A_748 = arith.remsi %add3A_606, %select_n3A_747 : i32
      %ne3A_749 = arith.constant 0 : i32
      %ne3A_750 = arith.cmpi ne, %rem3A_748, %ne3A_749 : i32
      %lt3A_751 = arith.constant 0 : i32
      %lt3A_752 = arith.cmpi slt, %rem3A_748, %lt3A_751 : i32
      %lt3A_753 = arith.constant 0 : i32
      %lt3A_754 = arith.cmpi slt, %select_n3A_747, %lt3A_753 : i32
      %ne3A_755 = arith.xori %lt3A_752, %lt3A_754 : i1
      %and3A_756 = arith.andi %ne3A_755, %ne3A_750 : i1
      %add3A_757 = arith.addi %rem3A_748, %select_n3A_747 : i32
      %select_n3A_758 = arith.select %and3A_756, %add3A_757, %rem3A_748 : i32
      %mul3A_759 = arith.constant 2048 : i32
      %mul3A_760 = arith.muli %select_n3A_758, %mul3A_759 : i32
      %add3A_761 = arith.constant 0 : i32
      %add3A_762 = arith.addi %add3A_761, %mul3A_760 : i32
      %dma_start3A_763 = arith.constant 0 : i32
      %dma_start3A_764 = tpu.memref_slice %arg9[%dma_start3A_763] : memref<4608xf32, #tpu.memory_space<vmem>> -> memref<2048xf32, #tpu.memory_space<vmem>>
      %dma_start3A_765 = tpu.memref_slice %arg3[%add3A_742, %add3A_762] : memref<128x23552xf32, #tpu.memory_space<hbm>> -> memref<1x2048xf32, #tpu.memory_space<hbm>>
      %dma_start3A_766 = tpu.memref_squeeze %dma_start3A_765 : memref<1x2048xf32, #tpu.memory_space<hbm>> -> memref<2048xf32, #tpu.memory_space<hbm>>
      %dma_start3A_767 = tpu.memref_slice %arg3[%add3A_742, %add3A_762] : memref<128x23552xf32, #tpu.memory_space<hbm>> -> memref<1x2048xf32, #tpu.memory_space<hbm>>
      %dma_start3A_768 = tpu.memref_squeeze %dma_start3A_767 : memref<1x2048xf32, #tpu.memory_space<hbm>> -> memref<2048xf32, #tpu.memory_space<hbm>>
      %dma_start3A_769 = arith.constant 0 : i32
      %dma_start3A_770 = tpu.memref_slice %arg9[%dma_start3A_769] : memref<4608xf32, #tpu.memory_space<vmem>> -> memref<2048xf32, #tpu.memory_space<vmem>>
      tpu.enqueue_dma source(%dma_start3A_770 : memref<2048xf32, #tpu.memory_space<vmem>>) target(%dma_start3A_768 : memref<2048xf32, #tpu.memory_space<hbm>>) target_semaphore(%arg18 : memref<!tpu.dma_semaphore, #tpu.memory_space<semaphore_mem>>)
      %add3A_771 = arith.constant 1 : i32
      %add3A_772 = arith.addi %scan3A_366, %add3A_771 : i32
      %lt3A_773 = arith.constant 4 : i32
      %lt3A_774 = arith.cmpi slt, %add3A_772, %lt3A_773 : i32
      %convert_element_type3A_775 = arith.extui %lt3A_774 : i1 to i32
      %cond3A_776 = arith.constant 0 : i32
      %cond3A_777 = arith.cmpi ne, %convert_element_type3A_775, %cond3A_776 : i32
      scf.if %cond3A_777 {
        %add3A_1128 = arith.constant 5 : i32
        %add3A_1129 = arith.addi %add3A_606, %add3A_1128 : i32
        %jit3A_1130 = arith.constant 5 : i32
        %div3A_1131 = arith.divsi %add3A_1129, %jit3A_1130 : i32
        %sign3A_1132 = arith.constant 0 : i32
        %sign3A_1133 = arith.cmpi sgt, %add3A_1129, %sign3A_1132 : i32
        %sign3A_1134 = arith.extui %sign3A_1133 : i1 to i32
        %sign3A_1135 = arith.constant 0 : i32
        %sign3A_1136 = arith.cmpi slt, %add3A_1129, %sign3A_1135 : i32
        %sign3A_1137 = arith.extui %sign3A_1136 : i1 to i32
        %sign3A_1138 = arith.subi %sign3A_1134, %sign3A_1137 : i32
        %sign3A_1139 = arith.constant 0 : i32
        %sign3A_1140 = arith.cmpi sgt, %jit3A_1130, %sign3A_1139 : i32
        %sign3A_1141 = arith.extui %sign3A_1140 : i1 to i32
        %sign3A_1142 = arith.constant 0 : i32
        %sign3A_1143 = arith.cmpi slt, %jit3A_1130, %sign3A_1142 : i32
        %sign3A_1144 = arith.extui %sign3A_1143 : i1 to i32
        %sign3A_1145 = arith.subi %sign3A_1141, %sign3A_1144 : i32
        %ne3A_1146 = arith.cmpi ne, %sign3A_1138, %sign3A_1145 : i32
        %rem3A_1147 = arith.remsi %add3A_1129, %jit3A_1130 : i32
        %ne3A_1148 = arith.constant 0 : i32
        %ne3A_1149 = arith.cmpi ne, %rem3A_1147, %ne3A_1148 : i32
        %and3A_1150 = arith.andi %ne3A_1146, %ne3A_1149 : i1
        %sub3A_1151 = arith.constant 1 : i32
        %sub3A_1152 = arith.subi %div3A_1131, %sub3A_1151 : i32
        %select_n3A_1153 = arith.select %and3A_1150, %sub3A_1152, %div3A_1131 : i32
        %add3A_1154 = arith.addi %mul3A_2, %select_n3A_1153 : i32
        %jit3A_1155 = arith.constant 5 : i32
        %eq3A_1156 = arith.constant 0 : i32
        %eq3A_1157 = arith.cmpi eq, %jit3A_1155, %eq3A_1156 : i32
        %jit3A_1158 = arith.constant 1 : i32
        %select_n3A_1159 = arith.select %eq3A_1157, %jit3A_1158, %jit3A_1155 : i32
        %rem3A_1160 = arith.remsi %add3A_1129, %select_n3A_1159 : i32
        %ne3A_1161 = arith.constant 0 : i32
        %ne3A_1162 = arith.cmpi ne, %rem3A_1160, %ne3A_1161 : i32
        %lt3A_1163 = arith.constant 0 : i32
        %lt3A_1164 = arith.cmpi slt, %rem3A_1160, %lt3A_1163 : i32
        %lt3A_1165 = arith.constant 0 : i32
        %lt3A_1166 = arith.cmpi slt, %select_n3A_1159, %lt3A_1165 : i32
        %ne3A_1167 = arith.xori %lt3A_1164, %lt3A_1166 : i1
        %and3A_1168 = arith.andi %ne3A_1167, %ne3A_1162 : i1
        %add3A_1169 = arith.addi %rem3A_1160, %select_n3A_1159 : i32
        %select_n3A_1170 = arith.select %and3A_1168, %add3A_1169, %rem3A_1160 : i32
        %mul3A_1171 = arith.constant 16384 : i32
        %mul3A_1172 = arith.muli %select_n3A_1170, %mul3A_1171 : i32
        %add3A_1173 = arith.constant 0 : i32
        %add3A_1174 = arith.addi %add3A_1173, %mul3A_1172 : i32
        %dma_start3A_1175 = arith.constant 0 : i32
        %dma_start3A_1176 = tpu.memref_slice %arg6[%dma_start3A_1175] : memref<18432xf32, #tpu.memory_space<vmem>> -> memref<16384xf32, #tpu.memory_space<vmem>>
        %dma_start3A_1177 = tpu.memref_slice %arg2[%add3A_1154, %add3A_1174] : memref<128x122880xf32, #tpu.memory_space<hbm>> -> memref<1x16384xf32, #tpu.memory_space<hbm>>
        %dma_start3A_1178 = tpu.memref_squeeze %dma_start3A_1177 : memref<1x16384xf32, #tpu.memory_space<hbm>> -> memref<16384xf32, #tpu.memory_space<hbm>>
        %dma_start3A_1179 = arith.constant 0 : i32
        %dma_start3A_1180 = tpu.memref_slice %arg6[%dma_start3A_1179] : memref<18432xf32, #tpu.memory_space<vmem>> -> memref<16384xf32, #tpu.memory_space<vmem>>
        %dma_start3A_1181 = tpu.memref_slice %arg2[%add3A_1154, %add3A_1174] : memref<128x122880xf32, #tpu.memory_space<hbm>> -> memref<1x16384xf32, #tpu.memory_space<hbm>>
        %dma_start3A_1182 = tpu.memref_squeeze %dma_start3A_1181 : memref<1x16384xf32, #tpu.memory_space<hbm>> -> memref<16384xf32, #tpu.memory_space<hbm>>
        tpu.enqueue_dma source(%dma_start3A_1182 : memref<16384xf32, #tpu.memory_space<hbm>>) target(%dma_start3A_1180 : memref<16384xf32, #tpu.memory_space<vmem>>) target_semaphore(%arg15 : memref<!tpu.dma_semaphore, #tpu.memory_space<semaphore_mem>>)
      } else {
      }
      %mul3A_778 = arith.constant 5 : i32
      %mul3A_779 = arith.muli %mul3A_778, %scan3A_366 : i32
      %add3A_780 = arith.constant 3 : i32
      %add3A_781 = arith.addi %mul3A_779, %add3A_780 : i32
      %sub3A_782 = arith.constant 2 : i32
      %sub3A_783 = arith.subi %add3A_781, %sub3A_782 : i32
      %jit3A_784 = arith.constant 5 : i32
      %div3A_785 = arith.divsi %sub3A_783, %jit3A_784 : i32
      %sign3A_786 = arith.constant 0 : i32
      %sign3A_787 = arith.cmpi sgt, %sub3A_783, %sign3A_786 : i32
      %sign3A_788 = arith.extui %sign3A_787 : i1 to i32
      %sign3A_789 = arith.constant 0 : i32
      %sign3A_790 = arith.cmpi slt, %sub3A_783, %sign3A_789 : i32
      %sign3A_791 = arith.extui %sign3A_790 : i1 to i32
      %sign3A_792 = arith.subi %sign3A_788, %sign3A_791 : i32
      %sign3A_793 = arith.constant 0 : i32
      %sign3A_794 = arith.cmpi sgt, %jit3A_784, %sign3A_793 : i32
      %sign3A_795 = arith.extui %sign3A_794 : i1 to i32
      %sign3A_796 = arith.constant 0 : i32
      %sign3A_797 = arith.cmpi slt, %jit3A_784, %sign3A_796 : i32
      %sign3A_798 = arith.extui %sign3A_797 : i1 to i32
      %sign3A_799 = arith.subi %sign3A_795, %sign3A_798 : i32
      %ne3A_800 = arith.cmpi ne, %sign3A_792, %sign3A_799 : i32
      %rem3A_801 = arith.remsi %sub3A_783, %jit3A_784 : i32
      %ne3A_802 = arith.constant 0 : i32
      %ne3A_803 = arith.cmpi ne, %rem3A_801, %ne3A_802 : i32
      %and3A_804 = arith.andi %ne3A_800, %ne3A_803 : i1
      %sub3A_805 = arith.constant 1 : i32
      %sub3A_806 = arith.subi %div3A_785, %sub3A_805 : i32
      %select_n3A_807 = arith.select %and3A_804, %sub3A_806, %div3A_785 : i32
      %add3A_808 = arith.addi %mul3A_2, %select_n3A_807 : i32
      %jit3A_809 = arith.constant 5 : i32
      %eq3A_810 = arith.constant 0 : i32
      %eq3A_811 = arith.cmpi eq, %jit3A_809, %eq3A_810 : i32
      %jit3A_812 = arith.constant 1 : i32
      %select_n3A_813 = arith.select %eq3A_811, %jit3A_812, %jit3A_809 : i32
      %rem3A_814 = arith.remsi %sub3A_783, %select_n3A_813 : i32
      %ne3A_815 = arith.constant 0 : i32
      %ne3A_816 = arith.cmpi ne, %rem3A_814, %ne3A_815 : i32
      %lt3A_817 = arith.constant 0 : i32
      %lt3A_818 = arith.cmpi slt, %rem3A_814, %lt3A_817 : i32
      %lt3A_819 = arith.constant 0 : i32
      %lt3A_820 = arith.cmpi slt, %select_n3A_813, %lt3A_819 : i32
      %ne3A_821 = arith.xori %lt3A_818, %lt3A_820 : i1
      %and3A_822 = arith.andi %ne3A_821, %ne3A_816 : i1
      %add3A_823 = arith.addi %rem3A_814, %select_n3A_813 : i32
      %select_n3A_824 = arith.select %and3A_822, %add3A_823, %rem3A_814 : i32
      %mul3A_825 = arith.constant 2048 : i32
      %mul3A_826 = arith.muli %select_n3A_824, %mul3A_825 : i32
      %add3A_827 = arith.constant 0 : i32
      %add3A_828 = arith.addi %add3A_827, %mul3A_826 : i32
      %dma_wait3A_829 = arith.constant 0 : i32
      %dma_wait3A_830 = tpu.memref_slice %arg10[%dma_wait3A_829] : memref<4608xf32, #tpu.memory_space<vmem>> -> memref<2048xf32, #tpu.memory_space<vmem>>
      %dma_wait3A_831 = tpu.memref_slice %arg3[%add3A_808, %add3A_828] : memref<128x23552xf32, #tpu.memory_space<hbm>> -> memref<1x2048xf32, #tpu.memory_space<hbm>>
      %dma_wait3A_832 = tpu.memref_squeeze %dma_wait3A_831 : memref<1x2048xf32, #tpu.memory_space<hbm>> -> memref<2048xf32, #tpu.memory_space<hbm>>
      %dma_wait3A_833 = tpu.memref_slice %arg3[%add3A_808, %add3A_828] : memref<128x23552xf32, #tpu.memory_space<hbm>> -> memref<1x2048xf32, #tpu.memory_space<hbm>>
      %dma_wait3A_834 = tpu.memref_squeeze %dma_wait3A_833 : memref<1x2048xf32, #tpu.memory_space<hbm>> -> memref<2048xf32, #tpu.memory_space<hbm>>
      %dma_wait3A_835 = arith.constant 0 : i32
      %dma_wait3A_836 = tpu.memref_slice %arg10[%dma_wait3A_835] : memref<4608xf32, #tpu.memory_space<vmem>> -> memref<2048xf32, #tpu.memory_space<vmem>>
      tpu.wait_dma2 semaphore(%arg19 : memref<!tpu.dma_semaphore, #tpu.memory_space<semaphore_mem>>) src(%dma_wait3A_836 : memref<2048xf32, #tpu.memory_space<vmem>>) dst(%dma_wait3A_834 : memref<2048xf32, #tpu.memory_space<hbm>>)
      %jit3A_837 = arith.constant 5 : i32
      %div3A_838 = arith.divsi %add3A_781, %jit3A_837 : i32
      %sign3A_839 = arith.constant 0 : i32
      %sign3A_840 = arith.cmpi sgt, %add3A_781, %sign3A_839 : i32
      %sign3A_841 = arith.extui %sign3A_840 : i1 to i32
      %sign3A_842 = arith.constant 0 : i32
      %sign3A_843 = arith.cmpi slt, %add3A_781, %sign3A_842 : i32
      %sign3A_844 = arith.extui %sign3A_843 : i1 to i32
      %sign3A_845 = arith.subi %sign3A_841, %sign3A_844 : i32
      %sign3A_846 = arith.constant 0 : i32
      %sign3A_847 = arith.cmpi sgt, %jit3A_837, %sign3A_846 : i32
      %sign3A_848 = arith.extui %sign3A_847 : i1 to i32
      %sign3A_849 = arith.constant 0 : i32
      %sign3A_850 = arith.cmpi slt, %jit3A_837, %sign3A_849 : i32
      %sign3A_851 = arith.extui %sign3A_850 : i1 to i32
      %sign3A_852 = arith.subi %sign3A_848, %sign3A_851 : i32
      %ne3A_853 = arith.cmpi ne, %sign3A_845, %sign3A_852 : i32
      %rem3A_854 = arith.remsi %add3A_781, %jit3A_837 : i32
      %ne3A_855 = arith.constant 0 : i32
      %ne3A_856 = arith.cmpi ne, %rem3A_854, %ne3A_855 : i32
      %and3A_857 = arith.andi %ne3A_853, %ne3A_856 : i1
      %sub3A_858 = arith.constant 1 : i32
      %sub3A_859 = arith.subi %div3A_838, %sub3A_858 : i32
      %select_n3A_860 = arith.select %and3A_857, %sub3A_859, %div3A_838 : i32
      %add3A_861 = arith.addi %mul3A_2, %select_n3A_860 : i32
      %jit3A_862 = arith.constant 5 : i32
      %eq3A_863 = arith.constant 0 : i32
      %eq3A_864 = arith.cmpi eq, %jit3A_862, %eq3A_863 : i32
      %jit3A_865 = arith.constant 1 : i32
      %select_n3A_866 = arith.select %eq3A_864, %jit3A_865, %jit3A_862 : i32
      %rem3A_867 = arith.remsi %add3A_781, %select_n3A_866 : i32
      %ne3A_868 = arith.constant 0 : i32
      %ne3A_869 = arith.cmpi ne, %rem3A_867, %ne3A_868 : i32
      %lt3A_870 = arith.constant 0 : i32
      %lt3A_871 = arith.cmpi slt, %rem3A_867, %lt3A_870 : i32
      %lt3A_872 = arith.constant 0 : i32
      %lt3A_873 = arith.cmpi slt, %select_n3A_866, %lt3A_872 : i32
      %ne3A_874 = arith.xori %lt3A_871, %lt3A_873 : i1
      %and3A_875 = arith.andi %ne3A_874, %ne3A_869 : i1
      %add3A_876 = arith.addi %rem3A_867, %select_n3A_866 : i32
      %select_n3A_877 = arith.select %and3A_875, %add3A_876, %rem3A_867 : i32
      %mul3A_878 = arith.constant 16384 : i32
      %mul3A_879 = arith.muli %select_n3A_877, %mul3A_878 : i32
      %add3A_880 = arith.constant 0 : i32
      %add3A_881 = arith.addi %add3A_880, %mul3A_879 : i32
      %dma_wait3A_882 = arith.constant 0 : i32
      %dma_wait3A_883 = tpu.memref_slice %arg7[%dma_wait3A_882] : memref<18432xf32, #tpu.memory_space<vmem>> -> memref<16384xf32, #tpu.memory_space<vmem>>
      %dma_wait3A_884 = tpu.memref_slice %arg2[%add3A_861, %add3A_881] : memref<128x122880xf32, #tpu.memory_space<hbm>> -> memref<1x16384xf32, #tpu.memory_space<hbm>>
      %dma_wait3A_885 = tpu.memref_squeeze %dma_wait3A_884 : memref<1x16384xf32, #tpu.memory_space<hbm>> -> memref<16384xf32, #tpu.memory_space<hbm>>
      %dma_wait3A_886 = arith.constant 0 : i32
      %dma_wait3A_887 = tpu.memref_slice %arg7[%dma_wait3A_886] : memref<18432xf32, #tpu.memory_space<vmem>> -> memref<16384xf32, #tpu.memory_space<vmem>>
      %dma_wait3A_888 = tpu.memref_slice %arg2[%add3A_861, %add3A_881] : memref<128x122880xf32, #tpu.memory_space<hbm>> -> memref<1x16384xf32, #tpu.memory_space<hbm>>
      %dma_wait3A_889 = tpu.memref_squeeze %dma_wait3A_888 : memref<1x16384xf32, #tpu.memory_space<hbm>> -> memref<16384xf32, #tpu.memory_space<hbm>>
      tpu.wait_dma2 semaphore(%arg16 : memref<!tpu.dma_semaphore, #tpu.memory_space<semaphore_mem>>) src(%dma_wait3A_889 : memref<16384xf32, #tpu.memory_space<hbm>>) dst(%dma_wait3A_887 : memref<16384xf32, #tpu.memory_space<vmem>>)
      %parallel_loop3A_890 = arith.constant 0 : i32
      %parallel_loop3A_891 = arith.constant 128 : i32
      %parallel_loop3A_892 = arith.constant 1 : i32
      scf.for %parallel_loop3A_1128 = %parallel_loop3A_890 to %parallel_loop3A_891 step %parallel_loop3A_892  : i32 {
        %parallel_loop3A_1129 = arith.constant 128 : i32
        %parallel_loop3A_1130 = arith.muli %parallel_loop3A_1128, %parallel_loop3A_1129 : i32
        %parallel_loop3A_1131 = vector.broadcast %parallel_loop3A_1130 : i32 to vector<16xi32>
        %parallel_loop3A_1132 = arith.addi %mul3A_28, %parallel_loop3A_1131 : vector<16xi32>
        %parallel_loop3A_1133 = tpu.vector_load_idx %arg7[%parallel_loop3A_1132] : memref<18432xf32, #tpu.memory_space<vmem>>[vector<16xi32>], vector<16xf32>,
        %parallel_loop3A_1134 = arith.constant 16 : i32
        %parallel_loop3A_1135 = arith.muli %parallel_loop3A_1128, %parallel_loop3A_1134 : i32
        %parallel_loop3A_1136 = arith.index_cast %parallel_loop3A_1135 : i32 to index
        %parallel_loop3A_1137 = tpu.vector_load %arg10[%parallel_loop3A_1136] {strides = array<i32>} : memref<4608xf32, #tpu.memory_space<vmem>>, vector<16xf32>,
        tpu.vector_store %arg10[%parallel_loop3A_1136], %parallel_loop3A_1133 {strides = array<i32>} : memref<4608xf32, #tpu.memory_space<vmem>>, vector<16xf32>,
      } {sc.loop_unroll_factor = 8 : i64, sc.parallel_access}
      %jit3A_893 = arith.constant 5 : i32
      %div3A_894 = arith.divsi %add3A_781, %jit3A_893 : i32
      %sign3A_895 = arith.constant 0 : i32
      %sign3A_896 = arith.cmpi sgt, %add3A_781, %sign3A_895 : i32
      %sign3A_897 = arith.extui %sign3A_896 : i1 to i32
      %sign3A_898 = arith.constant 0 : i32
      %sign3A_899 = arith.cmpi slt, %add3A_781, %sign3A_898 : i32
      %sign3A_900 = arith.extui %sign3A_899 : i1 to i32
      %sign3A_901 = arith.subi %sign3A_897, %sign3A_900 : i32
      %sign3A_902 = arith.constant 0 : i32
      %sign3A_903 = arith.cmpi sgt, %jit3A_893, %sign3A_902 : i32
      %sign3A_904 = arith.extui %sign3A_903 : i1 to i32
      %sign3A_905 = arith.constant 0 : i32
      %sign3A_906 = arith.cmpi slt, %jit3A_893, %sign3A_905 : i32
      %sign3A_907 = arith.extui %sign3A_906 : i1 to i32
      %sign3A_908 = arith.subi %sign3A_904, %sign3A_907 : i32
      %ne3A_909 = arith.cmpi ne, %sign3A_901, %sign3A_908 : i32
      %rem3A_910 = arith.remsi %add3A_781, %jit3A_893 : i32
      %ne3A_911 = arith.constant 0 : i32
      %ne3A_912 = arith.cmpi ne, %rem3A_910, %ne3A_911 : i32
      %and3A_913 = arith.andi %ne3A_909, %ne3A_912 : i1
      %sub3A_914 = arith.constant 1 : i32
      %sub3A_915 = arith.subi %div3A_894, %sub3A_914 : i32
      %select_n3A_916 = arith.select %and3A_913, %sub3A_915, %div3A_894 : i32
      %add3A_917 = arith.addi %mul3A_2, %select_n3A_916 : i32
      %jit3A_918 = arith.constant 5 : i32
      %eq3A_919 = arith.constant 0 : i32
      %eq3A_920 = arith.cmpi eq, %jit3A_918, %eq3A_919 : i32
      %jit3A_921 = arith.constant 1 : i32
      %select_n3A_922 = arith.select %eq3A_920, %jit3A_921, %jit3A_918 : i32
      %rem3A_923 = arith.remsi %add3A_781, %select_n3A_922 : i32
      %ne3A_924 = arith.constant 0 : i32
      %ne3A_925 = arith.cmpi ne, %rem3A_923, %ne3A_924 : i32
      %lt3A_926 = arith.constant 0 : i32
      %lt3A_927 = arith.cmpi slt, %rem3A_923, %lt3A_926 : i32
      %lt3A_928 = arith.constant 0 : i32
      %lt3A_929 = arith.cmpi slt, %select_n3A_922, %lt3A_928 : i32
      %ne3A_930 = arith.xori %lt3A_927, %lt3A_929 : i1
      %and3A_931 = arith.andi %ne3A_930, %ne3A_925 : i1
      %add3A_932 = arith.addi %rem3A_923, %select_n3A_922 : i32
      %select_n3A_933 = arith.select %and3A_931, %add3A_932, %rem3A_923 : i32
      %mul3A_934 = arith.constant 2048 : i32
      %mul3A_935 = arith.muli %select_n3A_933, %mul3A_934 : i32
      %add3A_936 = arith.constant 0 : i32
      %add3A_937 = arith.addi %add3A_936, %mul3A_935 : i32
      %dma_start3A_938 = arith.constant 0 : i32
      %dma_start3A_939 = tpu.memref_slice %arg10[%dma_start3A_938] : memref<4608xf32, #tpu.memory_space<vmem>> -> memref<2048xf32, #tpu.memory_space<vmem>>
      %dma_start3A_940 = tpu.memref_slice %arg3[%add3A_917, %add3A_937] : memref<128x23552xf32, #tpu.memory_space<hbm>> -> memref<1x2048xf32, #tpu.memory_space<hbm>>
      %dma_start3A_941 = tpu.memref_squeeze %dma_start3A_940 : memref<1x2048xf32, #tpu.memory_space<hbm>> -> memref<2048xf32, #tpu.memory_space<hbm>>
      %dma_start3A_942 = tpu.memref_slice %arg3[%add3A_917, %add3A_937] : memref<128x23552xf32, #tpu.memory_space<hbm>> -> memref<1x2048xf32, #tpu.memory_space<hbm>>
      %dma_start3A_943 = tpu.memref_squeeze %dma_start3A_942 : memref<1x2048xf32, #tpu.memory_space<hbm>> -> memref<2048xf32, #tpu.memory_space<hbm>>
      %dma_start3A_944 = arith.constant 0 : i32
      %dma_start3A_945 = tpu.memref_slice %arg10[%dma_start3A_944] : memref<4608xf32, #tpu.memory_space<vmem>> -> memref<2048xf32, #tpu.memory_space<vmem>>
      tpu.enqueue_dma source(%dma_start3A_945 : memref<2048xf32, #tpu.memory_space<vmem>>) target(%dma_start3A_943 : memref<2048xf32, #tpu.memory_space<hbm>>) target_semaphore(%arg19 : memref<!tpu.dma_semaphore, #tpu.memory_space<semaphore_mem>>)
      %add3A_946 = arith.constant 1 : i32
      %add3A_947 = arith.addi %scan3A_366, %add3A_946 : i32
      %lt3A_948 = arith.constant 4 : i32
      %lt3A_949 = arith.cmpi slt, %add3A_947, %lt3A_948 : i32
      %convert_element_type3A_950 = arith.extui %lt3A_949 : i1 to i32
      %cond3A_951 = arith.constant 0 : i32
      %cond3A_952 = arith.cmpi ne, %convert_element_type3A_950, %cond3A_951 : i32
      scf.if %cond3A_952 {
        %add3A_1128 = arith.constant 5 : i32
        %add3A_1129 = arith.addi %add3A_781, %add3A_1128 : i32
        %jit3A_1130 = arith.constant 5 : i32
        %div3A_1131 = arith.divsi %add3A_1129, %jit3A_1130 : i32
        %sign3A_1132 = arith.constant 0 : i32
        %sign3A_1133 = arith.cmpi sgt, %add3A_1129, %sign3A_1132 : i32
        %sign3A_1134 = arith.extui %sign3A_1133 : i1 to i32
        %sign3A_1135 = arith.constant 0 : i32
        %sign3A_1136 = arith.cmpi slt, %add3A_1129, %sign3A_1135 : i32
        %sign3A_1137 = arith.extui %sign3A_1136 : i1 to i32
        %sign3A_1138 = arith.subi %sign3A_1134, %sign3A_1137 : i32
        %sign3A_1139 = arith.constant 0 : i32
        %sign3A_1140 = arith.cmpi sgt, %jit3A_1130, %sign3A_1139 : i32
        %sign3A_1141 = arith.extui %sign3A_1140 : i1 to i32
        %sign3A_1142 = arith.constant 0 : i32
        %sign3A_1143 = arith.cmpi slt, %jit3A_1130, %sign3A_1142 : i32
        %sign3A_1144 = arith.extui %sign3A_1143 : i1 to i32
        %sign3A_1145 = arith.subi %sign3A_1141, %sign3A_1144 : i32
        %ne3A_1146 = arith.cmpi ne, %sign3A_1138, %sign3A_1145 : i32
        %rem3A_1147 = arith.remsi %add3A_1129, %jit3A_1130 : i32
        %ne3A_1148 = arith.constant 0 : i32
        %ne3A_1149 = arith.cmpi ne, %rem3A_1147, %ne3A_1148 : i32
        %and3A_1150 = arith.andi %ne3A_1146, %ne3A_1149 : i1
        %sub3A_1151 = arith.constant 1 : i32
        %sub3A_1152 = arith.subi %div3A_1131, %sub3A_1151 : i32
        %select_n3A_1153 = arith.select %and3A_1150, %sub3A_1152, %div3A_1131 : i32
        %add3A_1154 = arith.addi %mul3A_2, %select_n3A_1153 : i32
        %jit3A_1155 = arith.constant 5 : i32
        %eq3A_1156 = arith.constant 0 : i32
        %eq3A_1157 = arith.cmpi eq, %jit3A_1155, %eq3A_1156 : i32
        %jit3A_1158 = arith.constant 1 : i32
        %select_n3A_1159 = arith.select %eq3A_1157, %jit3A_1158, %jit3A_1155 : i32
        %rem3A_1160 = arith.remsi %add3A_1129, %select_n3A_1159 : i32
        %ne3A_1161 = arith.constant 0 : i32
        %ne3A_1162 = arith.cmpi ne, %rem3A_1160, %ne3A_1161 : i32
        %lt3A_1163 = arith.constant 0 : i32
        %lt3A_1164 = arith.cmpi slt, %rem3A_1160, %lt3A_1163 : i32
        %lt3A_1165 = arith.constant 0 : i32
        %lt3A_1166 = arith.cmpi slt, %select_n3A_1159, %lt3A_1165 : i32
        %ne3A_1167 = arith.xori %lt3A_1164, %lt3A_1166 : i1
        %and3A_1168 = arith.andi %ne3A_1167, %ne3A_1162 : i1
        %add3A_1169 = arith.addi %rem3A_1160, %select_n3A_1159 : i32
        %select_n3A_1170 = arith.select %and3A_1168, %add3A_1169, %rem3A_1160 : i32
        %mul3A_1171 = arith.constant 16384 : i32
        %mul3A_1172 = arith.muli %select_n3A_1170, %mul3A_1171 : i32
        %add3A_1173 = arith.constant 0 : i32
        %add3A_1174 = arith.addi %add3A_1173, %mul3A_1172 : i32
        %dma_start3A_1175 = arith.constant 0 : i32
        %dma_start3A_1176 = tpu.memref_slice %arg7[%dma_start3A_1175] : memref<18432xf32, #tpu.memory_space<vmem>> -> memref<16384xf32, #tpu.memory_space<vmem>>
        %dma_start3A_1177 = tpu.memref_slice %arg2[%add3A_1154, %add3A_1174] : memref<128x122880xf32, #tpu.memory_space<hbm>> -> memref<1x16384xf32, #tpu.memory_space<hbm>>
        %dma_start3A_1178 = tpu.memref_squeeze %dma_start3A_1177 : memref<1x16384xf32, #tpu.memory_space<hbm>> -> memref<16384xf32, #tpu.memory_space<hbm>>
        %dma_start3A_1179 = arith.constant 0 : i32
        %dma_start3A_1180 = tpu.memref_slice %arg7[%dma_start3A_1179] : memref<18432xf32, #tpu.memory_space<vmem>> -> memref<16384xf32, #tpu.memory_space<vmem>>
        %dma_start3A_1181 = tpu.memref_slice %arg2[%add3A_1154, %add3A_1174] : memref<128x122880xf32, #tpu.memory_space<hbm>> -> memref<1x16384xf32, #tpu.memory_space<hbm>>
        %dma_start3A_1182 = tpu.memref_squeeze %dma_start3A_1181 : memref<1x16384xf32, #tpu.memory_space<hbm>> -> memref<16384xf32, #tpu.memory_space<hbm>>
        tpu.enqueue_dma source(%dma_start3A_1182 : memref<16384xf32, #tpu.memory_space<hbm>>) target(%dma_start3A_1180 : memref<16384xf32, #tpu.memory_space<vmem>>) target_semaphore(%arg16 : memref<!tpu.dma_semaphore, #tpu.memory_space<semaphore_mem>>)
      } else {
      }
      %mul3A_953 = arith.constant 5 : i32
      %mul3A_954 = arith.muli %mul3A_953, %scan3A_366 : i32
      %add3A_955 = arith.constant 4 : i32
      %add3A_956 = arith.addi %mul3A_954, %add3A_955 : i32
      %sub3A_957 = arith.constant 2 : i32
      %sub3A_958 = arith.subi %add3A_956, %sub3A_957 : i32
      %jit3A_959 = arith.constant 5 : i32
      %div3A_960 = arith.divsi %sub3A_958, %jit3A_959 : i32
      %sign3A_961 = arith.constant 0 : i32
      %sign3A_962 = arith.cmpi sgt, %sub3A_958, %sign3A_961 : i32
      %sign3A_963 = arith.extui %sign3A_962 : i1 to i32
      %sign3A_964 = arith.constant 0 : i32
      %sign3A_965 = arith.cmpi slt, %sub3A_958, %sign3A_964 : i32
      %sign3A_966 = arith.extui %sign3A_965 : i1 to i32
      %sign3A_967 = arith.subi %sign3A_963, %sign3A_966 : i32
      %sign3A_968 = arith.constant 0 : i32
      %sign3A_969 = arith.cmpi sgt, %jit3A_959, %sign3A_968 : i32
      %sign3A_970 = arith.extui %sign3A_969 : i1 to i32
      %sign3A_971 = arith.constant 0 : i32
      %sign3A_972 = arith.cmpi slt, %jit3A_959, %sign3A_971 : i32
      %sign3A_973 = arith.extui %sign3A_972 : i1 to i32
      %sign3A_974 = arith.subi %sign3A_970, %sign3A_973 : i32
      %ne3A_975 = arith.cmpi ne, %sign3A_967, %sign3A_974 : i32
      %rem3A_976 = arith.remsi %sub3A_958, %jit3A_959 : i32
      %ne3A_977 = arith.constant 0 : i32
      %ne3A_978 = arith.cmpi ne, %rem3A_976, %ne3A_977 : i32
      %and3A_979 = arith.andi %ne3A_975, %ne3A_978 : i1
      %sub3A_980 = arith.constant 1 : i32
      %sub3A_981 = arith.subi %div3A_960, %sub3A_980 : i32
      %select_n3A_982 = arith.select %and3A_979, %sub3A_981, %div3A_960 : i32
      %add3A_983 = arith.addi %mul3A_2, %select_n3A_982 : i32
      %jit3A_984 = arith.constant 5 : i32
      %eq3A_985 = arith.constant 0 : i32
      %eq3A_986 = arith.cmpi eq, %jit3A_984, %eq3A_985 : i32
      %jit3A_987 = arith.constant 1 : i32
      %select_n3A_988 = arith.select %eq3A_986, %jit3A_987, %jit3A_984 : i32
      %rem3A_989 = arith.remsi %sub3A_958, %select_n3A_988 : i32
      %ne3A_990 = arith.constant 0 : i32
      %ne3A_991 = arith.cmpi ne, %rem3A_989, %ne3A_990 : i32
      %lt3A_992 = arith.constant 0 : i32
      %lt3A_993 = arith.cmpi slt, %rem3A_989, %lt3A_992 : i32
      %lt3A_994 = arith.constant 0 : i32
      %lt3A_995 = arith.cmpi slt, %select_n3A_988, %lt3A_994 : i32
      %ne3A_996 = arith.xori %lt3A_993, %lt3A_995 : i1
      %and3A_997 = arith.andi %ne3A_996, %ne3A_991 : i1
      %add3A_998 = arith.addi %rem3A_989, %select_n3A_988 : i32
      %select_n3A_999 = arith.select %and3A_997, %add3A_998, %rem3A_989 : i32
      %mul3A_1000 = arith.constant 2048 : i32
      %mul3A_1001 = arith.muli %select_n3A_999, %mul3A_1000 : i32
      %add3A_1002 = arith.constant 0 : i32
      %add3A_1003 = arith.addi %add3A_1002, %mul3A_1001 : i32
      %dma_wait3A_1004 = arith.constant 0 : i32
      %dma_wait3A_1005 = tpu.memref_slice %arg9[%dma_wait3A_1004] : memref<4608xf32, #tpu.memory_space<vmem>> -> memref<2048xf32, #tpu.memory_space<vmem>>
      %dma_wait3A_1006 = tpu.memref_slice %arg3[%add3A_983, %add3A_1003] : memref<128x23552xf32, #tpu.memory_space<hbm>> -> memref<1x2048xf32, #tpu.memory_space<hbm>>
      %dma_wait3A_1007 = tpu.memref_squeeze %dma_wait3A_1006 : memref<1x2048xf32, #tpu.memory_space<hbm>> -> memref<2048xf32, #tpu.memory_space<hbm>>
      %dma_wait3A_1008 = tpu.memref_slice %arg3[%add3A_983, %add3A_1003] : memref<128x23552xf32, #tpu.memory_space<hbm>> -> memref<1x2048xf32, #tpu.memory_space<hbm>>
      %dma_wait3A_1009 = tpu.memref_squeeze %dma_wait3A_1008 : memref<1x2048xf32, #tpu.memory_space<hbm>> -> memref<2048xf32, #tpu.memory_space<hbm>>
      %dma_wait3A_1010 = arith.constant 0 : i32
      %dma_wait3A_1011 = tpu.memref_slice %arg9[%dma_wait3A_1010] : memref<4608xf32, #tpu.memory_space<vmem>> -> memref<2048xf32, #tpu.memory_space<vmem>>
      tpu.wait_dma2 semaphore(%arg18 : memref<!tpu.dma_semaphore, #tpu.memory_space<semaphore_mem>>) src(%dma_wait3A_1011 : memref<2048xf32, #tpu.memory_space<vmem>>) dst(%dma_wait3A_1009 : memref<2048xf32, #tpu.memory_space<hbm>>)
      %jit3A_1012 = arith.constant 5 : i32
      %div3A_1013 = arith.divsi %add3A_956, %jit3A_1012 : i32
      %sign3A_1014 = arith.constant 0 : i32
      %sign3A_1015 = arith.cmpi sgt, %add3A_956, %sign3A_1014 : i32
      %sign3A_1016 = arith.extui %sign3A_1015 : i1 to i32
      %sign3A_1017 = arith.constant 0 : i32
      %sign3A_1018 = arith.cmpi slt, %add3A_956, %sign3A_1017 : i32
      %sign3A_1019 = arith.extui %sign3A_1018 : i1 to i32
      %sign3A_1020 = arith.subi %sign3A_1016, %sign3A_1019 : i32
      %sign3A_1021 = arith.constant 0 : i32
      %sign3A_1022 = arith.cmpi sgt, %jit3A_1012, %sign3A_1021 : i32
      %sign3A_1023 = arith.extui %sign3A_1022 : i1 to i32
      %sign3A_1024 = arith.constant 0 : i32
      %sign3A_1025 = arith.cmpi slt, %jit3A_1012, %sign3A_1024 : i32
      %sign3A_1026 = arith.extui %sign3A_1025 : i1 to i32
      %sign3A_1027 = arith.subi %sign3A_1023, %sign3A_1026 : i32
      %ne3A_1028 = arith.cmpi ne, %sign3A_1020, %sign3A_1027 : i32
      %rem3A_1029 = arith.remsi %add3A_956, %jit3A_1012 : i32
      %ne3A_1030 = arith.constant 0 : i32
      %ne3A_1031 = arith.cmpi ne, %rem3A_1029, %ne3A_1030 : i32
      %and3A_1032 = arith.andi %ne3A_1028, %ne3A_1031 : i1
      %sub3A_1033 = arith.constant 1 : i32
      %sub3A_1034 = arith.subi %div3A_1013, %sub3A_1033 : i32
      %select_n3A_1035 = arith.select %and3A_1032, %sub3A_1034, %div3A_1013 : i32
      %add3A_1036 = arith.addi %mul3A_2, %select_n3A_1035 : i32
      %jit3A_1037 = arith.constant 5 : i32
      %eq3A_1038 = arith.constant 0 : i32
      %eq3A_1039 = arith.cmpi eq, %jit3A_1037, %eq3A_1038 : i32
      %jit3A_1040 = arith.constant 1 : i32
      %select_n3A_1041 = arith.select %eq3A_1039, %jit3A_1040, %jit3A_1037 : i32
      %rem3A_1042 = arith.remsi %add3A_956, %select_n3A_1041 : i32
      %ne3A_1043 = arith.constant 0 : i32
      %ne3A_1044 = arith.cmpi ne, %rem3A_1042, %ne3A_1043 : i32
      %lt3A_1045 = arith.constant 0 : i32
      %lt3A_1046 = arith.cmpi slt, %rem3A_1042, %lt3A_1045 : i32
      %lt3A_1047 = arith.constant 0 : i32
      %lt3A_1048 = arith.cmpi slt, %select_n3A_1041, %lt3A_1047 : i32
      %ne3A_1049 = arith.xori %lt3A_1046, %lt3A_1048 : i1
      %and3A_1050 = arith.andi %ne3A_1049, %ne3A_1044 : i1
      %add3A_1051 = arith.addi %rem3A_1042, %select_n3A_1041 : i32
      %select_n3A_1052 = arith.select %and3A_1050, %add3A_1051, %rem3A_1042 : i32
      %mul3A_1053 = arith.constant 16384 : i32
      %mul3A_1054 = arith.muli %select_n3A_1052, %mul3A_1053 : i32
      %add3A_1055 = arith.constant 0 : i32
      %add3A_1056 = arith.addi %add3A_1055, %mul3A_1054 : i32
      %dma_wait3A_1057 = arith.constant 0 : i32
      %dma_wait3A_1058 = tpu.memref_slice %arg8[%dma_wait3A_1057] : memref<18432xf32, #tpu.memory_space<vmem>> -> memref<16384xf32, #tpu.memory_space<vmem>>
      %dma_wait3A_1059 = tpu.memref_slice %arg2[%add3A_1036, %add3A_1056] : memref<128x122880xf32, #tpu.memory_space<hbm>> -> memref<1x16384xf32, #tpu.memory_space<hbm>>
      %dma_wait3A_1060 = tpu.memref_squeeze %dma_wait3A_1059 : memref<1x16384xf32, #tpu.memory_space<hbm>> -> memref<16384xf32, #tpu.memory_space<hbm>>
      %dma_wait3A_1061 = arith.constant 0 : i32
      %dma_wait3A_1062 = tpu.memref_slice %arg8[%dma_wait3A_1061] : memref<18432xf32, #tpu.memory_space<vmem>> -> memref<16384xf32, #tpu.memory_space<vmem>>
      %dma_wait3A_1063 = tpu.memref_slice %arg2[%add3A_1036, %add3A_1056] : memref<128x122880xf32, #tpu.memory_space<hbm>> -> memref<1x16384xf32, #tpu.memory_space<hbm>>
      %dma_wait3A_1064 = tpu.memref_squeeze %dma_wait3A_1063 : memref<1x16384xf32, #tpu.memory_space<hbm>> -> memref<16384xf32, #tpu.memory_space<hbm>>
      tpu.wait_dma2 semaphore(%arg17 : memref<!tpu.dma_semaphore, #tpu.memory_space<semaphore_mem>>) src(%dma_wait3A_1064 : memref<16384xf32, #tpu.memory_space<hbm>>) dst(%dma_wait3A_1062 : memref<16384xf32, #tpu.memory_space<vmem>>)
      %parallel_loop3A_1065 = arith.constant 0 : i32
      %parallel_loop3A_1066 = arith.constant 128 : i32
      %parallel_loop3A_1067 = arith.constant 1 : i32
      scf.for %parallel_loop3A_1128 = %parallel_loop3A_1065 to %parallel_loop3A_1066 step %parallel_loop3A_1067  : i32 {
        %parallel_loop3A_1129 = arith.constant 128 : i32
        %parallel_loop3A_1130 = arith.muli %parallel_loop3A_1128, %parallel_loop3A_1129 : i32
        %parallel_loop3A_1131 = vector.broadcast %parallel_loop3A_1130 : i32 to vector<16xi32>
        %parallel_loop3A_1132 = arith.addi %mul3A_28, %parallel_loop3A_1131 : vector<16xi32>
        %parallel_loop3A_1133 = tpu.vector_load_idx %arg8[%parallel_loop3A_1132] : memref<18432xf32, #tpu.memory_space<vmem>>[vector<16xi32>], vector<16xf32>,
        %parallel_loop3A_1134 = arith.constant 16 : i32
        %parallel_loop3A_1135 = arith.muli %parallel_loop3A_1128, %parallel_loop3A_1134 : i32
        %parallel_loop3A_1136 = arith.index_cast %parallel_loop3A_1135 : i32 to index
        %parallel_loop3A_1137 = tpu.vector_load %arg9[%parallel_loop3A_1136] {strides = array<i32>} : memref<4608xf32, #tpu.memory_space<vmem>>, vector<16xf32>,
        tpu.vector_store %arg9[%parallel_loop3A_1136], %parallel_loop3A_1133 {strides = array<i32>} : memref<4608xf32, #tpu.memory_space<vmem>>, vector<16xf32>,
      } {sc.loop_unroll_factor = 8 : i64, sc.parallel_access}
      %jit3A_1068 = arith.constant 5 : i32
      %div3A_1069 = arith.divsi %add3A_956, %jit3A_1068 : i32
      %sign3A_1070 = arith.constant 0 : i32
      %sign3A_1071 = arith.cmpi sgt, %add3A_956, %sign3A_1070 : i32
      %sign3A_1072 = arith.extui %sign3A_1071 : i1 to i32
      %sign3A_1073 = arith.constant 0 : i32
      %sign3A_1074 = arith.cmpi slt, %add3A_956, %sign3A_1073 : i32
      %sign3A_1075 = arith.extui %sign3A_1074 : i1 to i32
      %sign3A_1076 = arith.subi %sign3A_1072, %sign3A_1075 : i32
      %sign3A_1077 = arith.constant 0 : i32
      %sign3A_1078 = arith.cmpi sgt, %jit3A_1068, %sign3A_1077 : i32
      %sign3A_1079 = arith.extui %sign3A_1078 : i1 to i32
      %sign3A_1080 = arith.constant 0 : i32
      %sign3A_1081 = arith.cmpi slt, %jit3A_1068, %sign3A_1080 : i32
      %sign3A_1082 = arith.extui %sign3A_1081 : i1 to i32
      %sign3A_1083 = arith.subi %sign3A_1079, %sign3A_1082 : i32
      %ne3A_1084 = arith.cmpi ne, %sign3A_1076, %sign3A_1083 : i32
      %rem3A_1085 = arith.remsi %add3A_956, %jit3A_1068 : i32
      %ne3A_1086 = arith.constant 0 : i32
      %ne3A_1087 = arith.cmpi ne, %rem3A_1085, %ne3A_1086 : i32
      %and3A_1088 = arith.andi %ne3A_1084, %ne3A_1087 : i1
      %sub3A_1089 = arith.constant 1 : i32
      %sub3A_1090 = arith.subi %div3A_1069, %sub3A_1089 : i32
      %select_n3A_1091 = arith.select %and3A_1088, %sub3A_1090, %div3A_1069 : i32
      %add3A_1092 = arith.addi %mul3A_2, %select_n3A_1091 : i32
      %jit3A_1093 = arith.constant 5 : i32
      %eq3A_1094 = arith.constant 0 : i32
      %eq3A_1095 = arith.cmpi eq, %jit3A_1093, %eq3A_1094 : i32
      %jit3A_1096 = arith.constant 1 : i32
      %select_n3A_1097 = arith.select %eq3A_1095, %jit3A_1096, %jit3A_1093 : i32
      %rem3A_1098 = arith.remsi %add3A_956, %select_n3A_1097 : i32
      %ne3A_1099 = arith.constant 0 : i32
      %ne3A_1100 = arith.cmpi ne, %rem3A_1098, %ne3A_1099 : i32
      %lt3A_1101 = arith.constant 0 : i32
      %lt3A_1102 = arith.cmpi slt, %rem3A_1098, %lt3A_1101 : i32
      %lt3A_1103 = arith.constant 0 : i32
      %lt3A_1104 = arith.cmpi slt, %select_n3A_1097, %lt3A_1103 : i32
      %ne3A_1105 = arith.xori %lt3A_1102, %lt3A_1104 : i1
      %and3A_1106 = arith.andi %ne3A_1105, %ne3A_1100 : i1
      %add3A_1107 = arith.addi %rem3A_1098, %select_n3A_1097 : i32
      %select_n3A_1108 = arith.select %and3A_1106, %add3A_1107, %rem3A_1098 : i32
      %mul3A_1109 = arith.constant 2048 : i32
      %mul3A_1110 = arith.muli %select_n3A_1108, %mul3A_1109 : i32
      %add3A_1111 = arith.constant 0 : i32
      %add3A_1112 = arith.addi %add3A_1111, %mul3A_1110 : i32
      %dma_start3A_1113 = arith.constant 0 : i32
      %dma_start3A_1114 = tpu.memref_slice %arg9[%dma_start3A_1113] : memref<4608xf32, #tpu.memory_space<vmem>> -> memref<2048xf32, #tpu.memory_space<vmem>>
      %dma_start3A_1115 = tpu.memref_slice %arg3[%add3A_1092, %add3A_1112] : memref<128x23552xf32, #tpu.memory_space<hbm>> -> memref<1x2048xf32, #tpu.memory_space<hbm>>
      %dma_start3A_1116 = tpu.memref_squeeze %dma_start3A_1115 : memref<1x2048xf32, #tpu.memory_space<hbm>> -> memref<2048xf32, #tpu.memory_space<hbm>>
      %dma_start3A_1117 = tpu.memref_slice %arg3[%add3A_1092, %add3A_1112] : memref<128x23552xf32, #tpu.memory_space<hbm>> -> memref<1x2048xf32, #tpu.memory_space<hbm>>
      %dma_start3A_1118 = tpu.memref_squeeze %dma_start3A_1117 : memref<1x2048xf32, #tpu.memory_space<hbm>> -> memref<2048xf32, #tpu.memory_space<hbm>>
      %dma_start3A_1119 = arith.constant 0 : i32
      %dma_start3A_1120 = tpu.memref_slice %arg9[%dma_start3A_1119] : memref<4608xf32, #tpu.memory_space<vmem>> -> memref<2048xf32, #tpu.memory_space<vmem>>
      tpu.enqueue_dma source(%dma_start3A_1120 : memref<2048xf32, #tpu.memory_space<vmem>>) target(%dma_start3A_1118 : memref<2048xf32, #tpu.memory_space<hbm>>) target_semaphore(%arg18 : memref<!tpu.dma_semaphore, #tpu.memory_space<semaphore_mem>>)
      %add3A_1121 = arith.constant 1 : i32
      %add3A_1122 = arith.addi %scan3A_366, %add3A_1121 : i32
      %lt3A_1123 = arith.constant 4 : i32
      %lt3A_1124 = arith.cmpi slt, %add3A_1122, %lt3A_1123 : i32
      %convert_element_type3A_1125 = arith.extui %lt3A_1124 : i1 to i32
      %cond3A_1126 = arith.constant 0 : i32
      %cond3A_1127 = arith.cmpi ne, %convert_element_type3A_1125, %cond3A_1126 : i32
      scf.if %cond3A_1127 {
        %add3A_1128 = arith.constant 5 : i32
        %add3A_1129 = arith.addi %add3A_956, %add3A_1128 : i32
        %jit3A_1130 = arith.constant 5 : i32
        %div3A_1131 = arith.divsi %add3A_1129, %jit3A_1130 : i32
        %sign3A_1132 = arith.constant 0 : i32
        %sign3A_1133 = arith.cmpi sgt, %add3A_1129, %sign3A_1132 : i32
        %sign3A_1134 = arith.extui %sign3A_1133 : i1 to i32
        %sign3A_1135 = arith.constant 0 : i32
        %sign3A_1136 = arith.cmpi slt, %add3A_1129, %sign3A_1135 : i32
        %sign3A_1137 = arith.extui %sign3A_1136 : i1 to i32
        %sign3A_1138 = arith.subi %sign3A_1134, %sign3A_1137 : i32
        %sign3A_1139 = arith.constant 0 : i32
        %sign3A_1140 = arith.cmpi sgt, %jit3A_1130, %sign3A_1139 : i32
        %sign3A_1141 = arith.extui %sign3A_1140 : i1 to i32
        %sign3A_1142 = arith.constant 0 : i32
        %sign3A_1143 = arith.cmpi slt, %jit3A_1130, %sign3A_1142 : i32
        %sign3A_1144 = arith.extui %sign3A_1143 : i1 to i32
        %sign3A_1145 = arith.subi %sign3A_1141, %sign3A_1144 : i32
        %ne3A_1146 = arith.cmpi ne, %sign3A_1138, %sign3A_1145 : i32
        %rem3A_1147 = arith.remsi %add3A_1129, %jit3A_1130 : i32
        %ne3A_1148 = arith.constant 0 : i32
        %ne3A_1149 = arith.cmpi ne, %rem3A_1147, %ne3A_1148 : i32
        %and3A_1150 = arith.andi %ne3A_1146, %ne3A_1149 : i1
        %sub3A_1151 = arith.constant 1 : i32
        %sub3A_1152 = arith.subi %div3A_1131, %sub3A_1151 : i32
        %select_n3A_1153 = arith.select %and3A_1150, %sub3A_1152, %div3A_1131 : i32
        %add3A_1154 = arith.addi %mul3A_2, %select_n3A_1153 : i32
        %jit3A_1155 = arith.constant 5 : i32
        %eq3A_1156 = arith.constant 0 : i32
        %eq3A_1157 = arith.cmpi eq, %jit3A_1155, %eq3A_1156 : i32
        %jit3A_1158 = arith.constant 1 : i32
        %select_n3A_1159 = arith.select %eq3A_1157, %jit3A_1158, %jit3A_1155 : i32
        %rem3A_1160 = arith.remsi %add3A_1129, %select_n3A_1159 : i32
        %ne3A_1161 = arith.constant 0 : i32
        %ne3A_1162 = arith.cmpi ne, %rem3A_1160, %ne3A_1161 : i32
        %lt3A_1163 = arith.constant 0 : i32
        %lt3A_1164 = arith.cmpi slt, %rem3A_1160, %lt3A_1163 : i32
        %lt3A_1165 = arith.constant 0 : i32
        %lt3A_1166 = arith.cmpi slt, %select_n3A_1159, %lt3A_1165 : i32
        %ne3A_1167 = arith.xori %lt3A_1164, %lt3A_1166 : i1
        %and3A_1168 = arith.andi %ne3A_1167, %ne3A_1162 : i1
        %add3A_1169 = arith.addi %rem3A_1160, %select_n3A_1159 : i32
        %select_n3A_1170 = arith.select %and3A_1168, %add3A_1169, %rem3A_1160 : i32
        %mul3A_1171 = arith.constant 16384 : i32
        %mul3A_1172 = arith.muli %select_n3A_1170, %mul3A_1171 : i32
        %add3A_1173 = arith.constant 0 : i32
        %add3A_1174 = arith.addi %add3A_1173, %mul3A_1172 : i32
        %dma_start3A_1175 = arith.constant 0 : i32
        %dma_start3A_1176 = tpu.memref_slice %arg8[%dma_start3A_1175] : memref<18432xf32, #tpu.memory_space<vmem>> -> memref<16384xf32, #tpu.memory_space<vmem>>
        %dma_start3A_1177 = tpu.memref_slice %arg2[%add3A_1154, %add3A_1174] : memref<128x122880xf32, #tpu.memory_space<hbm>> -> memref<1x16384xf32, #tpu.memory_space<hbm>>
        %dma_start3A_1178 = tpu.memref_squeeze %dma_start3A_1177 : memref<1x16384xf32, #tpu.memory_space<hbm>> -> memref<16384xf32, #tpu.memory_space<hbm>>
        %dma_start3A_1179 = arith.constant 0 : i32
        %dma_start3A_1180 = tpu.memref_slice %arg8[%dma_start3A_1179] : memref<18432xf32, #tpu.memory_space<vmem>> -> memref<16384xf32, #tpu.memory_space<vmem>>
        %dma_start3A_1181 = tpu.memref_slice %arg2[%add3A_1154, %add3A_1174] : memref<128x122880xf32, #tpu.memory_space<hbm>> -> memref<1x16384xf32, #tpu.memory_space<hbm>>
        %dma_start3A_1182 = tpu.memref_squeeze %dma_start3A_1181 : memref<1x16384xf32, #tpu.memory_space<hbm>> -> memref<16384xf32, #tpu.memory_space<hbm>>
        tpu.enqueue_dma source(%dma_start3A_1182 : memref<16384xf32, #tpu.memory_space<hbm>>) target(%dma_start3A_1180 : memref<16384xf32, #tpu.memory_space<vmem>>) target_semaphore(%arg17 : memref<!tpu.dma_semaphore, #tpu.memory_space<semaphore_mem>>)
      } else {
      }
    }
    %scan3A_93 = arith.constant 4 : i32
    %add3A_94 = arith.constant 3 : i32
    %add3A_95 = arith.addi %mul3A_2, %add3A_94 : i32
    %dma_wait3A = arith.constant 0 : i32
    %dma_wait3A_96 = tpu.memref_slice %arg9[%dma_wait3A] : memref<4608xf32, #tpu.memory_space<vmem>> -> memref<2048xf32, #tpu.memory_space<vmem>>
    %dma_wait3A_97 = arith.constant 8192 : i32
    %dma_wait3A_98 = tpu.memref_slice %arg3[%add3A_95, %dma_wait3A_97] : memref<128x23552xf32, #tpu.memory_space<hbm>> -> memref<1x2048xf32, #tpu.memory_space<hbm>>
    %dma_wait3A_99 = tpu.memref_squeeze %dma_wait3A_98 : memref<1x2048xf32, #tpu.memory_space<hbm>> -> memref<2048xf32, #tpu.memory_space<hbm>>
    %dma_wait3A_100 = arith.constant 8192 : i32
    %dma_wait3A_101 = tpu.memref_slice %arg3[%add3A_95, %dma_wait3A_100] : memref<128x23552xf32, #tpu.memory_space<hbm>> -> memref<1x2048xf32, #tpu.memory_space<hbm>>
    %dma_wait3A_102 = tpu.memref_squeeze %dma_wait3A_101 : memref<1x2048xf32, #tpu.memory_space<hbm>> -> memref<2048xf32, #tpu.memory_space<hbm>>
    %dma_wait3A_103 = arith.constant 0 : i32
    %dma_wait3A_104 = tpu.memref_slice %arg9[%dma_wait3A_103] : memref<4608xf32, #tpu.memory_space<vmem>> -> memref<2048xf32, #tpu.memory_space<vmem>>
    tpu.wait_dma2 semaphore(%arg18 : memref<!tpu.dma_semaphore, #tpu.memory_space<semaphore_mem>>) src(%dma_wait3A_104 : memref<2048xf32, #tpu.memory_space<vmem>>) dst(%dma_wait3A_102 : memref<2048xf32, #tpu.memory_space<hbm>>)
    %add3A_105 = arith.constant 3 : i32
    %add3A_106 = arith.addi %mul3A_2, %add3A_105 : i32
    %dma_wait3A_107 = arith.constant 0 : i32
    %dma_wait3A_108 = tpu.memref_slice %arg10[%dma_wait3A_107] : memref<4608xf32, #tpu.memory_space<vmem>> -> memref<2048xf32, #tpu.memory_space<vmem>>
    %dma_wait3A_109 = arith.constant 6144 : i32
    %dma_wait3A_110 = tpu.memref_slice %arg3[%add3A_106, %dma_wait3A_109] : memref<128x23552xf32, #tpu.memory_space<hbm>> -> memref<1x2048xf32, #tpu.memory_space<hbm>>
    %dma_wait3A_111 = tpu.memref_squeeze %dma_wait3A_110 : memref<1x2048xf32, #tpu.memory_space<hbm>> -> memref<2048xf32, #tpu.memory_space<hbm>>
    %dma_wait3A_112 = arith.constant 6144 : i32
    %dma_wait3A_113 = tpu.memref_slice %arg3[%add3A_106, %dma_wait3A_112] : memref<128x23552xf32, #tpu.memory_space<hbm>> -> memref<1x2048xf32, #tpu.memory_space<hbm>>
    %dma_wait3A_114 = tpu.memref_squeeze %dma_wait3A_113 : memref<1x2048xf32, #tpu.memory_space<hbm>> -> memref<2048xf32, #tpu.memory_space<hbm>>
    %dma_wait3A_115 = arith.constant 0 : i32
    %dma_wait3A_116 = tpu.memref_slice %arg10[%dma_wait3A_115] : memref<4608xf32, #tpu.memory_space<vmem>> -> memref<2048xf32, #tpu.memory_space<vmem>>
    tpu.wait_dma2 semaphore(%arg19 : memref<!tpu.dma_semaphore, #tpu.memory_space<semaphore_mem>>) src(%dma_wait3A_116 : memref<2048xf32, #tpu.memory_space<vmem>>) dst(%dma_wait3A_114 : memref<2048xf32, #tpu.memory_space<hbm>>)
    %mul3A_117 = arith.constant 4 : i32
    %mul3A_118 = vector.broadcast %mul3A_117 : i32 to vector<16xi32>
    %mul3A_119 = arith.muli %iota3A, %mul3A_118 : vector<16xi32>
    %add3A_120 = arith.constant 0 : i32
    %add3A_121 = arith.addi %mul3A_2, %add3A_120 : i32
    %dma_start3A_122 = arith.constant 0 : i32
    %dma_start3A_123 = tpu.memref_slice %arg4[%dma_start3A_122] : memref<18432xf32, #tpu.memory_space<vmem>> -> memref<18432xf32, #tpu.memory_space<vmem>>
    %dma_start3A_124 = arith.constant 81920 : i32
    %dma_start3A_125 = tpu.memref_slice %arg2[%add3A_121, %dma_start3A_124] : memref<128x122880xf32, #tpu.memory_space<hbm>> -> memref<1x18432xf32, #tpu.memory_space<hbm>>
    %dma_start3A_126 = tpu.memref_squeeze %dma_start3A_125 : memref<1x18432xf32, #tpu.memory_space<hbm>> -> memref<18432xf32, #tpu.memory_space<hbm>>
    %dma_start3A_127 = arith.constant 0 : i32
    %dma_start3A_128 = tpu.memref_slice %arg4[%dma_start3A_127] : memref<18432xf32, #tpu.memory_space<vmem>> -> memref<18432xf32, #tpu.memory_space<vmem>>
    %dma_start3A_129 = arith.constant 81920 : i32
    %dma_start3A_130 = tpu.memref_slice %arg2[%add3A_121, %dma_start3A_129] : memref<128x122880xf32, #tpu.memory_space<hbm>> -> memref<1x18432xf32, #tpu.memory_space<hbm>>
    %dma_start3A_131 = tpu.memref_squeeze %dma_start3A_130 : memref<1x18432xf32, #tpu.memory_space<hbm>> -> memref<18432xf32, #tpu.memory_space<hbm>>
    tpu.enqueue_dma source(%dma_start3A_131 : memref<18432xf32, #tpu.memory_space<hbm>>) target(%dma_start3A_128 : memref<18432xf32, #tpu.memory_space<vmem>>) target_semaphore(%arg13 : memref<!tpu.dma_semaphore, #tpu.memory_space<semaphore_mem>>)
    %add3A_132 = arith.constant 0 : i32
    %add3A_133 = arith.addi %mul3A_2, %add3A_132 : i32
    %dma_start3A_134 = arith.constant 0 : i32
    %dma_start3A_135 = tpu.memref_slice %arg5[%dma_start3A_134] : memref<18432xf32, #tpu.memory_space<vmem>> -> memref<18432xf32, #tpu.memory_space<vmem>>
    %dma_start3A_136 = arith.constant 100352 : i32
    %dma_start3A_137 = tpu.memref_slice %arg2[%add3A_133, %dma_start3A_136] : memref<128x122880xf32, #tpu.memory_space<hbm>> -> memref<1x18432xf32, #tpu.memory_space<hbm>>
    %dma_start3A_138 = tpu.memref_squeeze %dma_start3A_137 : memref<1x18432xf32, #tpu.memory_space<hbm>> -> memref<18432xf32, #tpu.memory_space<hbm>>
    %dma_start3A_139 = arith.constant 0 : i32
    %dma_start3A_140 = tpu.memref_slice %arg5[%dma_start3A_139] : memref<18432xf32, #tpu.memory_space<vmem>> -> memref<18432xf32, #tpu.memory_space<vmem>>
    %dma_start3A_141 = arith.constant 100352 : i32
    %dma_start3A_142 = tpu.memref_slice %arg2[%add3A_133, %dma_start3A_141] : memref<128x122880xf32, #tpu.memory_space<hbm>> -> memref<1x18432xf32, #tpu.memory_space<hbm>>
    %dma_start3A_143 = tpu.memref_squeeze %dma_start3A_142 : memref<1x18432xf32, #tpu.memory_space<hbm>> -> memref<18432xf32, #tpu.memory_space<hbm>>
    tpu.enqueue_dma source(%dma_start3A_143 : memref<18432xf32, #tpu.memory_space<hbm>>) target(%dma_start3A_140 : memref<18432xf32, #tpu.memory_space<vmem>>) target_semaphore(%arg14 : memref<!tpu.dma_semaphore, #tpu.memory_space<semaphore_mem>>)
    %add3A_144 = arith.constant 1 : i32
    %add3A_145 = arith.addi %mul3A_2, %add3A_144 : i32
    %dma_start3A_146 = arith.constant 0 : i32
    %dma_start3A_147 = tpu.memref_slice %arg6[%dma_start3A_146] : memref<18432xf32, #tpu.memory_space<vmem>> -> memref<18432xf32, #tpu.memory_space<vmem>>
    %dma_start3A_148 = arith.constant 81920 : i32
    %dma_start3A_149 = tpu.memref_slice %arg2[%add3A_145, %dma_start3A_148] : memref<128x122880xf32, #tpu.memory_space<hbm>> -> memref<1x18432xf32, #tpu.memory_space<hbm>>
    %dma_start3A_150 = tpu.memref_squeeze %dma_start3A_149 : memref<1x18432xf32, #tpu.memory_space<hbm>> -> memref<18432xf32, #tpu.memory_space<hbm>>
    %dma_start3A_151 = arith.constant 0 : i32
    %dma_start3A_152 = tpu.memref_slice %arg6[%dma_start3A_151] : memref<18432xf32, #tpu.memory_space<vmem>> -> memref<18432xf32, #tpu.memory_space<vmem>>
    %dma_start3A_153 = arith.constant 81920 : i32
    %dma_start3A_154 = tpu.memref_slice %arg2[%add3A_145, %dma_start3A_153] : memref<128x122880xf32, #tpu.memory_space<hbm>> -> memref<1x18432xf32, #tpu.memory_space<hbm>>
    %dma_start3A_155 = tpu.memref_squeeze %dma_start3A_154 : memref<1x18432xf32, #tpu.memory_space<hbm>> -> memref<18432xf32, #tpu.memory_space<hbm>>
    tpu.enqueue_dma source(%dma_start3A_155 : memref<18432xf32, #tpu.memory_space<hbm>>) target(%dma_start3A_152 : memref<18432xf32, #tpu.memory_space<vmem>>) target_semaphore(%arg15 : memref<!tpu.dma_semaphore, #tpu.memory_space<semaphore_mem>>)
    %add3A_156 = arith.constant 1 : i32
    %add3A_157 = arith.addi %mul3A_2, %add3A_156 : i32
    %dma_start3A_158 = arith.constant 0 : i32
    %dma_start3A_159 = tpu.memref_slice %arg7[%dma_start3A_158] : memref<18432xf32, #tpu.memory_space<vmem>> -> memref<18432xf32, #tpu.memory_space<vmem>>
    %dma_start3A_160 = arith.constant 100352 : i32
    %dma_start3A_161 = tpu.memref_slice %arg2[%add3A_157, %dma_start3A_160] : memref<128x122880xf32, #tpu.memory_space<hbm>> -> memref<1x18432xf32, #tpu.memory_space<hbm>>
    %dma_start3A_162 = tpu.memref_squeeze %dma_start3A_161 : memref<1x18432xf32, #tpu.memory_space<hbm>> -> memref<18432xf32, #tpu.memory_space<hbm>>
    %dma_start3A_163 = arith.constant 0 : i32
    %dma_start3A_164 = tpu.memref_slice %arg7[%dma_start3A_163] : memref<18432xf32, #tpu.memory_space<vmem>> -> memref<18432xf32, #tpu.memory_space<vmem>>
    %dma_start3A_165 = arith.constant 100352 : i32
    %dma_start3A_166 = tpu.memref_slice %arg2[%add3A_157, %dma_start3A_165] : memref<128x122880xf32, #tpu.memory_space<hbm>> -> memref<1x18432xf32, #tpu.memory_space<hbm>>
    %dma_start3A_167 = tpu.memref_squeeze %dma_start3A_166 : memref<1x18432xf32, #tpu.memory_space<hbm>> -> memref<18432xf32, #tpu.memory_space<hbm>>
    tpu.enqueue_dma source(%dma_start3A_167 : memref<18432xf32, #tpu.memory_space<hbm>>) target(%dma_start3A_164 : memref<18432xf32, #tpu.memory_space<vmem>>) target_semaphore(%arg16 : memref<!tpu.dma_semaphore, #tpu.memory_space<semaphore_mem>>)
    %scan3A_168 = arith.constant 0 : i32
    %scan3A_169 = arith.constant 0 : i32
    %scan3A_170 = arith.constant 2 : i32
    %scan3A_171 = arith.addi %scan3A_169, %scan3A_170 : i32
    %scan3A_172 = arith.constant 1 : i32
    scf.for %scan3A_366 = %scan3A_169 to %scan3A_171 step %scan3A_172  : i32 {
      %mul3A_367 = arith.constant 4 : i32
      %mul3A_368 = arith.muli %mul3A_367, %scan3A_366 : i32
      %add3A_369 = arith.constant 0 : i32
      %add3A_370 = arith.addi %mul3A_368, %add3A_369 : i32
      %gt3A = arith.constant 0 : i32
      %gt3A_371 = arith.cmpi sgt, %scan3A_366, %gt3A : i32
      %convert_element_type3A = arith.extui %gt3A_371 : i1 to i32
      %cond3A = arith.constant 0 : i32
      %cond3A_372 = arith.cmpi ne, %convert_element_type3A, %cond3A : i32
      scf.if %cond3A_372 {
        %sub3A_953 = arith.constant 2 : i32
        %sub3A_954 = arith.subi %add3A_370, %sub3A_953 : i32
        %jit3A_955 = arith.constant 2 : i32
        %div3A_956 = arith.divsi %sub3A_954, %jit3A_955 : i32
        %sign3A_957 = arith.constant 0 : i32
        %sign3A_958 = arith.cmpi sgt, %sub3A_954, %sign3A_957 : i32
        %sign3A_959 = arith.extui %sign3A_958 : i1 to i32
        %sign3A_960 = arith.constant 0 : i32
        %sign3A_961 = arith.cmpi slt, %sub3A_954, %sign3A_960 : i32
        %sign3A_962 = arith.extui %sign3A_961 : i1 to i32
        %sign3A_963 = arith.subi %sign3A_959, %sign3A_962 : i32
        %sign3A_964 = arith.constant 0 : i32
        %sign3A_965 = arith.cmpi sgt, %jit3A_955, %sign3A_964 : i32
        %sign3A_966 = arith.extui %sign3A_965 : i1 to i32
        %sign3A_967 = arith.constant 0 : i32
        %sign3A_968 = arith.cmpi slt, %jit3A_955, %sign3A_967 : i32
        %sign3A_969 = arith.extui %sign3A_968 : i1 to i32
        %sign3A_970 = arith.subi %sign3A_966, %sign3A_969 : i32
        %ne3A_971 = arith.cmpi ne, %sign3A_963, %sign3A_970 : i32
        %rem3A_972 = arith.remsi %sub3A_954, %jit3A_955 : i32
        %ne3A_973 = arith.constant 0 : i32
        %ne3A_974 = arith.cmpi ne, %rem3A_972, %ne3A_973 : i32
        %and3A_975 = arith.andi %ne3A_971, %ne3A_974 : i1
        %sub3A_976 = arith.constant 1 : i32
        %sub3A_977 = arith.subi %div3A_956, %sub3A_976 : i32
        %select_n3A_978 = arith.select %and3A_975, %sub3A_977, %div3A_956 : i32
        %add3A_979 = arith.addi %mul3A_2, %select_n3A_978 : i32
        %jit3A_980 = arith.constant 2 : i32
        %eq3A_981 = arith.constant 0 : i32
        %eq3A_982 = arith.cmpi eq, %jit3A_980, %eq3A_981 : i32
        %jit3A_983 = arith.constant 1 : i32
        %select_n3A_984 = arith.select %eq3A_982, %jit3A_983, %jit3A_980 : i32
        %rem3A_985 = arith.remsi %sub3A_954, %select_n3A_984 : i32
        %ne3A_986 = arith.constant 0 : i32
        %ne3A_987 = arith.cmpi ne, %rem3A_985, %ne3A_986 : i32
        %lt3A_988 = arith.constant 0 : i32
        %lt3A_989 = arith.cmpi slt, %rem3A_985, %lt3A_988 : i32
        %lt3A_990 = arith.constant 0 : i32
        %lt3A_991 = arith.cmpi slt, %select_n3A_984, %lt3A_990 : i32
        %ne3A_992 = arith.xori %lt3A_989, %lt3A_991 : i1
        %and3A_993 = arith.andi %ne3A_992, %ne3A_987 : i1
        %add3A_994 = arith.addi %rem3A_985, %select_n3A_984 : i32
        %select_n3A_995 = arith.select %and3A_993, %add3A_994, %rem3A_985 : i32
        %mul3A_996 = arith.constant 4608 : i32
        %mul3A_997 = arith.muli %select_n3A_995, %mul3A_996 : i32
        %add3A_998 = arith.constant 10240 : i32
        %add3A_999 = arith.addi %add3A_998, %mul3A_997 : i32
        %dma_wait3A_1000 = arith.constant 0 : i32
        %dma_wait3A_1001 = tpu.memref_slice %arg9[%dma_wait3A_1000] : memref<4608xf32, #tpu.memory_space<vmem>> -> memref<4608xf32, #tpu.memory_space<vmem>>
        %dma_wait3A_1002 = tpu.memref_slice %arg3[%add3A_979, %add3A_999] : memref<128x23552xf32, #tpu.memory_space<hbm>> -> memref<1x4608xf32, #tpu.memory_space<hbm>>
        %dma_wait3A_1003 = tpu.memref_squeeze %dma_wait3A_1002 : memref<1x4608xf32, #tpu.memory_space<hbm>> -> memref<4608xf32, #tpu.memory_space<hbm>>
        %dma_wait3A_1004 = tpu.memref_slice %arg3[%add3A_979, %add3A_999] : memref<128x23552xf32, #tpu.memory_space<hbm>> -> memref<1x4608xf32, #tpu.memory_space<hbm>>
        %dma_wait3A_1005 = tpu.memref_squeeze %dma_wait3A_1004 : memref<1x4608xf32, #tpu.memory_space<hbm>> -> memref<4608xf32, #tpu.memory_space<hbm>>
        %dma_wait3A_1006 = arith.constant 0 : i32
        %dma_wait3A_1007 = tpu.memref_slice %arg9[%dma_wait3A_1006] : memref<4608xf32, #tpu.memory_space<vmem>> -> memref<4608xf32, #tpu.memory_space<vmem>>
        tpu.wait_dma2 semaphore(%arg18 : memref<!tpu.dma_semaphore, #tpu.memory_space<semaphore_mem>>) src(%dma_wait3A_1007 : memref<4608xf32, #tpu.memory_space<vmem>>) dst(%dma_wait3A_1005 : memref<4608xf32, #tpu.memory_space<hbm>>)
      } else {
      }
      %jit3A = arith.constant 2 : i32
      %div3A = arith.divsi %add3A_370, %jit3A : i32
      %sign3A = arith.constant 0 : i32
      %sign3A_373 = arith.cmpi sgt, %add3A_370, %sign3A : i32
      %sign3A_374 = arith.extui %sign3A_373 : i1 to i32
      %sign3A_375 = arith.constant 0 : i32
      %sign3A_376 = arith.cmpi slt, %add3A_370, %sign3A_375 : i32
      %sign3A_377 = arith.extui %sign3A_376 : i1 to i32
      %sign3A_378 = arith.subi %sign3A_374, %sign3A_377 : i32
      %sign3A_379 = arith.constant 0 : i32
      %sign3A_380 = arith.cmpi sgt, %jit3A, %sign3A_379 : i32
      %sign3A_381 = arith.extui %sign3A_380 : i1 to i32
      %sign3A_382 = arith.constant 0 : i32
      %sign3A_383 = arith.cmpi slt, %jit3A, %sign3A_382 : i32
      %sign3A_384 = arith.extui %sign3A_383 : i1 to i32
      %sign3A_385 = arith.subi %sign3A_381, %sign3A_384 : i32
      %ne3A = arith.cmpi ne, %sign3A_378, %sign3A_385 : i32
      %rem3A = arith.remsi %add3A_370, %jit3A : i32
      %ne3A_386 = arith.constant 0 : i32
      %ne3A_387 = arith.cmpi ne, %rem3A, %ne3A_386 : i32
      %and3A = arith.andi %ne3A, %ne3A_387 : i1
      %sub3A = arith.constant 1 : i32
      %sub3A_388 = arith.subi %div3A, %sub3A : i32
      %select_n3A = arith.select %and3A, %sub3A_388, %div3A : i32
      %add3A_389 = arith.addi %mul3A_2, %select_n3A : i32
      %jit3A_390 = arith.constant 2 : i32
      %eq3A = arith.constant 0 : i32
      %eq3A_391 = arith.cmpi eq, %jit3A_390, %eq3A : i32
      %jit3A_392 = arith.constant 1 : i32
      %select_n3A_393 = arith.select %eq3A_391, %jit3A_392, %jit3A_390 : i32
      %rem3A_394 = arith.remsi %add3A_370, %select_n3A_393 : i32
      %ne3A_395 = arith.constant 0 : i32
      %ne3A_396 = arith.cmpi ne, %rem3A_394, %ne3A_395 : i32
      %lt3A = arith.constant 0 : i32
      %lt3A_397 = arith.cmpi slt, %rem3A_394, %lt3A : i32
      %lt3A_398 = arith.constant 0 : i32
      %lt3A_399 = arith.cmpi slt, %select_n3A_393, %lt3A_398 : i32
      %ne3A_400 = arith.xori %lt3A_397, %lt3A_399 : i1
      %and3A_401 = arith.andi %ne3A_400, %ne3A_396 : i1
      %add3A_402 = arith.addi %rem3A_394, %select_n3A_393 : i32
      %select_n3A_403 = arith.select %and3A_401, %add3A_402, %rem3A_394 : i32
      %mul3A_404 = arith.constant 18432 : i32
      %mul3A_405 = arith.muli %select_n3A_403, %mul3A_404 : i32
      %add3A_406 = arith.constant 81920 : i32
      %add3A_407 = arith.addi %add3A_406, %mul3A_405 : i32
      %dma_wait3A_408 = arith.constant 0 : i32
      %dma_wait3A_409 = tpu.memref_slice %arg4[%dma_wait3A_408] : memref<18432xf32, #tpu.memory_space<vmem>> -> memref<18432xf32, #tpu.memory_space<vmem>>
      %dma_wait3A_410 = tpu.memref_slice %arg2[%add3A_389, %add3A_407] : memref<128x122880xf32, #tpu.memory_space<hbm>> -> memref<1x18432xf32, #tpu.memory_space<hbm>>
      %dma_wait3A_411 = tpu.memref_squeeze %dma_wait3A_410 : memref<1x18432xf32, #tpu.memory_space<hbm>> -> memref<18432xf32, #tpu.memory_space<hbm>>
      %dma_wait3A_412 = arith.constant 0 : i32
      %dma_wait3A_413 = tpu.memref_slice %arg4[%dma_wait3A_412] : memref<18432xf32, #tpu.memory_space<vmem>> -> memref<18432xf32, #tpu.memory_space<vmem>>
      %dma_wait3A_414 = tpu.memref_slice %arg2[%add3A_389, %add3A_407] : memref<128x122880xf32, #tpu.memory_space<hbm>> -> memref<1x18432xf32, #tpu.memory_space<hbm>>
      %dma_wait3A_415 = tpu.memref_squeeze %dma_wait3A_414 : memref<1x18432xf32, #tpu.memory_space<hbm>> -> memref<18432xf32, #tpu.memory_space<hbm>>
      tpu.wait_dma2 semaphore(%arg13 : memref<!tpu.dma_semaphore, #tpu.memory_space<semaphore_mem>>) src(%dma_wait3A_415 : memref<18432xf32, #tpu.memory_space<hbm>>) dst(%dma_wait3A_413 : memref<18432xf32, #tpu.memory_space<vmem>>)
      %parallel_loop3A = arith.constant 0 : i32
      %parallel_loop3A_416 = arith.constant 288 : i32
      %parallel_loop3A_417 = arith.constant 1 : i32
      scf.for %parallel_loop3A_953 = %parallel_loop3A to %parallel_loop3A_416 step %parallel_loop3A_417  : i32 {
        %parallel_loop3A_954 = arith.constant 64 : i32
        %parallel_loop3A_955 = arith.muli %parallel_loop3A_953, %parallel_loop3A_954 : i32
        %parallel_loop3A_956 = vector.broadcast %parallel_loop3A_955 : i32 to vector<16xi32>
        %parallel_loop3A_957 = arith.addi %mul3A_119, %parallel_loop3A_956 : vector<16xi32>
        %parallel_loop3A_958 = tpu.vector_load_idx %arg4[%parallel_loop3A_957] : memref<18432xf32, #tpu.memory_space<vmem>>[vector<16xi32>], vector<16xf32>,
        %parallel_loop3A_959 = arith.constant 16 : i32
        %parallel_loop3A_960 = arith.muli %parallel_loop3A_953, %parallel_loop3A_959 : i32
        %parallel_loop3A_961 = arith.index_cast %parallel_loop3A_960 : i32 to index
        %parallel_loop3A_962 = tpu.vector_load %arg9[%parallel_loop3A_961] {strides = array<i32>} : memref<4608xf32, #tpu.memory_space<vmem>>, vector<16xf32>,
        tpu.vector_store %arg9[%parallel_loop3A_961], %parallel_loop3A_958 {strides = array<i32>} : memref<4608xf32, #tpu.memory_space<vmem>>, vector<16xf32>,
      } {sc.loop_unroll_factor = 8 : i64, sc.parallel_access}
      %jit3A_418 = arith.constant 2 : i32
      %div3A_419 = arith.divsi %add3A_370, %jit3A_418 : i32
      %sign3A_420 = arith.constant 0 : i32
      %sign3A_421 = arith.cmpi sgt, %add3A_370, %sign3A_420 : i32
      %sign3A_422 = arith.extui %sign3A_421 : i1 to i32
      %sign3A_423 = arith.constant 0 : i32
      %sign3A_424 = arith.cmpi slt, %add3A_370, %sign3A_423 : i32
      %sign3A_425 = arith.extui %sign3A_424 : i1 to i32
      %sign3A_426 = arith.subi %sign3A_422, %sign3A_425 : i32
      %sign3A_427 = arith.constant 0 : i32
      %sign3A_428 = arith.cmpi sgt, %jit3A_418, %sign3A_427 : i32
      %sign3A_429 = arith.extui %sign3A_428 : i1 to i32
      %sign3A_430 = arith.constant 0 : i32
      %sign3A_431 = arith.cmpi slt, %jit3A_418, %sign3A_430 : i32
      %sign3A_432 = arith.extui %sign3A_431 : i1 to i32
      %sign3A_433 = arith.subi %sign3A_429, %sign3A_432 : i32
      %ne3A_434 = arith.cmpi ne, %sign3A_426, %sign3A_433 : i32
      %rem3A_435 = arith.remsi %add3A_370, %jit3A_418 : i32
      %ne3A_436 = arith.constant 0 : i32
      %ne3A_437 = arith.cmpi ne, %rem3A_435, %ne3A_436 : i32
      %and3A_438 = arith.andi %ne3A_434, %ne3A_437 : i1
      %sub3A_439 = arith.constant 1 : i32
      %sub3A_440 = arith.subi %div3A_419, %sub3A_439 : i32
      %select_n3A_441 = arith.select %and3A_438, %sub3A_440, %div3A_419 : i32
      %add3A_442 = arith.addi %mul3A_2, %select_n3A_441 : i32
      %jit3A_443 = arith.constant 2 : i32
      %eq3A_444 = arith.constant 0 : i32
      %eq3A_445 = arith.cmpi eq, %jit3A_443, %eq3A_444 : i32
      %jit3A_446 = arith.constant 1 : i32
      %select_n3A_447 = arith.select %eq3A_445, %jit3A_446, %jit3A_443 : i32
      %rem3A_448 = arith.remsi %add3A_370, %select_n3A_447 : i32
      %ne3A_449 = arith.constant 0 : i32
      %ne3A_450 = arith.cmpi ne, %rem3A_448, %ne3A_449 : i32
      %lt3A_451 = arith.constant 0 : i32
      %lt3A_452 = arith.cmpi slt, %rem3A_448, %lt3A_451 : i32
      %lt3A_453 = arith.constant 0 : i32
      %lt3A_454 = arith.cmpi slt, %select_n3A_447, %lt3A_453 : i32
      %ne3A_455 = arith.xori %lt3A_452, %lt3A_454 : i1
      %and3A_456 = arith.andi %ne3A_455, %ne3A_450 : i1
      %add3A_457 = arith.addi %rem3A_448, %select_n3A_447 : i32
      %select_n3A_458 = arith.select %and3A_456, %add3A_457, %rem3A_448 : i32
      %mul3A_459 = arith.constant 4608 : i32
      %mul3A_460 = arith.muli %select_n3A_458, %mul3A_459 : i32
      %add3A_461 = arith.constant 10240 : i32
      %add3A_462 = arith.addi %add3A_461, %mul3A_460 : i32
      %dma_start3A_463 = arith.constant 0 : i32
      %dma_start3A_464 = tpu.memref_slice %arg9[%dma_start3A_463] : memref<4608xf32, #tpu.memory_space<vmem>> -> memref<4608xf32, #tpu.memory_space<vmem>>
      %dma_start3A_465 = tpu.memref_slice %arg3[%add3A_442, %add3A_462] : memref<128x23552xf32, #tpu.memory_space<hbm>> -> memref<1x4608xf32, #tpu.memory_space<hbm>>
      %dma_start3A_466 = tpu.memref_squeeze %dma_start3A_465 : memref<1x4608xf32, #tpu.memory_space<hbm>> -> memref<4608xf32, #tpu.memory_space<hbm>>
      %dma_start3A_467 = tpu.memref_slice %arg3[%add3A_442, %add3A_462] : memref<128x23552xf32, #tpu.memory_space<hbm>> -> memref<1x4608xf32, #tpu.memory_space<hbm>>
      %dma_start3A_468 = tpu.memref_squeeze %dma_start3A_467 : memref<1x4608xf32, #tpu.memory_space<hbm>> -> memref<4608xf32, #tpu.memory_space<hbm>>
      %dma_start3A_469 = arith.constant 0 : i32
      %dma_start3A_470 = tpu.memref_slice %arg9[%dma_start3A_469] : memref<4608xf32, #tpu.memory_space<vmem>> -> memref<4608xf32, #tpu.memory_space<vmem>>
      tpu.enqueue_dma source(%dma_start3A_470 : memref<4608xf32, #tpu.memory_space<vmem>>) target(%dma_start3A_468 : memref<4608xf32, #tpu.memory_space<hbm>>) target_semaphore(%arg18 : memref<!tpu.dma_semaphore, #tpu.memory_space<semaphore_mem>>)
      %add3A_471 = arith.constant 1 : i32
      %add3A_472 = arith.addi %scan3A_366, %add3A_471 : i32
      %lt3A_473 = arith.constant 2 : i32
      %lt3A_474 = arith.cmpi slt, %add3A_472, %lt3A_473 : i32
      %convert_element_type3A_475 = arith.extui %lt3A_474 : i1 to i32
      %cond3A_476 = arith.constant 0 : i32
      %cond3A_477 = arith.cmpi ne, %convert_element_type3A_475, %cond3A_476 : i32
      scf.if %cond3A_477 {
        %add3A_953 = arith.constant 4 : i32
        %add3A_954 = arith.addi %add3A_370, %add3A_953 : i32
        %jit3A_955 = arith.constant 2 : i32
        %div3A_956 = arith.divsi %add3A_954, %jit3A_955 : i32
        %sign3A_957 = arith.constant 0 : i32
        %sign3A_958 = arith.cmpi sgt, %add3A_954, %sign3A_957 : i32
        %sign3A_959 = arith.extui %sign3A_958 : i1 to i32
        %sign3A_960 = arith.constant 0 : i32
        %sign3A_961 = arith.cmpi slt, %add3A_954, %sign3A_960 : i32
        %sign3A_962 = arith.extui %sign3A_961 : i1 to i32
        %sign3A_963 = arith.subi %sign3A_959, %sign3A_962 : i32
        %sign3A_964 = arith.constant 0 : i32
        %sign3A_965 = arith.cmpi sgt, %jit3A_955, %sign3A_964 : i32
        %sign3A_966 = arith.extui %sign3A_965 : i1 to i32
        %sign3A_967 = arith.constant 0 : i32
        %sign3A_968 = arith.cmpi slt, %jit3A_955, %sign3A_967 : i32
        %sign3A_969 = arith.extui %sign3A_968 : i1 to i32
        %sign3A_970 = arith.subi %sign3A_966, %sign3A_969 : i32
        %ne3A_971 = arith.cmpi ne, %sign3A_963, %sign3A_970 : i32
        %rem3A_972 = arith.remsi %add3A_954, %jit3A_955 : i32
        %ne3A_973 = arith.constant 0 : i32
        %ne3A_974 = arith.cmpi ne, %rem3A_972, %ne3A_973 : i32
        %and3A_975 = arith.andi %ne3A_971, %ne3A_974 : i1
        %sub3A_976 = arith.constant 1 : i32
        %sub3A_977 = arith.subi %div3A_956, %sub3A_976 : i32
        %select_n3A_978 = arith.select %and3A_975, %sub3A_977, %div3A_956 : i32
        %add3A_979 = arith.addi %mul3A_2, %select_n3A_978 : i32
        %jit3A_980 = arith.constant 2 : i32
        %eq3A_981 = arith.constant 0 : i32
        %eq3A_982 = arith.cmpi eq, %jit3A_980, %eq3A_981 : i32
        %jit3A_983 = arith.constant 1 : i32
        %select_n3A_984 = arith.select %eq3A_982, %jit3A_983, %jit3A_980 : i32
        %rem3A_985 = arith.remsi %add3A_954, %select_n3A_984 : i32
        %ne3A_986 = arith.constant 0 : i32
        %ne3A_987 = arith.cmpi ne, %rem3A_985, %ne3A_986 : i32
        %lt3A_988 = arith.constant 0 : i32
        %lt3A_989 = arith.cmpi slt, %rem3A_985, %lt3A_988 : i32
        %lt3A_990 = arith.constant 0 : i32
        %lt3A_991 = arith.cmpi slt, %select_n3A_984, %lt3A_990 : i32
        %ne3A_992 = arith.xori %lt3A_989, %lt3A_991 : i1
        %and3A_993 = arith.andi %ne3A_992, %ne3A_987 : i1
        %add3A_994 = arith.addi %rem3A_985, %select_n3A_984 : i32
        %select_n3A_995 = arith.select %and3A_993, %add3A_994, %rem3A_985 : i32
        %mul3A_996 = arith.constant 18432 : i32
        %mul3A_997 = arith.muli %select_n3A_995, %mul3A_996 : i32
        %add3A_998 = arith.constant 81920 : i32
        %add3A_999 = arith.addi %add3A_998, %mul3A_997 : i32
        %dma_start3A_1000 = arith.constant 0 : i32
        %dma_start3A_1001 = tpu.memref_slice %arg4[%dma_start3A_1000] : memref<18432xf32, #tpu.memory_space<vmem>> -> memref<18432xf32, #tpu.memory_space<vmem>>
        %dma_start3A_1002 = tpu.memref_slice %arg2[%add3A_979, %add3A_999] : memref<128x122880xf32, #tpu.memory_space<hbm>> -> memref<1x18432xf32, #tpu.memory_space<hbm>>
        %dma_start3A_1003 = tpu.memref_squeeze %dma_start3A_1002 : memref<1x18432xf32, #tpu.memory_space<hbm>> -> memref<18432xf32, #tpu.memory_space<hbm>>
        %dma_start3A_1004 = arith.constant 0 : i32
        %dma_start3A_1005 = tpu.memref_slice %arg4[%dma_start3A_1004] : memref<18432xf32, #tpu.memory_space<vmem>> -> memref<18432xf32, #tpu.memory_space<vmem>>
        %dma_start3A_1006 = tpu.memref_slice %arg2[%add3A_979, %add3A_999] : memref<128x122880xf32, #tpu.memory_space<hbm>> -> memref<1x18432xf32, #tpu.memory_space<hbm>>
        %dma_start3A_1007 = tpu.memref_squeeze %dma_start3A_1006 : memref<1x18432xf32, #tpu.memory_space<hbm>> -> memref<18432xf32, #tpu.memory_space<hbm>>
        tpu.enqueue_dma source(%dma_start3A_1007 : memref<18432xf32, #tpu.memory_space<hbm>>) target(%dma_start3A_1005 : memref<18432xf32, #tpu.memory_space<vmem>>) target_semaphore(%arg13 : memref<!tpu.dma_semaphore, #tpu.memory_space<semaphore_mem>>)
      } else {
      }
      %mul3A_478 = arith.constant 4 : i32
      %mul3A_479 = arith.muli %mul3A_478, %scan3A_366 : i32
      %add3A_480 = arith.constant 1 : i32
      %add3A_481 = arith.addi %mul3A_479, %add3A_480 : i32
      %gt3A_482 = arith.constant 0 : i32
      %gt3A_483 = arith.cmpi sgt, %scan3A_366, %gt3A_482 : i32
      %convert_element_type3A_484 = arith.extui %gt3A_483 : i1 to i32
      %cond3A_485 = arith.constant 0 : i32
      %cond3A_486 = arith.cmpi ne, %convert_element_type3A_484, %cond3A_485 : i32
      scf.if %cond3A_486 {
        %sub3A_953 = arith.constant 2 : i32
        %sub3A_954 = arith.subi %add3A_481, %sub3A_953 : i32
        %jit3A_955 = arith.constant 2 : i32
        %div3A_956 = arith.divsi %sub3A_954, %jit3A_955 : i32
        %sign3A_957 = arith.constant 0 : i32
        %sign3A_958 = arith.cmpi sgt, %sub3A_954, %sign3A_957 : i32
        %sign3A_959 = arith.extui %sign3A_958 : i1 to i32
        %sign3A_960 = arith.constant 0 : i32
        %sign3A_961 = arith.cmpi slt, %sub3A_954, %sign3A_960 : i32
        %sign3A_962 = arith.extui %sign3A_961 : i1 to i32
        %sign3A_963 = arith.subi %sign3A_959, %sign3A_962 : i32
        %sign3A_964 = arith.constant 0 : i32
        %sign3A_965 = arith.cmpi sgt, %jit3A_955, %sign3A_964 : i32
        %sign3A_966 = arith.extui %sign3A_965 : i1 to i32
        %sign3A_967 = arith.constant 0 : i32
        %sign3A_968 = arith.cmpi slt, %jit3A_955, %sign3A_967 : i32
        %sign3A_969 = arith.extui %sign3A_968 : i1 to i32
        %sign3A_970 = arith.subi %sign3A_966, %sign3A_969 : i32
        %ne3A_971 = arith.cmpi ne, %sign3A_963, %sign3A_970 : i32
        %rem3A_972 = arith.remsi %sub3A_954, %jit3A_955 : i32
        %ne3A_973 = arith.constant 0 : i32
        %ne3A_974 = arith.cmpi ne, %rem3A_972, %ne3A_973 : i32
        %and3A_975 = arith.andi %ne3A_971, %ne3A_974 : i1
        %sub3A_976 = arith.constant 1 : i32
        %sub3A_977 = arith.subi %div3A_956, %sub3A_976 : i32
        %select_n3A_978 = arith.select %and3A_975, %sub3A_977, %div3A_956 : i32
        %add3A_979 = arith.addi %mul3A_2, %select_n3A_978 : i32
        %jit3A_980 = arith.constant 2 : i32
        %eq3A_981 = arith.constant 0 : i32
        %eq3A_982 = arith.cmpi eq, %jit3A_980, %eq3A_981 : i32
        %jit3A_983 = arith.constant 1 : i32
        %select_n3A_984 = arith.select %eq3A_982, %jit3A_983, %jit3A_980 : i32
        %rem3A_985 = arith.remsi %sub3A_954, %select_n3A_984 : i32
        %ne3A_986 = arith.constant 0 : i32
        %ne3A_987 = arith.cmpi ne, %rem3A_985, %ne3A_986 : i32
        %lt3A_988 = arith.constant 0 : i32
        %lt3A_989 = arith.cmpi slt, %rem3A_985, %lt3A_988 : i32
        %lt3A_990 = arith.constant 0 : i32
        %lt3A_991 = arith.cmpi slt, %select_n3A_984, %lt3A_990 : i32
        %ne3A_992 = arith.xori %lt3A_989, %lt3A_991 : i1
        %and3A_993 = arith.andi %ne3A_992, %ne3A_987 : i1
        %add3A_994 = arith.addi %rem3A_985, %select_n3A_984 : i32
        %select_n3A_995 = arith.select %and3A_993, %add3A_994, %rem3A_985 : i32
        %mul3A_996 = arith.constant 4608 : i32
        %mul3A_997 = arith.muli %select_n3A_995, %mul3A_996 : i32
        %add3A_998 = arith.constant 10240 : i32
        %add3A_999 = arith.addi %add3A_998, %mul3A_997 : i32
        %dma_wait3A_1000 = arith.constant 0 : i32
        %dma_wait3A_1001 = tpu.memref_slice %arg10[%dma_wait3A_1000] : memref<4608xf32, #tpu.memory_space<vmem>> -> memref<4608xf32, #tpu.memory_space<vmem>>
        %dma_wait3A_1002 = tpu.memref_slice %arg3[%add3A_979, %add3A_999] : memref<128x23552xf32, #tpu.memory_space<hbm>> -> memref<1x4608xf32, #tpu.memory_space<hbm>>
        %dma_wait3A_1003 = tpu.memref_squeeze %dma_wait3A_1002 : memref<1x4608xf32, #tpu.memory_space<hbm>> -> memref<4608xf32, #tpu.memory_space<hbm>>
        %dma_wait3A_1004 = tpu.memref_slice %arg3[%add3A_979, %add3A_999] : memref<128x23552xf32, #tpu.memory_space<hbm>> -> memref<1x4608xf32, #tpu.memory_space<hbm>>
        %dma_wait3A_1005 = tpu.memref_squeeze %dma_wait3A_1004 : memref<1x4608xf32, #tpu.memory_space<hbm>> -> memref<4608xf32, #tpu.memory_space<hbm>>
        %dma_wait3A_1006 = arith.constant 0 : i32
        %dma_wait3A_1007 = tpu.memref_slice %arg10[%dma_wait3A_1006] : memref<4608xf32, #tpu.memory_space<vmem>> -> memref<4608xf32, #tpu.memory_space<vmem>>
        tpu.wait_dma2 semaphore(%arg19 : memref<!tpu.dma_semaphore, #tpu.memory_space<semaphore_mem>>) src(%dma_wait3A_1007 : memref<4608xf32, #tpu.memory_space<vmem>>) dst(%dma_wait3A_1005 : memref<4608xf32, #tpu.memory_space<hbm>>)
      } else {
      }
      %jit3A_487 = arith.constant 2 : i32
      %div3A_488 = arith.divsi %add3A_481, %jit3A_487 : i32
      %sign3A_489 = arith.constant 0 : i32
      %sign3A_490 = arith.cmpi sgt, %add3A_481, %sign3A_489 : i32
      %sign3A_491 = arith.extui %sign3A_490 : i1 to i32
      %sign3A_492 = arith.constant 0 : i32
      %sign3A_493 = arith.cmpi slt, %add3A_481, %sign3A_492 : i32
      %sign3A_494 = arith.extui %sign3A_493 : i1 to i32
      %sign3A_495 = arith.subi %sign3A_491, %sign3A_494 : i32
      %sign3A_496 = arith.constant 0 : i32
      %sign3A_497 = arith.cmpi sgt, %jit3A_487, %sign3A_496 : i32
      %sign3A_498 = arith.extui %sign3A_497 : i1 to i32
      %sign3A_499 = arith.constant 0 : i32
      %sign3A_500 = arith.cmpi slt, %jit3A_487, %sign3A_499 : i32
      %sign3A_501 = arith.extui %sign3A_500 : i1 to i32
      %sign3A_502 = arith.subi %sign3A_498, %sign3A_501 : i32
      %ne3A_503 = arith.cmpi ne, %sign3A_495, %sign3A_502 : i32
      %rem3A_504 = arith.remsi %add3A_481, %jit3A_487 : i32
      %ne3A_505 = arith.constant 0 : i32
      %ne3A_506 = arith.cmpi ne, %rem3A_504, %ne3A_505 : i32
      %and3A_507 = arith.andi %ne3A_503, %ne3A_506 : i1
      %sub3A_508 = arith.constant 1 : i32
      %sub3A_509 = arith.subi %div3A_488, %sub3A_508 : i32
      %select_n3A_510 = arith.select %and3A_507, %sub3A_509, %div3A_488 : i32
      %add3A_511 = arith.addi %mul3A_2, %select_n3A_510 : i32
      %jit3A_512 = arith.constant 2 : i32
      %eq3A_513 = arith.constant 0 : i32
      %eq3A_514 = arith.cmpi eq, %jit3A_512, %eq3A_513 : i32
      %jit3A_515 = arith.constant 1 : i32
      %select_n3A_516 = arith.select %eq3A_514, %jit3A_515, %jit3A_512 : i32
      %rem3A_517 = arith.remsi %add3A_481, %select_n3A_516 : i32
      %ne3A_518 = arith.constant 0 : i32
      %ne3A_519 = arith.cmpi ne, %rem3A_517, %ne3A_518 : i32
      %lt3A_520 = arith.constant 0 : i32
      %lt3A_521 = arith.cmpi slt, %rem3A_517, %lt3A_520 : i32
      %lt3A_522 = arith.constant 0 : i32
      %lt3A_523 = arith.cmpi slt, %select_n3A_516, %lt3A_522 : i32
      %ne3A_524 = arith.xori %lt3A_521, %lt3A_523 : i1
      %and3A_525 = arith.andi %ne3A_524, %ne3A_519 : i1
      %add3A_526 = arith.addi %rem3A_517, %select_n3A_516 : i32
      %select_n3A_527 = arith.select %and3A_525, %add3A_526, %rem3A_517 : i32
      %mul3A_528 = arith.constant 18432 : i32
      %mul3A_529 = arith.muli %select_n3A_527, %mul3A_528 : i32
      %add3A_530 = arith.constant 81920 : i32
      %add3A_531 = arith.addi %add3A_530, %mul3A_529 : i32
      %dma_wait3A_532 = arith.constant 0 : i32
      %dma_wait3A_533 = tpu.memref_slice %arg5[%dma_wait3A_532] : memref<18432xf32, #tpu.memory_space<vmem>> -> memref<18432xf32, #tpu.memory_space<vmem>>
      %dma_wait3A_534 = tpu.memref_slice %arg2[%add3A_511, %add3A_531] : memref<128x122880xf32, #tpu.memory_space<hbm>> -> memref<1x18432xf32, #tpu.memory_space<hbm>>
      %dma_wait3A_535 = tpu.memref_squeeze %dma_wait3A_534 : memref<1x18432xf32, #tpu.memory_space<hbm>> -> memref<18432xf32, #tpu.memory_space<hbm>>
      %dma_wait3A_536 = arith.constant 0 : i32
      %dma_wait3A_537 = tpu.memref_slice %arg5[%dma_wait3A_536] : memref<18432xf32, #tpu.memory_space<vmem>> -> memref<18432xf32, #tpu.memory_space<vmem>>
      %dma_wait3A_538 = tpu.memref_slice %arg2[%add3A_511, %add3A_531] : memref<128x122880xf32, #tpu.memory_space<hbm>> -> memref<1x18432xf32, #tpu.memory_space<hbm>>
      %dma_wait3A_539 = tpu.memref_squeeze %dma_wait3A_538 : memref<1x18432xf32, #tpu.memory_space<hbm>> -> memref<18432xf32, #tpu.memory_space<hbm>>
      tpu.wait_dma2 semaphore(%arg14 : memref<!tpu.dma_semaphore, #tpu.memory_space<semaphore_mem>>) src(%dma_wait3A_539 : memref<18432xf32, #tpu.memory_space<hbm>>) dst(%dma_wait3A_537 : memref<18432xf32, #tpu.memory_space<vmem>>)
      %parallel_loop3A_540 = arith.constant 0 : i32
      %parallel_loop3A_541 = arith.constant 288 : i32
      %parallel_loop3A_542 = arith.constant 1 : i32
      scf.for %parallel_loop3A_953 = %parallel_loop3A_540 to %parallel_loop3A_541 step %parallel_loop3A_542  : i32 {
        %parallel_loop3A_954 = arith.constant 64 : i32
        %parallel_loop3A_955 = arith.muli %parallel_loop3A_953, %parallel_loop3A_954 : i32
        %parallel_loop3A_956 = vector.broadcast %parallel_loop3A_955 : i32 to vector<16xi32>
        %parallel_loop3A_957 = arith.addi %mul3A_119, %parallel_loop3A_956 : vector<16xi32>
        %parallel_loop3A_958 = tpu.vector_load_idx %arg5[%parallel_loop3A_957] : memref<18432xf32, #tpu.memory_space<vmem>>[vector<16xi32>], vector<16xf32>,
        %parallel_loop3A_959 = arith.constant 16 : i32
        %parallel_loop3A_960 = arith.muli %parallel_loop3A_953, %parallel_loop3A_959 : i32
        %parallel_loop3A_961 = arith.index_cast %parallel_loop3A_960 : i32 to index
        %parallel_loop3A_962 = tpu.vector_load %arg10[%parallel_loop3A_961] {strides = array<i32>} : memref<4608xf32, #tpu.memory_space<vmem>>, vector<16xf32>,
        tpu.vector_store %arg10[%parallel_loop3A_961], %parallel_loop3A_958 {strides = array<i32>} : memref<4608xf32, #tpu.memory_space<vmem>>, vector<16xf32>,
      } {sc.loop_unroll_factor = 8 : i64, sc.parallel_access}
      %jit3A_543 = arith.constant 2 : i32
      %div3A_544 = arith.divsi %add3A_481, %jit3A_543 : i32
      %sign3A_545 = arith.constant 0 : i32
      %sign3A_546 = arith.cmpi sgt, %add3A_481, %sign3A_545 : i32
      %sign3A_547 = arith.extui %sign3A_546 : i1 to i32
      %sign3A_548 = arith.constant 0 : i32
      %sign3A_549 = arith.cmpi slt, %add3A_481, %sign3A_548 : i32
      %sign3A_550 = arith.extui %sign3A_549 : i1 to i32
      %sign3A_551 = arith.subi %sign3A_547, %sign3A_550 : i32
      %sign3A_552 = arith.constant 0 : i32
      %sign3A_553 = arith.cmpi sgt, %jit3A_543, %sign3A_552 : i32
      %sign3A_554 = arith.extui %sign3A_553 : i1 to i32
      %sign3A_555 = arith.constant 0 : i32
      %sign3A_556 = arith.cmpi slt, %jit3A_543, %sign3A_555 : i32
      %sign3A_557 = arith.extui %sign3A_556 : i1 to i32
      %sign3A_558 = arith.subi %sign3A_554, %sign3A_557 : i32
      %ne3A_559 = arith.cmpi ne, %sign3A_551, %sign3A_558 : i32
      %rem3A_560 = arith.remsi %add3A_481, %jit3A_543 : i32
      %ne3A_561 = arith.constant 0 : i32
      %ne3A_562 = arith.cmpi ne, %rem3A_560, %ne3A_561 : i32
      %and3A_563 = arith.andi %ne3A_559, %ne3A_562 : i1
      %sub3A_564 = arith.constant 1 : i32
      %sub3A_565 = arith.subi %div3A_544, %sub3A_564 : i32
      %select_n3A_566 = arith.select %and3A_563, %sub3A_565, %div3A_544 : i32
      %add3A_567 = arith.addi %mul3A_2, %select_n3A_566 : i32
      %jit3A_568 = arith.constant 2 : i32
      %eq3A_569 = arith.constant 0 : i32
      %eq3A_570 = arith.cmpi eq, %jit3A_568, %eq3A_569 : i32
      %jit3A_571 = arith.constant 1 : i32
      %select_n3A_572 = arith.select %eq3A_570, %jit3A_571, %jit3A_568 : i32
      %rem3A_573 = arith.remsi %add3A_481, %select_n3A_572 : i32
      %ne3A_574 = arith.constant 0 : i32
      %ne3A_575 = arith.cmpi ne, %rem3A_573, %ne3A_574 : i32
      %lt3A_576 = arith.constant 0 : i32
      %lt3A_577 = arith.cmpi slt, %rem3A_573, %lt3A_576 : i32
      %lt3A_578 = arith.constant 0 : i32
      %lt3A_579 = arith.cmpi slt, %select_n3A_572, %lt3A_578 : i32
      %ne3A_580 = arith.xori %lt3A_577, %lt3A_579 : i1
      %and3A_581 = arith.andi %ne3A_580, %ne3A_575 : i1
      %add3A_582 = arith.addi %rem3A_573, %select_n3A_572 : i32
      %select_n3A_583 = arith.select %and3A_581, %add3A_582, %rem3A_573 : i32
      %mul3A_584 = arith.constant 4608 : i32
      %mul3A_585 = arith.muli %select_n3A_583, %mul3A_584 : i32
      %add3A_586 = arith.constant 10240 : i32
      %add3A_587 = arith.addi %add3A_586, %mul3A_585 : i32
      %dma_start3A_588 = arith.constant 0 : i32
      %dma_start3A_589 = tpu.memref_slice %arg10[%dma_start3A_588] : memref<4608xf32, #tpu.memory_space<vmem>> -> memref<4608xf32, #tpu.memory_space<vmem>>
      %dma_start3A_590 = tpu.memref_slice %arg3[%add3A_567, %add3A_587] : memref<128x23552xf32, #tpu.memory_space<hbm>> -> memref<1x4608xf32, #tpu.memory_space<hbm>>
      %dma_start3A_591 = tpu.memref_squeeze %dma_start3A_590 : memref<1x4608xf32, #tpu.memory_space<hbm>> -> memref<4608xf32, #tpu.memory_space<hbm>>
      %dma_start3A_592 = tpu.memref_slice %arg3[%add3A_567, %add3A_587] : memref<128x23552xf32, #tpu.memory_space<hbm>> -> memref<1x4608xf32, #tpu.memory_space<hbm>>
      %dma_start3A_593 = tpu.memref_squeeze %dma_start3A_592 : memref<1x4608xf32, #tpu.memory_space<hbm>> -> memref<4608xf32, #tpu.memory_space<hbm>>
      %dma_start3A_594 = arith.constant 0 : i32
      %dma_start3A_595 = tpu.memref_slice %arg10[%dma_start3A_594] : memref<4608xf32, #tpu.memory_space<vmem>> -> memref<4608xf32, #tpu.memory_space<vmem>>
      tpu.enqueue_dma source(%dma_start3A_595 : memref<4608xf32, #tpu.memory_space<vmem>>) target(%dma_start3A_593 : memref<4608xf32, #tpu.memory_space<hbm>>) target_semaphore(%arg19 : memref<!tpu.dma_semaphore, #tpu.memory_space<semaphore_mem>>)
      %add3A_596 = arith.constant 1 : i32
      %add3A_597 = arith.addi %scan3A_366, %add3A_596 : i32
      %lt3A_598 = arith.constant 2 : i32
      %lt3A_599 = arith.cmpi slt, %add3A_597, %lt3A_598 : i32
      %convert_element_type3A_600 = arith.extui %lt3A_599 : i1 to i32
      %cond3A_601 = arith.constant 0 : i32
      %cond3A_602 = arith.cmpi ne, %convert_element_type3A_600, %cond3A_601 : i32
      scf.if %cond3A_602 {
        %add3A_953 = arith.constant 4 : i32
        %add3A_954 = arith.addi %add3A_481, %add3A_953 : i32
        %jit3A_955 = arith.constant 2 : i32
        %div3A_956 = arith.divsi %add3A_954, %jit3A_955 : i32
        %sign3A_957 = arith.constant 0 : i32
        %sign3A_958 = arith.cmpi sgt, %add3A_954, %sign3A_957 : i32
        %sign3A_959 = arith.extui %sign3A_958 : i1 to i32
        %sign3A_960 = arith.constant 0 : i32
        %sign3A_961 = arith.cmpi slt, %add3A_954, %sign3A_960 : i32
        %sign3A_962 = arith.extui %sign3A_961 : i1 to i32
        %sign3A_963 = arith.subi %sign3A_959, %sign3A_962 : i32
        %sign3A_964 = arith.constant 0 : i32
        %sign3A_965 = arith.cmpi sgt, %jit3A_955, %sign3A_964 : i32
        %sign3A_966 = arith.extui %sign3A_965 : i1 to i32
        %sign3A_967 = arith.constant 0 : i32
        %sign3A_968 = arith.cmpi slt, %jit3A_955, %sign3A_967 : i32
        %sign3A_969 = arith.extui %sign3A_968 : i1 to i32
        %sign3A_970 = arith.subi %sign3A_966, %sign3A_969 : i32
        %ne3A_971 = arith.cmpi ne, %sign3A_963, %sign3A_970 : i32
        %rem3A_972 = arith.remsi %add3A_954, %jit3A_955 : i32
        %ne3A_973 = arith.constant 0 : i32
        %ne3A_974 = arith.cmpi ne, %rem3A_972, %ne3A_973 : i32
        %and3A_975 = arith.andi %ne3A_971, %ne3A_974 : i1
        %sub3A_976 = arith.constant 1 : i32
        %sub3A_977 = arith.subi %div3A_956, %sub3A_976 : i32
        %select_n3A_978 = arith.select %and3A_975, %sub3A_977, %div3A_956 : i32
        %add3A_979 = arith.addi %mul3A_2, %select_n3A_978 : i32
        %jit3A_980 = arith.constant 2 : i32
        %eq3A_981 = arith.constant 0 : i32
        %eq3A_982 = arith.cmpi eq, %jit3A_980, %eq3A_981 : i32
        %jit3A_983 = arith.constant 1 : i32
        %select_n3A_984 = arith.select %eq3A_982, %jit3A_983, %jit3A_980 : i32
        %rem3A_985 = arith.remsi %add3A_954, %select_n3A_984 : i32
        %ne3A_986 = arith.constant 0 : i32
        %ne3A_987 = arith.cmpi ne, %rem3A_985, %ne3A_986 : i32
        %lt3A_988 = arith.constant 0 : i32
        %lt3A_989 = arith.cmpi slt, %rem3A_985, %lt3A_988 : i32
        %lt3A_990 = arith.constant 0 : i32
        %lt3A_991 = arith.cmpi slt, %select_n3A_984, %lt3A_990 : i32
        %ne3A_992 = arith.xori %lt3A_989, %lt3A_991 : i1
        %and3A_993 = arith.andi %ne3A_992, %ne3A_987 : i1
        %add3A_994 = arith.addi %rem3A_985, %select_n3A_984 : i32
        %select_n3A_995 = arith.select %and3A_993, %add3A_994, %rem3A_985 : i32
        %mul3A_996 = arith.constant 18432 : i32
        %mul3A_997 = arith.muli %select_n3A_995, %mul3A_996 : i32
        %add3A_998 = arith.constant 81920 : i32
        %add3A_999 = arith.addi %add3A_998, %mul3A_997 : i32
        %dma_start3A_1000 = arith.constant 0 : i32
        %dma_start3A_1001 = tpu.memref_slice %arg5[%dma_start3A_1000] : memref<18432xf32, #tpu.memory_space<vmem>> -> memref<18432xf32, #tpu.memory_space<vmem>>
        %dma_start3A_1002 = tpu.memref_slice %arg2[%add3A_979, %add3A_999] : memref<128x122880xf32, #tpu.memory_space<hbm>> -> memref<1x18432xf32, #tpu.memory_space<hbm>>
        %dma_start3A_1003 = tpu.memref_squeeze %dma_start3A_1002 : memref<1x18432xf32, #tpu.memory_space<hbm>> -> memref<18432xf32, #tpu.memory_space<hbm>>
        %dma_start3A_1004 = arith.constant 0 : i32
        %dma_start3A_1005 = tpu.memref_slice %arg5[%dma_start3A_1004] : memref<18432xf32, #tpu.memory_space<vmem>> -> memref<18432xf32, #tpu.memory_space<vmem>>
        %dma_start3A_1006 = tpu.memref_slice %arg2[%add3A_979, %add3A_999] : memref<128x122880xf32, #tpu.memory_space<hbm>> -> memref<1x18432xf32, #tpu.memory_space<hbm>>
        %dma_start3A_1007 = tpu.memref_squeeze %dma_start3A_1006 : memref<1x18432xf32, #tpu.memory_space<hbm>> -> memref<18432xf32, #tpu.memory_space<hbm>>
        tpu.enqueue_dma source(%dma_start3A_1007 : memref<18432xf32, #tpu.memory_space<hbm>>) target(%dma_start3A_1005 : memref<18432xf32, #tpu.memory_space<vmem>>) target_semaphore(%arg14 : memref<!tpu.dma_semaphore, #tpu.memory_space<semaphore_mem>>)
      } else {
      }
      %mul3A_603 = arith.constant 4 : i32
      %mul3A_604 = arith.muli %mul3A_603, %scan3A_366 : i32
      %add3A_605 = arith.constant 2 : i32
      %add3A_606 = arith.addi %mul3A_604, %add3A_605 : i32
      %sub3A_607 = arith.constant 2 : i32
      %sub3A_608 = arith.subi %add3A_606, %sub3A_607 : i32
      %jit3A_609 = arith.constant 2 : i32
      %div3A_610 = arith.divsi %sub3A_608, %jit3A_609 : i32
      %sign3A_611 = arith.constant 0 : i32
      %sign3A_612 = arith.cmpi sgt, %sub3A_608, %sign3A_611 : i32
      %sign3A_613 = arith.extui %sign3A_612 : i1 to i32
      %sign3A_614 = arith.constant 0 : i32
      %sign3A_615 = arith.cmpi slt, %sub3A_608, %sign3A_614 : i32
      %sign3A_616 = arith.extui %sign3A_615 : i1 to i32
      %sign3A_617 = arith.subi %sign3A_613, %sign3A_616 : i32
      %sign3A_618 = arith.constant 0 : i32
      %sign3A_619 = arith.cmpi sgt, %jit3A_609, %sign3A_618 : i32
      %sign3A_620 = arith.extui %sign3A_619 : i1 to i32
      %sign3A_621 = arith.constant 0 : i32
      %sign3A_622 = arith.cmpi slt, %jit3A_609, %sign3A_621 : i32
      %sign3A_623 = arith.extui %sign3A_622 : i1 to i32
      %sign3A_624 = arith.subi %sign3A_620, %sign3A_623 : i32
      %ne3A_625 = arith.cmpi ne, %sign3A_617, %sign3A_624 : i32
      %rem3A_626 = arith.remsi %sub3A_608, %jit3A_609 : i32
      %ne3A_627 = arith.constant 0 : i32
      %ne3A_628 = arith.cmpi ne, %rem3A_626, %ne3A_627 : i32
      %and3A_629 = arith.andi %ne3A_625, %ne3A_628 : i1
      %sub3A_630 = arith.constant 1 : i32
      %sub3A_631 = arith.subi %div3A_610, %sub3A_630 : i32
      %select_n3A_632 = arith.select %and3A_629, %sub3A_631, %div3A_610 : i32
      %add3A_633 = arith.addi %mul3A_2, %select_n3A_632 : i32
      %jit3A_634 = arith.constant 2 : i32
      %eq3A_635 = arith.constant 0 : i32
      %eq3A_636 = arith.cmpi eq, %jit3A_634, %eq3A_635 : i32
      %jit3A_637 = arith.constant 1 : i32
      %select_n3A_638 = arith.select %eq3A_636, %jit3A_637, %jit3A_634 : i32
      %rem3A_639 = arith.remsi %sub3A_608, %select_n3A_638 : i32
      %ne3A_640 = arith.constant 0 : i32
      %ne3A_641 = arith.cmpi ne, %rem3A_639, %ne3A_640 : i32
      %lt3A_642 = arith.constant 0 : i32
      %lt3A_643 = arith.cmpi slt, %rem3A_639, %lt3A_642 : i32
      %lt3A_644 = arith.constant 0 : i32
      %lt3A_645 = arith.cmpi slt, %select_n3A_638, %lt3A_644 : i32
      %ne3A_646 = arith.xori %lt3A_643, %lt3A_645 : i1
      %and3A_647 = arith.andi %ne3A_646, %ne3A_641 : i1
      %add3A_648 = arith.addi %rem3A_639, %select_n3A_638 : i32
      %select_n3A_649 = arith.select %and3A_647, %add3A_648, %rem3A_639 : i32
      %mul3A_650 = arith.constant 4608 : i32
      %mul3A_651 = arith.muli %select_n3A_649, %mul3A_650 : i32
      %add3A_652 = arith.constant 10240 : i32
      %add3A_653 = arith.addi %add3A_652, %mul3A_651 : i32
      %dma_wait3A_654 = arith.constant 0 : i32
      %dma_wait3A_655 = tpu.memref_slice %arg9[%dma_wait3A_654] : memref<4608xf32, #tpu.memory_space<vmem>> -> memref<4608xf32, #tpu.memory_space<vmem>>
      %dma_wait3A_656 = tpu.memref_slice %arg3[%add3A_633, %add3A_653] : memref<128x23552xf32, #tpu.memory_space<hbm>> -> memref<1x4608xf32, #tpu.memory_space<hbm>>
      %dma_wait3A_657 = tpu.memref_squeeze %dma_wait3A_656 : memref<1x4608xf32, #tpu.memory_space<hbm>> -> memref<4608xf32, #tpu.memory_space<hbm>>
      %dma_wait3A_658 = tpu.memref_slice %arg3[%add3A_633, %add3A_653] : memref<128x23552xf32, #tpu.memory_space<hbm>> -> memref<1x4608xf32, #tpu.memory_space<hbm>>
      %dma_wait3A_659 = tpu.memref_squeeze %dma_wait3A_658 : memref<1x4608xf32, #tpu.memory_space<hbm>> -> memref<4608xf32, #tpu.memory_space<hbm>>
      %dma_wait3A_660 = arith.constant 0 : i32
      %dma_wait3A_661 = tpu.memref_slice %arg9[%dma_wait3A_660] : memref<4608xf32, #tpu.memory_space<vmem>> -> memref<4608xf32, #tpu.memory_space<vmem>>
      tpu.wait_dma2 semaphore(%arg18 : memref<!tpu.dma_semaphore, #tpu.memory_space<semaphore_mem>>) src(%dma_wait3A_661 : memref<4608xf32, #tpu.memory_space<vmem>>) dst(%dma_wait3A_659 : memref<4608xf32, #tpu.memory_space<hbm>>)
      %jit3A_662 = arith.constant 2 : i32
      %div3A_663 = arith.divsi %add3A_606, %jit3A_662 : i32
      %sign3A_664 = arith.constant 0 : i32
      %sign3A_665 = arith.cmpi sgt, %add3A_606, %sign3A_664 : i32
      %sign3A_666 = arith.extui %sign3A_665 : i1 to i32
      %sign3A_667 = arith.constant 0 : i32
      %sign3A_668 = arith.cmpi slt, %add3A_606, %sign3A_667 : i32
      %sign3A_669 = arith.extui %sign3A_668 : i1 to i32
      %sign3A_670 = arith.subi %sign3A_666, %sign3A_669 : i32
      %sign3A_671 = arith.constant 0 : i32
      %sign3A_672 = arith.cmpi sgt, %jit3A_662, %sign3A_671 : i32
      %sign3A_673 = arith.extui %sign3A_672 : i1 to i32
      %sign3A_674 = arith.constant 0 : i32
      %sign3A_675 = arith.cmpi slt, %jit3A_662, %sign3A_674 : i32
      %sign3A_676 = arith.extui %sign3A_675 : i1 to i32
      %sign3A_677 = arith.subi %sign3A_673, %sign3A_676 : i32
      %ne3A_678 = arith.cmpi ne, %sign3A_670, %sign3A_677 : i32
      %rem3A_679 = arith.remsi %add3A_606, %jit3A_662 : i32
      %ne3A_680 = arith.constant 0 : i32
      %ne3A_681 = arith.cmpi ne, %rem3A_679, %ne3A_680 : i32
      %and3A_682 = arith.andi %ne3A_678, %ne3A_681 : i1
      %sub3A_683 = arith.constant 1 : i32
      %sub3A_684 = arith.subi %div3A_663, %sub3A_683 : i32
      %select_n3A_685 = arith.select %and3A_682, %sub3A_684, %div3A_663 : i32
      %add3A_686 = arith.addi %mul3A_2, %select_n3A_685 : i32
      %jit3A_687 = arith.constant 2 : i32
      %eq3A_688 = arith.constant 0 : i32
      %eq3A_689 = arith.cmpi eq, %jit3A_687, %eq3A_688 : i32
      %jit3A_690 = arith.constant 1 : i32
      %select_n3A_691 = arith.select %eq3A_689, %jit3A_690, %jit3A_687 : i32
      %rem3A_692 = arith.remsi %add3A_606, %select_n3A_691 : i32
      %ne3A_693 = arith.constant 0 : i32
      %ne3A_694 = arith.cmpi ne, %rem3A_692, %ne3A_693 : i32
      %lt3A_695 = arith.constant 0 : i32
      %lt3A_696 = arith.cmpi slt, %rem3A_692, %lt3A_695 : i32
      %lt3A_697 = arith.constant 0 : i32
      %lt3A_698 = arith.cmpi slt, %select_n3A_691, %lt3A_697 : i32
      %ne3A_699 = arith.xori %lt3A_696, %lt3A_698 : i1
      %and3A_700 = arith.andi %ne3A_699, %ne3A_694 : i1
      %add3A_701 = arith.addi %rem3A_692, %select_n3A_691 : i32
      %select_n3A_702 = arith.select %and3A_700, %add3A_701, %rem3A_692 : i32
      %mul3A_703 = arith.constant 18432 : i32
      %mul3A_704 = arith.muli %select_n3A_702, %mul3A_703 : i32
      %add3A_705 = arith.constant 81920 : i32
      %add3A_706 = arith.addi %add3A_705, %mul3A_704 : i32
      %dma_wait3A_707 = arith.constant 0 : i32
      %dma_wait3A_708 = tpu.memref_slice %arg6[%dma_wait3A_707] : memref<18432xf32, #tpu.memory_space<vmem>> -> memref<18432xf32, #tpu.memory_space<vmem>>
      %dma_wait3A_709 = tpu.memref_slice %arg2[%add3A_686, %add3A_706] : memref<128x122880xf32, #tpu.memory_space<hbm>> -> memref<1x18432xf32, #tpu.memory_space<hbm>>
      %dma_wait3A_710 = tpu.memref_squeeze %dma_wait3A_709 : memref<1x18432xf32, #tpu.memory_space<hbm>> -> memref<18432xf32, #tpu.memory_space<hbm>>
      %dma_wait3A_711 = arith.constant 0 : i32
      %dma_wait3A_712 = tpu.memref_slice %arg6[%dma_wait3A_711] : memref<18432xf32, #tpu.memory_space<vmem>> -> memref<18432xf32, #tpu.memory_space<vmem>>
      %dma_wait3A_713 = tpu.memref_slice %arg2[%add3A_686, %add3A_706] : memref<128x122880xf32, #tpu.memory_space<hbm>> -> memref<1x18432xf32, #tpu.memory_space<hbm>>
      %dma_wait3A_714 = tpu.memref_squeeze %dma_wait3A_713 : memref<1x18432xf32, #tpu.memory_space<hbm>> -> memref<18432xf32, #tpu.memory_space<hbm>>
      tpu.wait_dma2 semaphore(%arg15 : memref<!tpu.dma_semaphore, #tpu.memory_space<semaphore_mem>>) src(%dma_wait3A_714 : memref<18432xf32, #tpu.memory_space<hbm>>) dst(%dma_wait3A_712 : memref<18432xf32, #tpu.memory_space<vmem>>)
      %parallel_loop3A_715 = arith.constant 0 : i32
      %parallel_loop3A_716 = arith.constant 288 : i32
      %parallel_loop3A_717 = arith.constant 1 : i32
      scf.for %parallel_loop3A_953 = %parallel_loop3A_715 to %parallel_loop3A_716 step %parallel_loop3A_717  : i32 {
        %parallel_loop3A_954 = arith.constant 64 : i32
        %parallel_loop3A_955 = arith.muli %parallel_loop3A_953, %parallel_loop3A_954 : i32
        %parallel_loop3A_956 = vector.broadcast %parallel_loop3A_955 : i32 to vector<16xi32>
        %parallel_loop3A_957 = arith.addi %mul3A_119, %parallel_loop3A_956 : vector<16xi32>
        %parallel_loop3A_958 = tpu.vector_load_idx %arg6[%parallel_loop3A_957] : memref<18432xf32, #tpu.memory_space<vmem>>[vector<16xi32>], vector<16xf32>,
        %parallel_loop3A_959 = arith.constant 16 : i32
        %parallel_loop3A_960 = arith.muli %parallel_loop3A_953, %parallel_loop3A_959 : i32
        %parallel_loop3A_961 = arith.index_cast %parallel_loop3A_960 : i32 to index
        %parallel_loop3A_962 = tpu.vector_load %arg9[%parallel_loop3A_961] {strides = array<i32>} : memref<4608xf32, #tpu.memory_space<vmem>>, vector<16xf32>,
        tpu.vector_store %arg9[%parallel_loop3A_961], %parallel_loop3A_958 {strides = array<i32>} : memref<4608xf32, #tpu.memory_space<vmem>>, vector<16xf32>,
      } {sc.loop_unroll_factor = 8 : i64, sc.parallel_access}
      %jit3A_718 = arith.constant 2 : i32
      %div3A_719 = arith.divsi %add3A_606, %jit3A_718 : i32
      %sign3A_720 = arith.constant 0 : i32
      %sign3A_721 = arith.cmpi sgt, %add3A_606, %sign3A_720 : i32
      %sign3A_722 = arith.extui %sign3A_721 : i1 to i32
      %sign3A_723 = arith.constant 0 : i32
      %sign3A_724 = arith.cmpi slt, %add3A_606, %sign3A_723 : i32
      %sign3A_725 = arith.extui %sign3A_724 : i1 to i32
      %sign3A_726 = arith.subi %sign3A_722, %sign3A_725 : i32
      %sign3A_727 = arith.constant 0 : i32
      %sign3A_728 = arith.cmpi sgt, %jit3A_718, %sign3A_727 : i32
      %sign3A_729 = arith.extui %sign3A_728 : i1 to i32
      %sign3A_730 = arith.constant 0 : i32
      %sign3A_731 = arith.cmpi slt, %jit3A_718, %sign3A_730 : i32
      %sign3A_732 = arith.extui %sign3A_731 : i1 to i32
      %sign3A_733 = arith.subi %sign3A_729, %sign3A_732 : i32
      %ne3A_734 = arith.cmpi ne, %sign3A_726, %sign3A_733 : i32
      %rem3A_735 = arith.remsi %add3A_606, %jit3A_718 : i32
      %ne3A_736 = arith.constant 0 : i32
      %ne3A_737 = arith.cmpi ne, %rem3A_735, %ne3A_736 : i32
      %and3A_738 = arith.andi %ne3A_734, %ne3A_737 : i1
      %sub3A_739 = arith.constant 1 : i32
      %sub3A_740 = arith.subi %div3A_719, %sub3A_739 : i32
      %select_n3A_741 = arith.select %and3A_738, %sub3A_740, %div3A_719 : i32
      %add3A_742 = arith.addi %mul3A_2, %select_n3A_741 : i32
      %jit3A_743 = arith.constant 2 : i32
      %eq3A_744 = arith.constant 0 : i32
      %eq3A_745 = arith.cmpi eq, %jit3A_743, %eq3A_744 : i32
      %jit3A_746 = arith.constant 1 : i32
      %select_n3A_747 = arith.select %eq3A_745, %jit3A_746, %jit3A_743 : i32
      %rem3A_748 = arith.remsi %add3A_606, %select_n3A_747 : i32
      %ne3A_749 = arith.constant 0 : i32
      %ne3A_750 = arith.cmpi ne, %rem3A_748, %ne3A_749 : i32
      %lt3A_751 = arith.constant 0 : i32
      %lt3A_752 = arith.cmpi slt, %rem3A_748, %lt3A_751 : i32
      %lt3A_753 = arith.constant 0 : i32
      %lt3A_754 = arith.cmpi slt, %select_n3A_747, %lt3A_753 : i32
      %ne3A_755 = arith.xori %lt3A_752, %lt3A_754 : i1
      %and3A_756 = arith.andi %ne3A_755, %ne3A_750 : i1
      %add3A_757 = arith.addi %rem3A_748, %select_n3A_747 : i32
      %select_n3A_758 = arith.select %and3A_756, %add3A_757, %rem3A_748 : i32
      %mul3A_759 = arith.constant 4608 : i32
      %mul3A_760 = arith.muli %select_n3A_758, %mul3A_759 : i32
      %add3A_761 = arith.constant 10240 : i32
      %add3A_762 = arith.addi %add3A_761, %mul3A_760 : i32
      %dma_start3A_763 = arith.constant 0 : i32
      %dma_start3A_764 = tpu.memref_slice %arg9[%dma_start3A_763] : memref<4608xf32, #tpu.memory_space<vmem>> -> memref<4608xf32, #tpu.memory_space<vmem>>
      %dma_start3A_765 = tpu.memref_slice %arg3[%add3A_742, %add3A_762] : memref<128x23552xf32, #tpu.memory_space<hbm>> -> memref<1x4608xf32, #tpu.memory_space<hbm>>
      %dma_start3A_766 = tpu.memref_squeeze %dma_start3A_765 : memref<1x4608xf32, #tpu.memory_space<hbm>> -> memref<4608xf32, #tpu.memory_space<hbm>>
      %dma_start3A_767 = tpu.memref_slice %arg3[%add3A_742, %add3A_762] : memref<128x23552xf32, #tpu.memory_space<hbm>> -> memref<1x4608xf32, #tpu.memory_space<hbm>>
      %dma_start3A_768 = tpu.memref_squeeze %dma_start3A_767 : memref<1x4608xf32, #tpu.memory_space<hbm>> -> memref<4608xf32, #tpu.memory_space<hbm>>
      %dma_start3A_769 = arith.constant 0 : i32
      %dma_start3A_770 = tpu.memref_slice %arg9[%dma_start3A_769] : memref<4608xf32, #tpu.memory_space<vmem>> -> memref<4608xf32, #tpu.memory_space<vmem>>
      tpu.enqueue_dma source(%dma_start3A_770 : memref<4608xf32, #tpu.memory_space<vmem>>) target(%dma_start3A_768 : memref<4608xf32, #tpu.memory_space<hbm>>) target_semaphore(%arg18 : memref<!tpu.dma_semaphore, #tpu.memory_space<semaphore_mem>>)
      %add3A_771 = arith.constant 1 : i32
      %add3A_772 = arith.addi %scan3A_366, %add3A_771 : i32
      %lt3A_773 = arith.constant 2 : i32
      %lt3A_774 = arith.cmpi slt, %add3A_772, %lt3A_773 : i32
      %convert_element_type3A_775 = arith.extui %lt3A_774 : i1 to i32
      %cond3A_776 = arith.constant 0 : i32
      %cond3A_777 = arith.cmpi ne, %convert_element_type3A_775, %cond3A_776 : i32
      scf.if %cond3A_777 {
        %add3A_953 = arith.constant 4 : i32
        %add3A_954 = arith.addi %add3A_606, %add3A_953 : i32
        %jit3A_955 = arith.constant 2 : i32
        %div3A_956 = arith.divsi %add3A_954, %jit3A_955 : i32
        %sign3A_957 = arith.constant 0 : i32
        %sign3A_958 = arith.cmpi sgt, %add3A_954, %sign3A_957 : i32
        %sign3A_959 = arith.extui %sign3A_958 : i1 to i32
        %sign3A_960 = arith.constant 0 : i32
        %sign3A_961 = arith.cmpi slt, %add3A_954, %sign3A_960 : i32
        %sign3A_962 = arith.extui %sign3A_961 : i1 to i32
        %sign3A_963 = arith.subi %sign3A_959, %sign3A_962 : i32
        %sign3A_964 = arith.constant 0 : i32
        %sign3A_965 = arith.cmpi sgt, %jit3A_955, %sign3A_964 : i32
        %sign3A_966 = arith.extui %sign3A_965 : i1 to i32
        %sign3A_967 = arith.constant 0 : i32
        %sign3A_968 = arith.cmpi slt, %jit3A_955, %sign3A_967 : i32
        %sign3A_969 = arith.extui %sign3A_968 : i1 to i32
        %sign3A_970 = arith.subi %sign3A_966, %sign3A_969 : i32
        %ne3A_971 = arith.cmpi ne, %sign3A_963, %sign3A_970 : i32
        %rem3A_972 = arith.remsi %add3A_954, %jit3A_955 : i32
        %ne3A_973 = arith.constant 0 : i32
        %ne3A_974 = arith.cmpi ne, %rem3A_972, %ne3A_973 : i32
        %and3A_975 = arith.andi %ne3A_971, %ne3A_974 : i1
        %sub3A_976 = arith.constant 1 : i32
        %sub3A_977 = arith.subi %div3A_956, %sub3A_976 : i32
        %select_n3A_978 = arith.select %and3A_975, %sub3A_977, %div3A_956 : i32
        %add3A_979 = arith.addi %mul3A_2, %select_n3A_978 : i32
        %jit3A_980 = arith.constant 2 : i32
        %eq3A_981 = arith.constant 0 : i32
        %eq3A_982 = arith.cmpi eq, %jit3A_980, %eq3A_981 : i32
        %jit3A_983 = arith.constant 1 : i32
        %select_n3A_984 = arith.select %eq3A_982, %jit3A_983, %jit3A_980 : i32
        %rem3A_985 = arith.remsi %add3A_954, %select_n3A_984 : i32
        %ne3A_986 = arith.constant 0 : i32
        %ne3A_987 = arith.cmpi ne, %rem3A_985, %ne3A_986 : i32
        %lt3A_988 = arith.constant 0 : i32
        %lt3A_989 = arith.cmpi slt, %rem3A_985, %lt3A_988 : i32
        %lt3A_990 = arith.constant 0 : i32
        %lt3A_991 = arith.cmpi slt, %select_n3A_984, %lt3A_990 : i32
        %ne3A_992 = arith.xori %lt3A_989, %lt3A_991 : i1
        %and3A_993 = arith.andi %ne3A_992, %ne3A_987 : i1
        %add3A_994 = arith.addi %rem3A_985, %select_n3A_984 : i32
        %select_n3A_995 = arith.select %and3A_993, %add3A_994, %rem3A_985 : i32
        %mul3A_996 = arith.constant 18432 : i32
        %mul3A_997 = arith.muli %select_n3A_995, %mul3A_996 : i32
        %add3A_998 = arith.constant 81920 : i32
        %add3A_999 = arith.addi %add3A_998, %mul3A_997 : i32
        %dma_start3A_1000 = arith.constant 0 : i32
        %dma_start3A_1001 = tpu.memref_slice %arg6[%dma_start3A_1000] : memref<18432xf32, #tpu.memory_space<vmem>> -> memref<18432xf32, #tpu.memory_space<vmem>>
        %dma_start3A_1002 = tpu.memref_slice %arg2[%add3A_979, %add3A_999] : memref<128x122880xf32, #tpu.memory_space<hbm>> -> memref<1x18432xf32, #tpu.memory_space<hbm>>
        %dma_start3A_1003 = tpu.memref_squeeze %dma_start3A_1002 : memref<1x18432xf32, #tpu.memory_space<hbm>> -> memref<18432xf32, #tpu.memory_space<hbm>>
        %dma_start3A_1004 = arith.constant 0 : i32
        %dma_start3A_1005 = tpu.memref_slice %arg6[%dma_start3A_1004] : memref<18432xf32, #tpu.memory_space<vmem>> -> memref<18432xf32, #tpu.memory_space<vmem>>
        %dma_start3A_1006 = tpu.memref_slice %arg2[%add3A_979, %add3A_999] : memref<128x122880xf32, #tpu.memory_space<hbm>> -> memref<1x18432xf32, #tpu.memory_space<hbm>>
        %dma_start3A_1007 = tpu.memref_squeeze %dma_start3A_1006 : memref<1x18432xf32, #tpu.memory_space<hbm>> -> memref<18432xf32, #tpu.memory_space<hbm>>
        tpu.enqueue_dma source(%dma_start3A_1007 : memref<18432xf32, #tpu.memory_space<hbm>>) target(%dma_start3A_1005 : memref<18432xf32, #tpu.memory_space<vmem>>) target_semaphore(%arg15 : memref<!tpu.dma_semaphore, #tpu.memory_space<semaphore_mem>>)
      } else {
      }
      %mul3A_778 = arith.constant 4 : i32
      %mul3A_779 = arith.muli %mul3A_778, %scan3A_366 : i32
      %add3A_780 = arith.constant 3 : i32
      %add3A_781 = arith.addi %mul3A_779, %add3A_780 : i32
      %sub3A_782 = arith.constant 2 : i32
      %sub3A_783 = arith.subi %add3A_781, %sub3A_782 : i32
      %jit3A_784 = arith.constant 2 : i32
      %div3A_785 = arith.divsi %sub3A_783, %jit3A_784 : i32
      %sign3A_786 = arith.constant 0 : i32
      %sign3A_787 = arith.cmpi sgt, %sub3A_783, %sign3A_786 : i32
      %sign3A_788 = arith.extui %sign3A_787 : i1 to i32
      %sign3A_789 = arith.constant 0 : i32
      %sign3A_790 = arith.cmpi slt, %sub3A_783, %sign3A_789 : i32
      %sign3A_791 = arith.extui %sign3A_790 : i1 to i32
      %sign3A_792 = arith.subi %sign3A_788, %sign3A_791 : i32
      %sign3A_793 = arith.constant 0 : i32
      %sign3A_794 = arith.cmpi sgt, %jit3A_784, %sign3A_793 : i32
      %sign3A_795 = arith.extui %sign3A_794 : i1 to i32
      %sign3A_796 = arith.constant 0 : i32
      %sign3A_797 = arith.cmpi slt, %jit3A_784, %sign3A_796 : i32
      %sign3A_798 = arith.extui %sign3A_797 : i1 to i32
      %sign3A_799 = arith.subi %sign3A_795, %sign3A_798 : i32
      %ne3A_800 = arith.cmpi ne, %sign3A_792, %sign3A_799 : i32
      %rem3A_801 = arith.remsi %sub3A_783, %jit3A_784 : i32
      %ne3A_802 = arith.constant 0 : i32
      %ne3A_803 = arith.cmpi ne, %rem3A_801, %ne3A_802 : i32
      %and3A_804 = arith.andi %ne3A_800, %ne3A_803 : i1
      %sub3A_805 = arith.constant 1 : i32
      %sub3A_806 = arith.subi %div3A_785, %sub3A_805 : i32
      %select_n3A_807 = arith.select %and3A_804, %sub3A_806, %div3A_785 : i32
      %add3A_808 = arith.addi %mul3A_2, %select_n3A_807 : i32
      %jit3A_809 = arith.constant 2 : i32
      %eq3A_810 = arith.constant 0 : i32
      %eq3A_811 = arith.cmpi eq, %jit3A_809, %eq3A_810 : i32
      %jit3A_812 = arith.constant 1 : i32
      %select_n3A_813 = arith.select %eq3A_811, %jit3A_812, %jit3A_809 : i32
      %rem3A_814 = arith.remsi %sub3A_783, %select_n3A_813 : i32
      %ne3A_815 = arith.constant 0 : i32
      %ne3A_816 = arith.cmpi ne, %rem3A_814, %ne3A_815 : i32
      %lt3A_817 = arith.constant 0 : i32
      %lt3A_818 = arith.cmpi slt, %rem3A_814, %lt3A_817 : i32
      %lt3A_819 = arith.constant 0 : i32
      %lt3A_820 = arith.cmpi slt, %select_n3A_813, %lt3A_819 : i32
      %ne3A_821 = arith.xori %lt3A_818, %lt3A_820 : i1
      %and3A_822 = arith.andi %ne3A_821, %ne3A_816 : i1
      %add3A_823 = arith.addi %rem3A_814, %select_n3A_813 : i32
      %select_n3A_824 = arith.select %and3A_822, %add3A_823, %rem3A_814 : i32
      %mul3A_825 = arith.constant 4608 : i32
      %mul3A_826 = arith.muli %select_n3A_824, %mul3A_825 : i32
      %add3A_827 = arith.constant 10240 : i32
      %add3A_828 = arith.addi %add3A_827, %mul3A_826 : i32
      %dma_wait3A_829 = arith.constant 0 : i32
      %dma_wait3A_830 = tpu.memref_slice %arg10[%dma_wait3A_829] : memref<4608xf32, #tpu.memory_space<vmem>> -> memref<4608xf32, #tpu.memory_space<vmem>>
      %dma_wait3A_831 = tpu.memref_slice %arg3[%add3A_808, %add3A_828] : memref<128x23552xf32, #tpu.memory_space<hbm>> -> memref<1x4608xf32, #tpu.memory_space<hbm>>
      %dma_wait3A_832 = tpu.memref_squeeze %dma_wait3A_831 : memref<1x4608xf32, #tpu.memory_space<hbm>> -> memref<4608xf32, #tpu.memory_space<hbm>>
      %dma_wait3A_833 = tpu.memref_slice %arg3[%add3A_808, %add3A_828] : memref<128x23552xf32, #tpu.memory_space<hbm>> -> memref<1x4608xf32, #tpu.memory_space<hbm>>
      %dma_wait3A_834 = tpu.memref_squeeze %dma_wait3A_833 : memref<1x4608xf32, #tpu.memory_space<hbm>> -> memref<4608xf32, #tpu.memory_space<hbm>>
      %dma_wait3A_835 = arith.constant 0 : i32
      %dma_wait3A_836 = tpu.memref_slice %arg10[%dma_wait3A_835] : memref<4608xf32, #tpu.memory_space<vmem>> -> memref<4608xf32, #tpu.memory_space<vmem>>
      tpu.wait_dma2 semaphore(%arg19 : memref<!tpu.dma_semaphore, #tpu.memory_space<semaphore_mem>>) src(%dma_wait3A_836 : memref<4608xf32, #tpu.memory_space<vmem>>) dst(%dma_wait3A_834 : memref<4608xf32, #tpu.memory_space<hbm>>)
      %jit3A_837 = arith.constant 2 : i32
      %div3A_838 = arith.divsi %add3A_781, %jit3A_837 : i32
      %sign3A_839 = arith.constant 0 : i32
      %sign3A_840 = arith.cmpi sgt, %add3A_781, %sign3A_839 : i32
      %sign3A_841 = arith.extui %sign3A_840 : i1 to i32
      %sign3A_842 = arith.constant 0 : i32
      %sign3A_843 = arith.cmpi slt, %add3A_781, %sign3A_842 : i32
      %sign3A_844 = arith.extui %sign3A_843 : i1 to i32
      %sign3A_845 = arith.subi %sign3A_841, %sign3A_844 : i32
      %sign3A_846 = arith.constant 0 : i32
      %sign3A_847 = arith.cmpi sgt, %jit3A_837, %sign3A_846 : i32
      %sign3A_848 = arith.extui %sign3A_847 : i1 to i32
      %sign3A_849 = arith.constant 0 : i32
      %sign3A_850 = arith.cmpi slt, %jit3A_837, %sign3A_849 : i32
      %sign3A_851 = arith.extui %sign3A_850 : i1 to i32
      %sign3A_852 = arith.subi %sign3A_848, %sign3A_851 : i32
      %ne3A_853 = arith.cmpi ne, %sign3A_845, %sign3A_852 : i32
      %rem3A_854 = arith.remsi %add3A_781, %jit3A_837 : i32
      %ne3A_855 = arith.constant 0 : i32
      %ne3A_856 = arith.cmpi ne, %rem3A_854, %ne3A_855 : i32
      %and3A_857 = arith.andi %ne3A_853, %ne3A_856 : i1
      %sub3A_858 = arith.constant 1 : i32
      %sub3A_859 = arith.subi %div3A_838, %sub3A_858 : i32
      %select_n3A_860 = arith.select %and3A_857, %sub3A_859, %div3A_838 : i32
      %add3A_861 = arith.addi %mul3A_2, %select_n3A_860 : i32
      %jit3A_862 = arith.constant 2 : i32
      %eq3A_863 = arith.constant 0 : i32
      %eq3A_864 = arith.cmpi eq, %jit3A_862, %eq3A_863 : i32
      %jit3A_865 = arith.constant 1 : i32
      %select_n3A_866 = arith.select %eq3A_864, %jit3A_865, %jit3A_862 : i32
      %rem3A_867 = arith.remsi %add3A_781, %select_n3A_866 : i32
      %ne3A_868 = arith.constant 0 : i32
      %ne3A_869 = arith.cmpi ne, %rem3A_867, %ne3A_868 : i32
      %lt3A_870 = arith.constant 0 : i32
      %lt3A_871 = arith.cmpi slt, %rem3A_867, %lt3A_870 : i32
      %lt3A_872 = arith.constant 0 : i32
      %lt3A_873 = arith.cmpi slt, %select_n3A_866, %lt3A_872 : i32
      %ne3A_874 = arith.xori %lt3A_871, %lt3A_873 : i1
      %and3A_875 = arith.andi %ne3A_874, %ne3A_869 : i1
      %add3A_876 = arith.addi %rem3A_867, %select_n3A_866 : i32
      %select_n3A_877 = arith.select %and3A_875, %add3A_876, %rem3A_867 : i32
      %mul3A_878 = arith.constant 18432 : i32
      %mul3A_879 = arith.muli %select_n3A_877, %mul3A_878 : i32
      %add3A_880 = arith.constant 81920 : i32
      %add3A_881 = arith.addi %add3A_880, %mul3A_879 : i32
      %dma_wait3A_882 = arith.constant 0 : i32
      %dma_wait3A_883 = tpu.memref_slice %arg7[%dma_wait3A_882] : memref<18432xf32, #tpu.memory_space<vmem>> -> memref<18432xf32, #tpu.memory_space<vmem>>
      %dma_wait3A_884 = tpu.memref_slice %arg2[%add3A_861, %add3A_881] : memref<128x122880xf32, #tpu.memory_space<hbm>> -> memref<1x18432xf32, #tpu.memory_space<hbm>>
      %dma_wait3A_885 = tpu.memref_squeeze %dma_wait3A_884 : memref<1x18432xf32, #tpu.memory_space<hbm>> -> memref<18432xf32, #tpu.memory_space<hbm>>
      %dma_wait3A_886 = arith.constant 0 : i32
      %dma_wait3A_887 = tpu.memref_slice %arg7[%dma_wait3A_886] : memref<18432xf32, #tpu.memory_space<vmem>> -> memref<18432xf32, #tpu.memory_space<vmem>>
      %dma_wait3A_888 = tpu.memref_slice %arg2[%add3A_861, %add3A_881] : memref<128x122880xf32, #tpu.memory_space<hbm>> -> memref<1x18432xf32, #tpu.memory_space<hbm>>
      %dma_wait3A_889 = tpu.memref_squeeze %dma_wait3A_888 : memref<1x18432xf32, #tpu.memory_space<hbm>> -> memref<18432xf32, #tpu.memory_space<hbm>>
      tpu.wait_dma2 semaphore(%arg16 : memref<!tpu.dma_semaphore, #tpu.memory_space<semaphore_mem>>) src(%dma_wait3A_889 : memref<18432xf32, #tpu.memory_space<hbm>>) dst(%dma_wait3A_887 : memref<18432xf32, #tpu.memory_space<vmem>>)
      %parallel_loop3A_890 = arith.constant 0 : i32
      %parallel_loop3A_891 = arith.constant 288 : i32
      %parallel_loop3A_892 = arith.constant 1 : i32
      scf.for %parallel_loop3A_953 = %parallel_loop3A_890 to %parallel_loop3A_891 step %parallel_loop3A_892  : i32 {
        %parallel_loop3A_954 = arith.constant 64 : i32
        %parallel_loop3A_955 = arith.muli %parallel_loop3A_953, %parallel_loop3A_954 : i32
        %parallel_loop3A_956 = vector.broadcast %parallel_loop3A_955 : i32 to vector<16xi32>
        %parallel_loop3A_957 = arith.addi %mul3A_119, %parallel_loop3A_956 : vector<16xi32>
        %parallel_loop3A_958 = tpu.vector_load_idx %arg7[%parallel_loop3A_957] : memref<18432xf32, #tpu.memory_space<vmem>>[vector<16xi32>], vector<16xf32>,
        %parallel_loop3A_959 = arith.constant 16 : i32
        %parallel_loop3A_960 = arith.muli %parallel_loop3A_953, %parallel_loop3A_959 : i32
        %parallel_loop3A_961 = arith.index_cast %parallel_loop3A_960 : i32 to index
        %parallel_loop3A_962 = tpu.vector_load %arg10[%parallel_loop3A_961] {strides = array<i32>} : memref<4608xf32, #tpu.memory_space<vmem>>, vector<16xf32>,
        tpu.vector_store %arg10[%parallel_loop3A_961], %parallel_loop3A_958 {strides = array<i32>} : memref<4608xf32, #tpu.memory_space<vmem>>, vector<16xf32>,
      } {sc.loop_unroll_factor = 8 : i64, sc.parallel_access}
      %jit3A_893 = arith.constant 2 : i32
      %div3A_894 = arith.divsi %add3A_781, %jit3A_893 : i32
      %sign3A_895 = arith.constant 0 : i32
      %sign3A_896 = arith.cmpi sgt, %add3A_781, %sign3A_895 : i32
      %sign3A_897 = arith.extui %sign3A_896 : i1 to i32
      %sign3A_898 = arith.constant 0 : i32
      %sign3A_899 = arith.cmpi slt, %add3A_781, %sign3A_898 : i32
      %sign3A_900 = arith.extui %sign3A_899 : i1 to i32
      %sign3A_901 = arith.subi %sign3A_897, %sign3A_900 : i32
      %sign3A_902 = arith.constant 0 : i32
      %sign3A_903 = arith.cmpi sgt, %jit3A_893, %sign3A_902 : i32
      %sign3A_904 = arith.extui %sign3A_903 : i1 to i32
      %sign3A_905 = arith.constant 0 : i32
      %sign3A_906 = arith.cmpi slt, %jit3A_893, %sign3A_905 : i32
      %sign3A_907 = arith.extui %sign3A_906 : i1 to i32
      %sign3A_908 = arith.subi %sign3A_904, %sign3A_907 : i32
      %ne3A_909 = arith.cmpi ne, %sign3A_901, %sign3A_908 : i32
      %rem3A_910 = arith.remsi %add3A_781, %jit3A_893 : i32
      %ne3A_911 = arith.constant 0 : i32
      %ne3A_912 = arith.cmpi ne, %rem3A_910, %ne3A_911 : i32
      %and3A_913 = arith.andi %ne3A_909, %ne3A_912 : i1
      %sub3A_914 = arith.constant 1 : i32
      %sub3A_915 = arith.subi %div3A_894, %sub3A_914 : i32
      %select_n3A_916 = arith.select %and3A_913, %sub3A_915, %div3A_894 : i32
      %add3A_917 = arith.addi %mul3A_2, %select_n3A_916 : i32
      %jit3A_918 = arith.constant 2 : i32
      %eq3A_919 = arith.constant 0 : i32
      %eq3A_920 = arith.cmpi eq, %jit3A_918, %eq3A_919 : i32
      %jit3A_921 = arith.constant 1 : i32
      %select_n3A_922 = arith.select %eq3A_920, %jit3A_921, %jit3A_918 : i32
      %rem3A_923 = arith.remsi %add3A_781, %select_n3A_922 : i32
      %ne3A_924 = arith.constant 0 : i32
      %ne3A_925 = arith.cmpi ne, %rem3A_923, %ne3A_924 : i32
      %lt3A_926 = arith.constant 0 : i32
      %lt3A_927 = arith.cmpi slt, %rem3A_923, %lt3A_926 : i32
      %lt3A_928 = arith.constant 0 : i32
      %lt3A_929 = arith.cmpi slt, %select_n3A_922, %lt3A_928 : i32
      %ne3A_930 = arith.xori %lt3A_927, %lt3A_929 : i1
      %and3A_931 = arith.andi %ne3A_930, %ne3A_925 : i1
      %add3A_932 = arith.addi %rem3A_923, %select_n3A_922 : i32
      %select_n3A_933 = arith.select %and3A_931, %add3A_932, %rem3A_923 : i32
      %mul3A_934 = arith.constant 4608 : i32
      %mul3A_935 = arith.muli %select_n3A_933, %mul3A_934 : i32
      %add3A_936 = arith.constant 10240 : i32
      %add3A_937 = arith.addi %add3A_936, %mul3A_935 : i32
      %dma_start3A_938 = arith.constant 0 : i32
      %dma_start3A_939 = tpu.memref_slice %arg10[%dma_start3A_938] : memref<4608xf32, #tpu.memory_space<vmem>> -> memref<4608xf32, #tpu.memory_space<vmem>>
      %dma_start3A_940 = tpu.memref_slice %arg3[%add3A_917, %add3A_937] : memref<128x23552xf32, #tpu.memory_space<hbm>> -> memref<1x4608xf32, #tpu.memory_space<hbm>>
      %dma_start3A_941 = tpu.memref_squeeze %dma_start3A_940 : memref<1x4608xf32, #tpu.memory_space<hbm>> -> memref<4608xf32, #tpu.memory_space<hbm>>
      %dma_start3A_942 = tpu.memref_slice %arg3[%add3A_917, %add3A_937] : memref<128x23552xf32, #tpu.memory_space<hbm>> -> memref<1x4608xf32, #tpu.memory_space<hbm>>
      %dma_start3A_943 = tpu.memref_squeeze %dma_start3A_942 : memref<1x4608xf32, #tpu.memory_space<hbm>> -> memref<4608xf32, #tpu.memory_space<hbm>>
      %dma_start3A_944 = arith.constant 0 : i32
      %dma_start3A_945 = tpu.memref_slice %arg10[%dma_start3A_944] : memref<4608xf32, #tpu.memory_space<vmem>> -> memref<4608xf32, #tpu.memory_space<vmem>>
      tpu.enqueue_dma source(%dma_start3A_945 : memref<4608xf32, #tpu.memory_space<vmem>>) target(%dma_start3A_943 : memref<4608xf32, #tpu.memory_space<hbm>>) target_semaphore(%arg19 : memref<!tpu.dma_semaphore, #tpu.memory_space<semaphore_mem>>)
      %add3A_946 = arith.constant 1 : i32
      %add3A_947 = arith.addi %scan3A_366, %add3A_946 : i32
      %lt3A_948 = arith.constant 2 : i32
      %lt3A_949 = arith.cmpi slt, %add3A_947, %lt3A_948 : i32
      %convert_element_type3A_950 = arith.extui %lt3A_949 : i1 to i32
      %cond3A_951 = arith.constant 0 : i32
      %cond3A_952 = arith.cmpi ne, %convert_element_type3A_950, %cond3A_951 : i32
      scf.if %cond3A_952 {
        %add3A_953 = arith.constant 4 : i32
        %add3A_954 = arith.addi %add3A_781, %add3A_953 : i32
        %jit3A_955 = arith.constant 2 : i32
        %div3A_956 = arith.divsi %add3A_954, %jit3A_955 : i32
        %sign3A_957 = arith.constant 0 : i32
        %sign3A_958 = arith.cmpi sgt, %add3A_954, %sign3A_957 : i32
        %sign3A_959 = arith.extui %sign3A_958 : i1 to i32
        %sign3A_960 = arith.constant 0 : i32
        %sign3A_961 = arith.cmpi slt, %add3A_954, %sign3A_960 : i32
        %sign3A_962 = arith.extui %sign3A_961 : i1 to i32
        %sign3A_963 = arith.subi %sign3A_959, %sign3A_962 : i32
        %sign3A_964 = arith.constant 0 : i32
        %sign3A_965 = arith.cmpi sgt, %jit3A_955, %sign3A_964 : i32
        %sign3A_966 = arith.extui %sign3A_965 : i1 to i32
        %sign3A_967 = arith.constant 0 : i32
        %sign3A_968 = arith.cmpi slt, %jit3A_955, %sign3A_967 : i32
        %sign3A_969 = arith.extui %sign3A_968 : i1 to i32
        %sign3A_970 = arith.subi %sign3A_966, %sign3A_969 : i32
        %ne3A_971 = arith.cmpi ne, %sign3A_963, %sign3A_970 : i32
        %rem3A_972 = arith.remsi %add3A_954, %jit3A_955 : i32
        %ne3A_973 = arith.constant 0 : i32
        %ne3A_974 = arith.cmpi ne, %rem3A_972, %ne3A_973 : i32
        %and3A_975 = arith.andi %ne3A_971, %ne3A_974 : i1
        %sub3A_976 = arith.constant 1 : i32
        %sub3A_977 = arith.subi %div3A_956, %sub3A_976 : i32
        %select_n3A_978 = arith.select %and3A_975, %sub3A_977, %div3A_956 : i32
        %add3A_979 = arith.addi %mul3A_2, %select_n3A_978 : i32
        %jit3A_980 = arith.constant 2 : i32
        %eq3A_981 = arith.constant 0 : i32
        %eq3A_982 = arith.cmpi eq, %jit3A_980, %eq3A_981 : i32
        %jit3A_983 = arith.constant 1 : i32
        %select_n3A_984 = arith.select %eq3A_982, %jit3A_983, %jit3A_980 : i32
        %rem3A_985 = arith.remsi %add3A_954, %select_n3A_984 : i32
        %ne3A_986 = arith.constant 0 : i32
        %ne3A_987 = arith.cmpi ne, %rem3A_985, %ne3A_986 : i32
        %lt3A_988 = arith.constant 0 : i32
        %lt3A_989 = arith.cmpi slt, %rem3A_985, %lt3A_988 : i32
        %lt3A_990 = arith.constant 0 : i32
        %lt3A_991 = arith.cmpi slt, %select_n3A_984, %lt3A_990 : i32
        %ne3A_992 = arith.xori %lt3A_989, %lt3A_991 : i1
        %and3A_993 = arith.andi %ne3A_992, %ne3A_987 : i1
        %add3A_994 = arith.addi %rem3A_985, %select_n3A_984 : i32
        %select_n3A_995 = arith.select %and3A_993, %add3A_994, %rem3A_985 : i32
        %mul3A_996 = arith.constant 18432 : i32
        %mul3A_997 = arith.muli %select_n3A_995, %mul3A_996 : i32
        %add3A_998 = arith.constant 81920 : i32
        %add3A_999 = arith.addi %add3A_998, %mul3A_997 : i32
        %dma_start3A_1000 = arith.constant 0 : i32
        %dma_start3A_1001 = tpu.memref_slice %arg7[%dma_start3A_1000] : memref<18432xf32, #tpu.memory_space<vmem>> -> memref<18432xf32, #tpu.memory_space<vmem>>
        %dma_start3A_1002 = tpu.memref_slice %arg2[%add3A_979, %add3A_999] : memref<128x122880xf32, #tpu.memory_space<hbm>> -> memref<1x18432xf32, #tpu.memory_space<hbm>>
        %dma_start3A_1003 = tpu.memref_squeeze %dma_start3A_1002 : memref<1x18432xf32, #tpu.memory_space<hbm>> -> memref<18432xf32, #tpu.memory_space<hbm>>
        %dma_start3A_1004 = arith.constant 0 : i32
        %dma_start3A_1005 = tpu.memref_slice %arg7[%dma_start3A_1004] : memref<18432xf32, #tpu.memory_space<vmem>> -> memref<18432xf32, #tpu.memory_space<vmem>>
        %dma_start3A_1006 = tpu.memref_slice %arg2[%add3A_979, %add3A_999] : memref<128x122880xf32, #tpu.memory_space<hbm>> -> memref<1x18432xf32, #tpu.memory_space<hbm>>
        %dma_start3A_1007 = tpu.memref_squeeze %dma_start3A_1006 : memref<1x18432xf32, #tpu.memory_space<hbm>> -> memref<18432xf32, #tpu.memory_space<hbm>>
        tpu.enqueue_dma source(%dma_start3A_1007 : memref<18432xf32, #tpu.memory_space<hbm>>) target(%dma_start3A_1005 : memref<18432xf32, #tpu.memory_space<vmem>>) target_semaphore(%arg16 : memref<!tpu.dma_semaphore, #tpu.memory_space<semaphore_mem>>)
      } else {
      }
    }
    %scan3A_173 = arith.constant 2 : i32
    %add3A_174 = arith.constant 3 : i32
    %add3A_175 = arith.addi %mul3A_2, %add3A_174 : i32
    %dma_wait3A_176 = arith.constant 0 : i32
    %dma_wait3A_177 = tpu.memref_slice %arg9[%dma_wait3A_176] : memref<4608xf32, #tpu.memory_space<vmem>> -> memref<4608xf32, #tpu.memory_space<vmem>>
    %dma_wait3A_178 = arith.constant 10240 : i32
    %dma_wait3A_179 = tpu.memref_slice %arg3[%add3A_175, %dma_wait3A_178] : memref<128x23552xf32, #tpu.memory_space<hbm>> -> memref<1x4608xf32, #tpu.memory_space<hbm>>
    %dma_wait3A_180 = tpu.memref_squeeze %dma_wait3A_179 : memref<1x4608xf32, #tpu.memory_space<hbm>> -> memref<4608xf32, #tpu.memory_space<hbm>>
    %dma_wait3A_181 = arith.constant 10240 : i32
    %dma_wait3A_182 = tpu.memref_slice %arg3[%add3A_175, %dma_wait3A_181] : memref<128x23552xf32, #tpu.memory_space<hbm>> -> memref<1x4608xf32, #tpu.memory_space<hbm>>
    %dma_wait3A_183 = tpu.memref_squeeze %dma_wait3A_182 : memref<1x4608xf32, #tpu.memory_space<hbm>> -> memref<4608xf32, #tpu.memory_space<hbm>>
    %dma_wait3A_184 = arith.constant 0 : i32
    %dma_wait3A_185 = tpu.memref_slice %arg9[%dma_wait3A_184] : memref<4608xf32, #tpu.memory_space<vmem>> -> memref<4608xf32, #tpu.memory_space<vmem>>
    tpu.wait_dma2 semaphore(%arg18 : memref<!tpu.dma_semaphore, #tpu.memory_space<semaphore_mem>>) src(%dma_wait3A_185 : memref<4608xf32, #tpu.memory_space<vmem>>) dst(%dma_wait3A_183 : memref<4608xf32, #tpu.memory_space<hbm>>)
    %add3A_186 = arith.constant 3 : i32
    %add3A_187 = arith.addi %mul3A_2, %add3A_186 : i32
    %dma_wait3A_188 = arith.constant 0 : i32
    %dma_wait3A_189 = tpu.memref_slice %arg10[%dma_wait3A_188] : memref<4608xf32, #tpu.memory_space<vmem>> -> memref<4608xf32, #tpu.memory_space<vmem>>
    %dma_wait3A_190 = arith.constant 14848 : i32
    %dma_wait3A_191 = tpu.memref_slice %arg3[%add3A_187, %dma_wait3A_190] : memref<128x23552xf32, #tpu.memory_space<hbm>> -> memref<1x4608xf32, #tpu.memory_space<hbm>>
    %dma_wait3A_192 = tpu.memref_squeeze %dma_wait3A_191 : memref<1x4608xf32, #tpu.memory_space<hbm>> -> memref<4608xf32, #tpu.memory_space<hbm>>
    %dma_wait3A_193 = arith.constant 14848 : i32
    %dma_wait3A_194 = tpu.memref_slice %arg3[%add3A_187, %dma_wait3A_193] : memref<128x23552xf32, #tpu.memory_space<hbm>> -> memref<1x4608xf32, #tpu.memory_space<hbm>>
    %dma_wait3A_195 = tpu.memref_squeeze %dma_wait3A_194 : memref<1x4608xf32, #tpu.memory_space<hbm>> -> memref<4608xf32, #tpu.memory_space<hbm>>
    %dma_wait3A_196 = arith.constant 0 : i32
    %dma_wait3A_197 = tpu.memref_slice %arg10[%dma_wait3A_196] : memref<4608xf32, #tpu.memory_space<vmem>> -> memref<4608xf32, #tpu.memory_space<vmem>>
    tpu.wait_dma2 semaphore(%arg19 : memref<!tpu.dma_semaphore, #tpu.memory_space<semaphore_mem>>) src(%dma_wait3A_197 : memref<4608xf32, #tpu.memory_space<vmem>>) dst(%dma_wait3A_195 : memref<4608xf32, #tpu.memory_space<hbm>>)
    %add3A_198 = arith.constant 0 : i32
    %add3A_199 = arith.addi %mul3A_2, %add3A_198 : i32
    %dma_wait3A_200 = arith.constant 0 : i32
    %dma_wait3A_201 = tpu.memref_slice %arg11[%dma_wait3A_200] : memref<4096xf32, #tpu.memory_space<vmem>> -> memref<4096xf32, #tpu.memory_space<vmem>>
    %dma_wait3A_202 = arith.constant 118784 : i32
    %dma_wait3A_203 = tpu.memref_slice %arg2[%add3A_199, %dma_wait3A_202] : memref<128x122880xf32, #tpu.memory_space<hbm>> -> memref<1x4096xf32, #tpu.memory_space<hbm>>
    %dma_wait3A_204 = tpu.memref_squeeze %dma_wait3A_203 : memref<1x4096xf32, #tpu.memory_space<hbm>> -> memref<4096xf32, #tpu.memory_space<hbm>>
    %dma_wait3A_205 = arith.constant 0 : i32
    %dma_wait3A_206 = tpu.memref_slice %arg11[%dma_wait3A_205] : memref<4096xf32, #tpu.memory_space<vmem>> -> memref<4096xf32, #tpu.memory_space<vmem>>
    %dma_wait3A_207 = arith.constant 118784 : i32
    %dma_wait3A_208 = tpu.memref_slice %arg2[%add3A_199, %dma_wait3A_207] : memref<128x122880xf32, #tpu.memory_space<hbm>> -> memref<1x4096xf32, #tpu.memory_space<hbm>>
    %dma_wait3A_209 = tpu.memref_squeeze %dma_wait3A_208 : memref<1x4096xf32, #tpu.memory_space<hbm>> -> memref<4096xf32, #tpu.memory_space<hbm>>
    tpu.wait_dma2 semaphore(%arg20 : memref<!tpu.dma_semaphore, #tpu.memory_space<semaphore_mem>>) src(%dma_wait3A_209 : memref<4096xf32, #tpu.memory_space<hbm>>) dst(%dma_wait3A_206 : memref<4096xf32, #tpu.memory_space<vmem>>)
    %add3A_210 = arith.constant 0 : i32
    %add3A_211 = arith.addi %mul3A_2, %add3A_210 : i32
    %dma_start3A_212 = arith.constant 0 : i32
    %dma_start3A_213 = tpu.memref_slice %arg11[%dma_start3A_212] : memref<4096xf32, #tpu.memory_space<vmem>> -> memref<4096xf32, #tpu.memory_space<vmem>>
    %dma_start3A_214 = arith.constant 19456 : i32
    %dma_start3A_215 = tpu.memref_slice %arg3[%add3A_211, %dma_start3A_214] : memref<128x23552xf32, #tpu.memory_space<hbm>> -> memref<1x4096xf32, #tpu.memory_space<hbm>>
    %dma_start3A_216 = tpu.memref_squeeze %dma_start3A_215 : memref<1x4096xf32, #tpu.memory_space<hbm>> -> memref<4096xf32, #tpu.memory_space<hbm>>
    %dma_start3A_217 = arith.constant 19456 : i32
    %dma_start3A_218 = tpu.memref_slice %arg3[%add3A_211, %dma_start3A_217] : memref<128x23552xf32, #tpu.memory_space<hbm>> -> memref<1x4096xf32, #tpu.memory_space<hbm>>
    %dma_start3A_219 = tpu.memref_squeeze %dma_start3A_218 : memref<1x4096xf32, #tpu.memory_space<hbm>> -> memref<4096xf32, #tpu.memory_space<hbm>>
    %dma_start3A_220 = arith.constant 0 : i32
    %dma_start3A_221 = tpu.memref_slice %arg11[%dma_start3A_220] : memref<4096xf32, #tpu.memory_space<vmem>> -> memref<4096xf32, #tpu.memory_space<vmem>>
    tpu.enqueue_dma source(%dma_start3A_221 : memref<4096xf32, #tpu.memory_space<vmem>>) target(%dma_start3A_219 : memref<4096xf32, #tpu.memory_space<hbm>>) target_semaphore(%arg18 : memref<!tpu.dma_semaphore, #tpu.memory_space<semaphore_mem>>)
    %add3A_222 = arith.constant 1 : i32
    %add3A_223 = arith.addi %mul3A_2, %add3A_222 : i32
    %dma_wait3A_224 = arith.constant 0 : i32
    %dma_wait3A_225 = tpu.memref_slice %arg12[%dma_wait3A_224] : memref<4096xf32, #tpu.memory_space<vmem>> -> memref<4096xf32, #tpu.memory_space<vmem>>
    %dma_wait3A_226 = arith.constant 118784 : i32
    %dma_wait3A_227 = tpu.memref_slice %arg2[%add3A_223, %dma_wait3A_226] : memref<128x122880xf32, #tpu.memory_space<hbm>> -> memref<1x4096xf32, #tpu.memory_space<hbm>>
    %dma_wait3A_228 = tpu.memref_squeeze %dma_wait3A_227 : memref<1x4096xf32, #tpu.memory_space<hbm>> -> memref<4096xf32, #tpu.memory_space<hbm>>
    %dma_wait3A_229 = arith.constant 0 : i32
    %dma_wait3A_230 = tpu.memref_slice %arg12[%dma_wait3A_229] : memref<4096xf32, #tpu.memory_space<vmem>> -> memref<4096xf32, #tpu.memory_space<vmem>>
    %dma_wait3A_231 = arith.constant 118784 : i32
    %dma_wait3A_232 = tpu.memref_slice %arg2[%add3A_223, %dma_wait3A_231] : memref<128x122880xf32, #tpu.memory_space<hbm>> -> memref<1x4096xf32, #tpu.memory_space<hbm>>
    %dma_wait3A_233 = tpu.memref_squeeze %dma_wait3A_232 : memref<1x4096xf32, #tpu.memory_space<hbm>> -> memref<4096xf32, #tpu.memory_space<hbm>>
    tpu.wait_dma2 semaphore(%arg21 : memref<!tpu.dma_semaphore, #tpu.memory_space<semaphore_mem>>) src(%dma_wait3A_233 : memref<4096xf32, #tpu.memory_space<hbm>>) dst(%dma_wait3A_230 : memref<4096xf32, #tpu.memory_space<vmem>>)
    %add3A_234 = arith.constant 1 : i32
    %add3A_235 = arith.addi %mul3A_2, %add3A_234 : i32
    %dma_start3A_236 = arith.constant 0 : i32
    %dma_start3A_237 = tpu.memref_slice %arg12[%dma_start3A_236] : memref<4096xf32, #tpu.memory_space<vmem>> -> memref<4096xf32, #tpu.memory_space<vmem>>
    %dma_start3A_238 = arith.constant 19456 : i32
    %dma_start3A_239 = tpu.memref_slice %arg3[%add3A_235, %dma_start3A_238] : memref<128x23552xf32, #tpu.memory_space<hbm>> -> memref<1x4096xf32, #tpu.memory_space<hbm>>
    %dma_start3A_240 = tpu.memref_squeeze %dma_start3A_239 : memref<1x4096xf32, #tpu.memory_space<hbm>> -> memref<4096xf32, #tpu.memory_space<hbm>>
    %dma_start3A_241 = arith.constant 19456 : i32
    %dma_start3A_242 = tpu.memref_slice %arg3[%add3A_235, %dma_start3A_241] : memref<128x23552xf32, #tpu.memory_space<hbm>> -> memref<1x4096xf32, #tpu.memory_space<hbm>>
    %dma_start3A_243 = tpu.memref_squeeze %dma_start3A_242 : memref<1x4096xf32, #tpu.memory_space<hbm>> -> memref<4096xf32, #tpu.memory_space<hbm>>
    %dma_start3A_244 = arith.constant 0 : i32
    %dma_start3A_245 = tpu.memref_slice %arg12[%dma_start3A_244] : memref<4096xf32, #tpu.memory_space<vmem>> -> memref<4096xf32, #tpu.memory_space<vmem>>
    tpu.enqueue_dma source(%dma_start3A_245 : memref<4096xf32, #tpu.memory_space<vmem>>) target(%dma_start3A_243 : memref<4096xf32, #tpu.memory_space<hbm>>) target_semaphore(%arg19 : memref<!tpu.dma_semaphore, #tpu.memory_space<semaphore_mem>>)
    %add3A_246 = arith.constant 0 : i32
    %add3A_247 = arith.addi %mul3A_2, %add3A_246 : i32
    %dma_wait3A_248 = arith.constant 0 : i32
    %dma_wait3A_249 = tpu.memref_slice %arg11[%dma_wait3A_248] : memref<4096xf32, #tpu.memory_space<vmem>> -> memref<4096xf32, #tpu.memory_space<vmem>>
    %dma_wait3A_250 = arith.constant 19456 : i32
    %dma_wait3A_251 = tpu.memref_slice %arg3[%add3A_247, %dma_wait3A_250] : memref<128x23552xf32, #tpu.memory_space<hbm>> -> memref<1x4096xf32, #tpu.memory_space<hbm>>
    %dma_wait3A_252 = tpu.memref_squeeze %dma_wait3A_251 : memref<1x4096xf32, #tpu.memory_space<hbm>> -> memref<4096xf32, #tpu.memory_space<hbm>>
    %dma_wait3A_253 = arith.constant 19456 : i32
    %dma_wait3A_254 = tpu.memref_slice %arg3[%add3A_247, %dma_wait3A_253] : memref<128x23552xf32, #tpu.memory_space<hbm>> -> memref<1x4096xf32, #tpu.memory_space<hbm>>
    %dma_wait3A_255 = tpu.memref_squeeze %dma_wait3A_254 : memref<1x4096xf32, #tpu.memory_space<hbm>> -> memref<4096xf32, #tpu.memory_space<hbm>>
    %dma_wait3A_256 = arith.constant 0 : i32
    %dma_wait3A_257 = tpu.memref_slice %arg11[%dma_wait3A_256] : memref<4096xf32, #tpu.memory_space<vmem>> -> memref<4096xf32, #tpu.memory_space<vmem>>
    tpu.wait_dma2 semaphore(%arg18 : memref<!tpu.dma_semaphore, #tpu.memory_space<semaphore_mem>>) src(%dma_wait3A_257 : memref<4096xf32, #tpu.memory_space<vmem>>) dst(%dma_wait3A_255 : memref<4096xf32, #tpu.memory_space<hbm>>)
    %add3A_258 = arith.constant 2 : i32
    %add3A_259 = arith.addi %mul3A_2, %add3A_258 : i32
    %dma_start3A_260 = arith.constant 0 : i32
    %dma_start3A_261 = tpu.memref_slice %arg11[%dma_start3A_260] : memref<4096xf32, #tpu.memory_space<vmem>> -> memref<4096xf32, #tpu.memory_space<vmem>>
    %dma_start3A_262 = arith.constant 118784 : i32
    %dma_start3A_263 = tpu.memref_slice %arg2[%add3A_259, %dma_start3A_262] : memref<128x122880xf32, #tpu.memory_space<hbm>> -> memref<1x4096xf32, #tpu.memory_space<hbm>>
    %dma_start3A_264 = tpu.memref_squeeze %dma_start3A_263 : memref<1x4096xf32, #tpu.memory_space<hbm>> -> memref<4096xf32, #tpu.memory_space<hbm>>
    %dma_start3A_265 = arith.constant 0 : i32
    %dma_start3A_266 = tpu.memref_slice %arg11[%dma_start3A_265] : memref<4096xf32, #tpu.memory_space<vmem>> -> memref<4096xf32, #tpu.memory_space<vmem>>
    %dma_start3A_267 = arith.constant 118784 : i32
    %dma_start3A_268 = tpu.memref_slice %arg2[%add3A_259, %dma_start3A_267] : memref<128x122880xf32, #tpu.memory_space<hbm>> -> memref<1x4096xf32, #tpu.memory_space<hbm>>
    %dma_start3A_269 = tpu.memref_squeeze %dma_start3A_268 : memref<1x4096xf32, #tpu.memory_space<hbm>> -> memref<4096xf32, #tpu.memory_space<hbm>>
    tpu.enqueue_dma source(%dma_start3A_269 : memref<4096xf32, #tpu.memory_space<hbm>>) target(%dma_start3A_266 : memref<4096xf32, #tpu.memory_space<vmem>>) target_semaphore(%arg20 : memref<!tpu.dma_semaphore, #tpu.memory_space<semaphore_mem>>)
    %add3A_270 = arith.constant 1 : i32
    %add3A_271 = arith.addi %mul3A_2, %add3A_270 : i32
    %dma_wait3A_272 = arith.constant 0 : i32
    %dma_wait3A_273 = tpu.memref_slice %arg12[%dma_wait3A_272] : memref<4096xf32, #tpu.memory_space<vmem>> -> memref<4096xf32, #tpu.memory_space<vmem>>
    %dma_wait3A_274 = arith.constant 19456 : i32
    %dma_wait3A_275 = tpu.memref_slice %arg3[%add3A_271, %dma_wait3A_274] : memref<128x23552xf32, #tpu.memory_space<hbm>> -> memref<1x4096xf32, #tpu.memory_space<hbm>>
    %dma_wait3A_276 = tpu.memref_squeeze %dma_wait3A_275 : memref<1x4096xf32, #tpu.memory_space<hbm>> -> memref<4096xf32, #tpu.memory_space<hbm>>
    %dma_wait3A_277 = arith.constant 19456 : i32
    %dma_wait3A_278 = tpu.memref_slice %arg3[%add3A_271, %dma_wait3A_277] : memref<128x23552xf32, #tpu.memory_space<hbm>> -> memref<1x4096xf32, #tpu.memory_space<hbm>>
    %dma_wait3A_279 = tpu.memref_squeeze %dma_wait3A_278 : memref<1x4096xf32, #tpu.memory_space<hbm>> -> memref<4096xf32, #tpu.memory_space<hbm>>
    %dma_wait3A_280 = arith.constant 0 : i32
    %dma_wait3A_281 = tpu.memref_slice %arg12[%dma_wait3A_280] : memref<4096xf32, #tpu.memory_space<vmem>> -> memref<4096xf32, #tpu.memory_space<vmem>>
    tpu.wait_dma2 semaphore(%arg19 : memref<!tpu.dma_semaphore, #tpu.memory_space<semaphore_mem>>) src(%dma_wait3A_281 : memref<4096xf32, #tpu.memory_space<vmem>>) dst(%dma_wait3A_279 : memref<4096xf32, #tpu.memory_space<hbm>>)
    %add3A_282 = arith.constant 3 : i32
    %add3A_283 = arith.addi %mul3A_2, %add3A_282 : i32
    %dma_start3A_284 = arith.constant 0 : i32
    %dma_start3A_285 = tpu.memref_slice %arg12[%dma_start3A_284] : memref<4096xf32, #tpu.memory_space<vmem>> -> memref<4096xf32, #tpu.memory_space<vmem>>
    %dma_start3A_286 = arith.constant 118784 : i32
    %dma_start3A_287 = tpu.memref_slice %arg2[%add3A_283, %dma_start3A_286] : memref<128x122880xf32, #tpu.memory_space<hbm>> -> memref<1x4096xf32, #tpu.memory_space<hbm>>
    %dma_start3A_288 = tpu.memref_squeeze %dma_start3A_287 : memref<1x4096xf32, #tpu.memory_space<hbm>> -> memref<4096xf32, #tpu.memory_space<hbm>>
    %dma_start3A_289 = arith.constant 0 : i32
    %dma_start3A_290 = tpu.memref_slice %arg12[%dma_start3A_289] : memref<4096xf32, #tpu.memory_space<vmem>> -> memref<4096xf32, #tpu.memory_space<vmem>>
    %dma_start3A_291 = arith.constant 118784 : i32
    %dma_start3A_292 = tpu.memref_slice %arg2[%add3A_283, %dma_start3A_291] : memref<128x122880xf32, #tpu.memory_space<hbm>> -> memref<1x4096xf32, #tpu.memory_space<hbm>>
    %dma_start3A_293 = tpu.memref_squeeze %dma_start3A_292 : memref<1x4096xf32, #tpu.memory_space<hbm>> -> memref<4096xf32, #tpu.memory_space<hbm>>
    tpu.enqueue_dma source(%dma_start3A_293 : memref<4096xf32, #tpu.memory_space<hbm>>) target(%dma_start3A_290 : memref<4096xf32, #tpu.memory_space<vmem>>) target_semaphore(%arg21 : memref<!tpu.dma_semaphore, #tpu.memory_space<semaphore_mem>>)
    %add3A_294 = arith.constant 2 : i32
    %add3A_295 = arith.addi %mul3A_2, %add3A_294 : i32
    %dma_wait3A_296 = arith.constant 0 : i32
    %dma_wait3A_297 = tpu.memref_slice %arg11[%dma_wait3A_296] : memref<4096xf32, #tpu.memory_space<vmem>> -> memref<4096xf32, #tpu.memory_space<vmem>>
    %dma_wait3A_298 = arith.constant 118784 : i32
    %dma_wait3A_299 = tpu.memref_slice %arg2[%add3A_295, %dma_wait3A_298] : memref<128x122880xf32, #tpu.memory_space<hbm>> -> memref<1x4096xf32, #tpu.memory_space<hbm>>
    %dma_wait3A_300 = tpu.memref_squeeze %dma_wait3A_299 : memref<1x4096xf32, #tpu.memory_space<hbm>> -> memref<4096xf32, #tpu.memory_space<hbm>>
    %dma_wait3A_301 = arith.constant 0 : i32
    %dma_wait3A_302 = tpu.memref_slice %arg11[%dma_wait3A_301] : memref<4096xf32, #tpu.memory_space<vmem>> -> memref<4096xf32, #tpu.memory_space<vmem>>
    %dma_wait3A_303 = arith.constant 118784 : i32
    %dma_wait3A_304 = tpu.memref_slice %arg2[%add3A_295, %dma_wait3A_303] : memref<128x122880xf32, #tpu.memory_space<hbm>> -> memref<1x4096xf32, #tpu.memory_space<hbm>>
    %dma_wait3A_305 = tpu.memref_squeeze %dma_wait3A_304 : memref<1x4096xf32, #tpu.memory_space<hbm>> -> memref<4096xf32, #tpu.memory_space<hbm>>
    tpu.wait_dma2 semaphore(%arg20 : memref<!tpu.dma_semaphore, #tpu.memory_space<semaphore_mem>>) src(%dma_wait3A_305 : memref<4096xf32, #tpu.memory_space<hbm>>) dst(%dma_wait3A_302 : memref<4096xf32, #tpu.memory_space<vmem>>)
    %add3A_306 = arith.constant 2 : i32
    %add3A_307 = arith.addi %mul3A_2, %add3A_306 : i32
    %dma_start3A_308 = arith.constant 0 : i32
    %dma_start3A_309 = tpu.memref_slice %arg11[%dma_start3A_308] : memref<4096xf32, #tpu.memory_space<vmem>> -> memref<4096xf32, #tpu.memory_space<vmem>>
    %dma_start3A_310 = arith.constant 19456 : i32
    %dma_start3A_311 = tpu.memref_slice %arg3[%add3A_307, %dma_start3A_310] : memref<128x23552xf32, #tpu.memory_space<hbm>> -> memref<1x4096xf32, #tpu.memory_space<hbm>>
    %dma_start3A_312 = tpu.memref_squeeze %dma_start3A_311 : memref<1x4096xf32, #tpu.memory_space<hbm>> -> memref<4096xf32, #tpu.memory_space<hbm>>
    %dma_start3A_313 = arith.constant 19456 : i32
    %dma_start3A_314 = tpu.memref_slice %arg3[%add3A_307, %dma_start3A_313] : memref<128x23552xf32, #tpu.memory_space<hbm>> -> memref<1x4096xf32, #tpu.memory_space<hbm>>
    %dma_start3A_315 = tpu.memref_squeeze %dma_start3A_314 : memref<1x4096xf32, #tpu.memory_space<hbm>> -> memref<4096xf32, #tpu.memory_space<hbm>>
    %dma_start3A_316 = arith.constant 0 : i32
    %dma_start3A_317 = tpu.memref_slice %arg11[%dma_start3A_316] : memref<4096xf32, #tpu.memory_space<vmem>> -> memref<4096xf32, #tpu.memory_space<vmem>>
    tpu.enqueue_dma source(%dma_start3A_317 : memref<4096xf32, #tpu.memory_space<vmem>>) target(%dma_start3A_315 : memref<4096xf32, #tpu.memory_space<hbm>>) target_semaphore(%arg18 : memref<!tpu.dma_semaphore, #tpu.memory_space<semaphore_mem>>)
    %add3A_318 = arith.constant 3 : i32
    %add3A_319 = arith.addi %mul3A_2, %add3A_318 : i32
    %dma_wait3A_320 = arith.constant 0 : i32
    %dma_wait3A_321 = tpu.memref_slice %arg12[%dma_wait3A_320] : memref<4096xf32, #tpu.memory_space<vmem>> -> memref<4096xf32, #tpu.memory_space<vmem>>
    %dma_wait3A_322 = arith.constant 118784 : i32
    %dma_wait3A_323 = tpu.memref_slice %arg2[%add3A_319, %dma_wait3A_322] : memref<128x122880xf32, #tpu.memory_space<hbm>> -> memref<1x4096xf32, #tpu.memory_space<hbm>>
    %dma_wait3A_324 = tpu.memref_squeeze %dma_wait3A_323 : memref<1x4096xf32, #tpu.memory_space<hbm>> -> memref<4096xf32, #tpu.memory_space<hbm>>
    %dma_wait3A_325 = arith.constant 0 : i32
    %dma_wait3A_326 = tpu.memref_slice %arg12[%dma_wait3A_325] : memref<4096xf32, #tpu.memory_space<vmem>> -> memref<4096xf32, #tpu.memory_space<vmem>>
    %dma_wait3A_327 = arith.constant 118784 : i32
    %dma_wait3A_328 = tpu.memref_slice %arg2[%add3A_319, %dma_wait3A_327] : memref<128x122880xf32, #tpu.memory_space<hbm>> -> memref<1x4096xf32, #tpu.memory_space<hbm>>
    %dma_wait3A_329 = tpu.memref_squeeze %dma_wait3A_328 : memref<1x4096xf32, #tpu.memory_space<hbm>> -> memref<4096xf32, #tpu.memory_space<hbm>>
    tpu.wait_dma2 semaphore(%arg21 : memref<!tpu.dma_semaphore, #tpu.memory_space<semaphore_mem>>) src(%dma_wait3A_329 : memref<4096xf32, #tpu.memory_space<hbm>>) dst(%dma_wait3A_326 : memref<4096xf32, #tpu.memory_space<vmem>>)
    %add3A_330 = arith.constant 3 : i32
    %add3A_331 = arith.addi %mul3A_2, %add3A_330 : i32
    %dma_start3A_332 = arith.constant 0 : i32
    %dma_start3A_333 = tpu.memref_slice %arg12[%dma_start3A_332] : memref<4096xf32, #tpu.memory_space<vmem>> -> memref<4096xf32, #tpu.memory_space<vmem>>
    %dma_start3A_334 = arith.constant 19456 : i32
    %dma_start3A_335 = tpu.memref_slice %arg3[%add3A_331, %dma_start3A_334] : memref<128x23552xf32, #tpu.memory_space<hbm>> -> memref<1x4096xf32, #tpu.memory_space<hbm>>
    %dma_start3A_336 = tpu.memref_squeeze %dma_start3A_335 : memref<1x4096xf32, #tpu.memory_space<hbm>> -> memref<4096xf32, #tpu.memory_space<hbm>>
    %dma_start3A_337 = arith.constant 19456 : i32
    %dma_start3A_338 = tpu.memref_slice %arg3[%add3A_331, %dma_start3A_337] : memref<128x23552xf32, #tpu.memory_space<hbm>> -> memref<1x4096xf32, #tpu.memory_space<hbm>>
    %dma_start3A_339 = tpu.memref_squeeze %dma_start3A_338 : memref<1x4096xf32, #tpu.memory_space<hbm>> -> memref<4096xf32, #tpu.memory_space<hbm>>
    %dma_start3A_340 = arith.constant 0 : i32
    %dma_start3A_341 = tpu.memref_slice %arg12[%dma_start3A_340] : memref<4096xf32, #tpu.memory_space<vmem>> -> memref<4096xf32, #tpu.memory_space<vmem>>
    tpu.enqueue_dma source(%dma_start3A_341 : memref<4096xf32, #tpu.memory_space<vmem>>) target(%dma_start3A_339 : memref<4096xf32, #tpu.memory_space<hbm>>) target_semaphore(%arg19 : memref<!tpu.dma_semaphore, #tpu.memory_space<semaphore_mem>>)
    %add3A_342 = arith.constant 2 : i32
    %add3A_343 = arith.addi %mul3A_2, %add3A_342 : i32
    %dma_wait3A_344 = arith.constant 0 : i32
    %dma_wait3A_345 = tpu.memref_slice %arg11[%dma_wait3A_344] : memref<4096xf32, #tpu.memory_space<vmem>> -> memref<4096xf32, #tpu.memory_space<vmem>>
    %dma_wait3A_346 = arith.constant 19456 : i32
    %dma_wait3A_347 = tpu.memref_slice %arg3[%add3A_343, %dma_wait3A_346] : memref<128x23552xf32, #tpu.memory_space<hbm>> -> memref<1x4096xf32, #tpu.memory_space<hbm>>
    %dma_wait3A_348 = tpu.memref_squeeze %dma_wait3A_347 : memref<1x4096xf32, #tpu.memory_space<hbm>> -> memref<4096xf32, #tpu.memory_space<hbm>>
    %dma_wait3A_349 = arith.constant 19456 : i32
    %dma_wait3A_350 = tpu.memref_slice %arg3[%add3A_343, %dma_wait3A_349] : memref<128x23552xf32, #tpu.memory_space<hbm>> -> memref<1x4096xf32, #tpu.memory_space<hbm>>
    %dma_wait3A_351 = tpu.memref_squeeze %dma_wait3A_350 : memref<1x4096xf32, #tpu.memory_space<hbm>> -> memref<4096xf32, #tpu.memory_space<hbm>>
    %dma_wait3A_352 = arith.constant 0 : i32
    %dma_wait3A_353 = tpu.memref_slice %arg11[%dma_wait3A_352] : memref<4096xf32, #tpu.memory_space<vmem>> -> memref<4096xf32, #tpu.memory_space<vmem>>
    tpu.wait_dma2 semaphore(%arg18 : memref<!tpu.dma_semaphore, #tpu.memory_space<semaphore_mem>>) src(%dma_wait3A_353 : memref<4096xf32, #tpu.memory_space<vmem>>) dst(%dma_wait3A_351 : memref<4096xf32, #tpu.memory_space<hbm>>)
    %add3A_354 = arith.constant 3 : i32
    %add3A_355 = arith.addi %mul3A_2, %add3A_354 : i32
    %dma_wait3A_356 = arith.constant 0 : i32
    %dma_wait3A_357 = tpu.memref_slice %arg12[%dma_wait3A_356] : memref<4096xf32, #tpu.memory_space<vmem>> -> memref<4096xf32, #tpu.memory_space<vmem>>
    %dma_wait3A_358 = arith.constant 19456 : i32
    %dma_wait3A_359 = tpu.memref_slice %arg3[%add3A_355, %dma_wait3A_358] : memref<128x23552xf32, #tpu.memory_space<hbm>> -> memref<1x4096xf32, #tpu.memory_space<hbm>>
    %dma_wait3A_360 = tpu.memref_squeeze %dma_wait3A_359 : memref<1x4096xf32, #tpu.memory_space<hbm>> -> memref<4096xf32, #tpu.memory_space<hbm>>
    %dma_wait3A_361 = arith.constant 19456 : i32
    %dma_wait3A_362 = tpu.memref_slice %arg3[%add3A_355, %dma_wait3A_361] : memref<128x23552xf32, #tpu.memory_space<hbm>> -> memref<1x4096xf32, #tpu.memory_space<hbm>>
    %dma_wait3A_363 = tpu.memref_squeeze %dma_wait3A_362 : memref<1x4096xf32, #tpu.memory_space<hbm>> -> memref<4096xf32, #tpu.memory_space<hbm>>
    %dma_wait3A_364 = arith.constant 0 : i32
    %dma_wait3A_365 = tpu.memref_slice %arg12[%dma_wait3A_364] : memref<4096xf32, #tpu.memory_space<vmem>> -> memref<4096xf32, #tpu.memory_space<vmem>>
    tpu.wait_dma2 semaphore(%arg19 : memref<!tpu.dma_semaphore, #tpu.memory_space<semaphore_mem>>) src(%dma_wait3A_365 : memref<4096xf32, #tpu.memory_space<vmem>>) dst(%dma_wait3A_363 : memref<4096xf32, #tpu.memory_space<hbm>>)
    return
  }
}

</mosaic_0001>

<sc_bundles>
// kernel: _decimate.3.cloned.1.call-start
scs
__scs_entry_jumppad:
0x0: {  	(pc) =	sbr.rel $0x88, $3  }
0x1: {  	(tag) =	ssettag $0x0;
	lr =	simm.s32 $0x1  }
0x2: {  	[smem:$0x3FA0] =	sst lr;
	_ =	strace $0xD0000000  }
0x3: {  	_ = 	snop  }
0x4: {  	_ = 	snop  }
0x5: {  	_ = 	snop  }
0x6: {  	_ = 	snop  }
0x7: {  	_ = 	snop  }
__scs_overlays_trampoline_lowered:
0x8: {  	[smem:$0x3FAF] =	sst s0  }
0x9: {  	[smem:$0x3FB0] =	sst s1  }
0xa: {  	[smem:$0x3FB1] =	sst s2  }
0xb: {  	[smem:$0x3FB2] =	sst s3  }
0xc: {  	[smem:$0x3FB3] =	sst s4  }
0xd: {  	[smem:$0x3FB4] =	sst s5  }
0xe: {  	[smem:$0x3FB5] =	sst s6  }
0xf: {  	[smem:$0x3FB6] =	sst s7  }
0x10: {  	[smem:$0x3FB7] =	sst s8  }
0x11: {  	[smem:$0x3FB8] =	sst s9;
	s0 =	simm.s32 @!p0 $0x0  }
0x12: {  	s1 =	sld [smem:$0x3F9E];
	s0 =	simm.s32 @p0 $0x1  }
0x13: {  	[smem:$0x3FB9] =	sst s0;
	s0 =	simm.s32 @!p1 $0x0  }
0x14: {  	s2 =	sld [smem:$0x3F9D];
	s0 =	simm.s32 @p1 $0x1  }
0x15: {  	[smem:$0x3FBA] =	sst s0;
	s0 =	simm.s32 @!p2 $0x0  }
0x16: {  	s3 =	sld [smem:$0x3FDB];
	s0 =	simm.s32 @p2 $0x1  }
0x17: {  	s4 =	simm.s32 $0x1BF5;
	[smem:$0x3FBC] =	sst s0  }
0x18: {  	s0 =	sld [smem:$0x3F9F];
	_ =	swait.ge [sflag:s4], $0x0  }
0x19: {  	s7 =	sld [smem:$0x3FA0]  }
0x1a: {  	s8 =	sadd.s32 $0xFFFFE003, lr  }
0x1b: {  	s9 =	sadd.s32 $0xFFFFFEF7, lr;
	s5 =	simm.s32 $0xFFFFFFFF;
	p2 =	slt.u32 s8, $0xFFFFF086  }
0x1c: {  	p1 =	slt.u32 s9, $0xF7A;
	s5 =	simm.s32 @!p2 $0x0  }
0x1d: {  	s5 =	simm.s32 @p1 $0x1;
	p0 =	seq.s32 s7, s2  }
0x1e: {  	s7 =	smul.u32 @!p0 $0xF7A, s2;
	p2 =	seq.s32 @!p0 s5, $0x0  }
0x1f: {  	s9 =	smul.u32 $0xF7A, s1;
	s8 =	simm.s32 @!p0 $0x1BF5;
	p2 =	por !p2, p0  }
0x20: {  	[sflag:s8] =	ssyncset.s32 @!p0 $0xFFFFF086;
	s6 =	sadd.s32 @!p0 s3, s7;
	s7 =	simm.s32 @!p0 $0x108  }
0x21: {  	s3 =	sadd.s32 s3, s9;
	s6 =	sadd.s32 @!p0 $0x88, s6;
	s7 =	simm.s32 @p2 $0x1082  }
0x22: {  	[simem:s7], [sflag:s8] =	dma.local @!p0 [hbm:s6], $0xF7A  }
0x23: {  	s9 =	sor.u32 $0xD0000000, s2;
	s6 =	simm.s32 $0x108;
	_ =	swait.ge @!p0 [sflag:s8], $0x0  }
0x24: {  	s3 =	sadd.s32 $0x88, s3;
	s6 =	simm.s32 @!p1 $0x1082;
	[sflag:s4] =	ssyncset.s32 $0xFFFFF086  }
0x25: {  	[simem:s6], [sflag:s4] =	dma.local [hbm:s3], $0xF7A  }
0x26: {  	[smem:$0x3FA0] =	sst s1;
	(tag) =	ssettag s2;
	_ =	strace s9  }
0x27: {  	s1 =	sld [smem:$0x3FB0]  }
0x28: {  	s2 =	sld [smem:$0x3FB1]  }
0x29: {  	s4 =	sld [smem:$0x3FB3]  }
0x2a: {  	p0 =	seq.s32 s5, $0x0;
	s5 =	sld [smem:$0x3FB4]  }
0x2b: {  	s6 =	sld [smem:$0x3FB5]  }
0x2c: {  	s7 =	sld [smem:$0x3FB6]  }
0x2d: {  	s3 =	simm.s32 $0x108;
	s8 =	sld [smem:$0x3FB7]  }
0x2e: {  	s3 =	simm.s32 @!p0 $0x1082;
	s9 =	sld [smem:$0x3FB8]  }
0x2f: {  	lr =	sadd.s32 s0, s3;
	s0 =	sld [smem:$0x3FAF]  }
0x30: {  	s3 =	sld [smem:$0x3FB2]  }
0x31: {  	[smem:$0x3FBB] =	sst s10  }
0x32: {  	s10 =	sld [smem:$0x3FB9];
	_ =	sdelay $0x3  }
0x33: {  	p0 =	seq.s32 s10, $0x1;
	s10 =	sld [smem:$0x3FBB];
	_ =	sdelay $0x3  }
0x34: {  	[smem:$0x3FBB] =	sst s10  }
0x35: {  	s10 =	sld [smem:$0x3FBA];
	_ =	sdelay $0x3  }
0x36: {  	p1 =	seq.s32 s10, $0x1;
	s10 =	sld [smem:$0x3FBB];
	_ =	sdelay $0x3  }
0x37: {  	[smem:$0x3FBB] =	sst s10  }
0x38: {  	s10 =	sld [smem:$0x3FBC]  }
0x39: {  	_ = 	snop;
	(pc) =	sbr.ind lr, $3  }
0x3a: {  	_ = 	snop  }
0x3b: {  	_ = 	snop  }
0x3c: {  	p2 =	seq.s32 s10, $0x1;
	s10 =	sld [smem:$0x3FBB]  }
0x3d: {  	_ =	shalt  }
0x3e: {  	_ =	shalt  }
0x3f: {  	_ =	shalt  }
0x40: {  	_ =	shalt  }
0x41: {  	_ =	shalt  }
0x42: {  	_ =	shalt  }
0x43: {  	_ =	shalt  }
0x44: {  	_ =	shalt  }
0x45: {  	_ =	shalt  }
0x46: {  	_ =	shalt  }
0x47: {  	_ =	shalt  }
0x48: {  	_ =	shalt  }
0x49: {  	_ =	shalt  }
0x4a: {  	_ =	shalt  }
0x4b: {  	_ =	shalt  }
0x4c: {  	_ =	shalt  }
0x4d: {  	_ =	shalt  }
0x4e: {  	_ =	shalt  }
0x4f: {  	_ =	shalt  }
0x50: {  	_ =	shalt  }
0x51: {  	_ =	shalt  }
0x52: {  	_ =	shalt  }
0x53: {  	_ =	shalt  }
0x54: {  	_ =	shalt  }
0x55: {  	_ =	shalt  }
0x56: {  	_ =	shalt  }
0x57: {  	_ =	shalt  }
0x58: {  	_ =	shalt  }
0x59: {  	_ =	shalt  }
0x5a: {  	_ =	shalt  }
0x5b: {  	_ =	shalt  }
0x5c: {  	_ =	shalt  }
0x5d: {  	_ =	shalt  }
0x5e: {  	_ =	shalt  }
0x5f: {  	_ =	shalt  }
0x60: {  	_ =	shalt  }
0x61: {  	_ =	shalt  }
0x62: {  	_ =	shalt  }
0x63: {  	_ =	shalt  }
0x64: {  	_ =	shalt  }
0x65: {  	_ =	shalt  }
0x66: {  	_ =	shalt  }
0x67: {  	_ =	shalt  }
0x68: {  	_ =	shalt  }
0x69: {  	_ =	shalt  }
0x6a: {  	_ =	shalt  }
0x6b: {  	_ =	shalt  }
0x6c: {  	_ =	shalt  }
0x6d: {  	_ =	shalt  }
0x6e: {  	_ =	shalt  }
0x6f: {  	_ =	shalt  }
0x70: {  	_ =	shalt  }
0x71: {  	_ =	shalt  }
0x72: {  	_ =	shalt  }
0x73: {  	_ =	shalt  }
0x74: {  	_ =	shalt  }
0x75: {  	_ =	shalt  }
0x76: {  	_ =	shalt  }
0x77: {  	_ =	shalt  }
0x78: {  	_ =	shalt  }
0x79: {  	_ =	shalt  }
0x7a: {  	_ =	shalt  }
0x7b: {  	_ =	shalt  }
0x7c: {  	_ =	shalt  }
0x7d: {  	_ =	shalt  }
0x7e: {  	_ =	shalt  }
0x7f: {  	_ =	shalt  }
0x80: {  	_ =	shalt  }
0x81: {  	_ =	shalt  }
0x82: {  	_ =	shalt  }
0x83: {  	_ =	shalt  }
0x84: {  	_ =	shalt  }
0x85: {  	_ =	shalt  }
0x86: {  	_ =	shalt  }
0x87: {  	_ =	shalt  }
.Lfunc_end0:
.L_simem_size_0:
called_computation_lowered:
.L_overlay_start_0:
0x88: {  	s2 =	sld [smem:$0x3FD9]  }
0x89: {  	s3 =	sld [smem:$0x3FFE];
	_ =	sdelay $0x1  }
0x8a: {  	s1 =	srdreg.scid  }
0x8b: {  	s0 =	sand.u32 $0x1, s1  }
0x8c: {  	s18 =	sshll.u32 s0, $0xA;
	s2 =	sadd.s32 s3, s2  }
0x8d: {  	s2 =	sadd.s32 s2, s18  }
0x8e: {  	[smem:$0x3FC7] =	sst s2  }
0x8f: {  	_ = 	snop  }
0x90: {  	s2 =	sld [smem:$0x3FC9]  }
0x91: {  	s19 =	sld [smem:$0x3FD0];
	(tm) =	ssettm $0x1  }
0x92: {  	s4 =	sld [smem:$0x3FFB];
	_ =	sdelay $0x3  }
0x93: {  	_ =	strace s4  }
0x94: {  	s4 =	sld [smem:$0x3FFC];
	_ =	sdelay $0x3  }
0x95: {  	_ =	strace s4  }
0x96: {  	s4 =	sld [smem:$0x3FFD];
	_ =	sdelay $0x3  }
0x97: {  	_ =	strace s4  }
0x98: {  	_ =	strace $0x8FFFFFFF  }
0x99: {  	s20 =	sld [smem:$0x3FDB];
	_ =	sdelay $0x1  }
0x9a: {  	s5 =	simm.s32 $_scs_section_size  }
0x9b: {  	s6 =	simm.s32 $_size__tile_overlayer_lowered;
	s7 =	simm.s32 $_tile_overlayer_lowered  }
0x9c: {  	s23 =	simm.s32 $0x1BFF;
	s22 =	sshll.u32 s7, $0x1;
	s4 =	sadd.s32 s5, s20  }
0x9d: {  	s8 =	simm.s32 $0x0;
	s21 =	sshll.u32 s6, $0x1;
	s6 =	sadd.s32 s22, s4  }
0x9e: {  	[timem:s8], [sflag:s23] =	dma.local [hbm:s6], s21  }
0x9f: {  	_ =	swait.ge [sflag:s23], s21  }
0xa0: {  	s5 =	ssub.s32 $0x0, s21;
	[sflag:s23] =	ssyncset.done $0x0  }
0xa1: {  	[sflag:s23] =	ssyncadd.s32 s5;
	_ =	sdelay $0x1  }
0xa2: {  	s24 =	simm.s32 $0x1B8B  }
0xa3: {  	_ =	swait.ge [sflag:s24], $0x1  }
0xa4: {  	[sflag:s24] =	ssyncset.done $0x0  }
0xa5: {  	s25 =	simm.s32 $0x1B8E;
	[sflag:s24] =	ssyncadd.s32 $0xFFFFFFFF  }
0xa6: {  	s26 =	simm.s32 $execute0_lowered;
	[smem:$0x3FD2] =	sst s25  }
0xa7: {  	s5 =	sshll.u32 s26, $0x1;
	_ =	strace $0x80000046;
	[dreg:$0x1] =	wrdreg $0xFFFFFFFF  }
0xa8: {  	s28 =	simm.s32 $_size_execute0_lowered;
	s4 =	sadd.s32 s4, s5;
	[dreg:$0x0] =	wrdreg $0x0  }
0xa9: {  	s5 =	sshll.u32 s28, $0x1;
	[dreg:$0x2] =	wrdreg s4  }
0xaa: {  	[dreg:$0x3] =	wrdreg s5  }
0xab: {  	[dreg:$0x4] =	wrdreg $0xC0  }
0xac: {  	_ =	task [dreg:s8], $0x5FFFF  }
0xad: {  	[dreg:$0x1] =	wrdreg $0xFFFFFFFF  }
0xae: {  	[dreg:$0x0] =	wrdreg $0x60  }
0xaf: {  	[dreg:$0x2] =	wrdreg s2  }
0xb0: {  	[dreg:$0x3] =	wrdreg s19  }
0xb1: {  	[dreg:$0x4] =	wrdreg $0x9  }
0xb2: {  	_ =	task.clear_ibuf [dreg:s8], $0x5FFFF;
	_ =	strace $0x90000046  }
0xb3: {  	s29 =	simm.s32 $0x9;
	_ =	strace $0x80000048  }
0xb4: {  	_ =	swait.ge [sflag:s29], $0x1  }
0xb5: {  	[sflag:s29] =	ssyncadd.s32 $0xFFFFFFFF  }
0xb6: {  	_ =	strace $0x90000048  }
0xb7: {  	_ =	sfence  }
0xb8: {  	s30 =	sld [smem:$0x0];
	_ =	sdelay $0x2  }
0xb9: {  	s31 =	sshll.u32 s1, $0xD;
	s1 =	sshrl.u32 s1, $0x2  }
0xba: {  	s3 =	sand.u32 $0x4000, s31;
	s1 =	sadd.s32 s1, s30  }
0xbb: {  	s0 =	sor.u32 s3, s0;
	s1 =	sshll.u32 s1, $0x11  }
0xbc: {  	s0 =	sor.u32 s1, s0  }
0xbd: {  	s0 =	sadd.s32 $0x8F2B, s0  }
0xbe: {  	[sflag:s0] =	ssyncadd.remote.s32 $0x1  }
0xbf: {  	_ =	sfence.sel $0xFFFF  }
0xc0: {  	[dreg:$0x0] =	wrdreg $0xFFFFFFFF;
	(pc) =	sbr.abs _section_cstart, $3  }
0xc1: {  	[dreg:$0x1] =	wrdreg $0xFFFFFFFF  }
0xc2: {  	_ =	task.clear_ibuf [dreg:s8], $0x2FFFF;
	_ =	strace $0x9FFFFFFF  }
0xc3: {  	(tm) =	ssettm $0x7FFFFFFF  }
tec
execute0_lowered:
.L_overlay_start_1:
0x0: {  	(tag) =	ssettag $0x1  }
0x1: {  	s0 =	srdreg.scid  }
0x2: {  	s5 =	stileid.u32;
	s2 =	rddreg [dreg:$0x0]  }
0x3: {  	s4 =	rddreg [dreg:$0x1];
	s6 =	simm.s32 $0x0;
	s28 =	simm.s32 $0x1  }
0x4: {  	s29 =	simm.s32 $0x16800;
	s0 =	sand.u32 $0x1, s0;
	s3 =	sshll.u32 s5, $0x2  }
0x5: {  	[smem:$0x7FF] =	sst s6;
	s5 =	sshll.u32 s5, $0x9;
	s1 =	sshll.u32 s0, $0x6  }
0x6: {  	[dreg:$0x3] =	wrdreg s3;
	s0 =	ssub.s32 $0x2, s0;
	s22 =	sand.u32 $0x200, s5  }
0x7: {  	s1 =	sor.u32 s3, s1;
	s7 =	sshrl.u32 s0, $0x1;
	s8 =	sor.u32 $0x80, s22  }
0x8: {  	[dreg:$0x4] =	wrdreg s1;
	s1 =	sshrl.u32 s1, $0x3;
	s0 =	ssub.s32 s0, s7  }
0x9: {  	s18 =	smul.u32 $0xF0000, s1;
	_ =	strace $0x80000047;
	[dreg:$0x6] =	wrdreg s8  }
0xa: {  	s30 =	simm.s32 $0x2;
	s0 =	smax.u32 s0, $0x1;
	[dreg:$0x5] =	wrdreg s22  }
0xb: {  	s16 =	smul.u32 $0x2E000, s1;
	[dreg:$0x1a] =	wrdreg s0;
	s5 =	sadd.s32 $0xE8000, s18  }
0xc: {  	s10 =	sor.u32 s22, s18;
	s14 =	sadd.s32 $0xA0000, s18;
	s3 =	sadd.s32 $0xC4000, s18  }
0xd: {  	s19 =	sor.u32 s22, s5;
	s9 =	sor.u32 s8, s5;
	s21 =	sadd.s32 $0x20000, s10  }
0xe: {  	s23 =	sshrl.u32 s10, $0x3;
	s25 =	sadd.s32 $0x40000, s10;
	s26 =	sadd.s32 $0x60000, s10  }
0xf: {  	s10 =	sadd.s32 $0x80000, s10;
	s15 =	sor.u32 s22, s14;
	[dreg:$0xe] =	wrdreg s3  }
0x10: {  	s18 =	sor.u32 s8, s14;
	s7 =	sshrl.u32 s19, $0x3;
	s20 =	sshrl.u32 s9, $0x3  }
0x11: {  	s9 =	sshrl.u32 s21, $0x3;
	s12 =	sshrl.u32 s10, $0x3;
	s7 =	sadd.s32 s2, s7  }
0x12: {  	s1 =	sshrl.u32 s15, $0x3;
	s24 =	sadd.s32 s2, s9;
	[dreg:$0x7] =	wrdreg s7  }
0x13: {  	s19 =	sshrl.u32 s18, $0x3;
	s13 =	sadd.s32 s2, s12;
	[dreg:$0xa] =	wrdreg s24  }
0x14: {  	s12 =	sadd.s32 s2, s1;
	s1 =	sadd.s32 s2, s19;
	[dreg:$0xd] =	wrdreg s13  }
0x15: {  	s31 =	sadd.s32 $0x14000, s16;
	s3 =	sor.u32 s22, s3;
	[dreg:$0x12] =	wrdreg s1  }
0x16: {  	s17 =	sshrl.u32 s3, $0x3;
	s7 =	sadd.s32 s2, s20;
	[dreg:$0x10] =	wrdreg s12  }
0x17: {  	s0 =	sadd.s32 $0x1D000, s16;
	s13 =	sadd.s32 s2, s17;
	[dreg:$0x8] =	wrdreg s7  }
0x18: {  	s11 =	sshrl.u32 s26, $0x3;
	s7 =	sadd.s32 s2, s23;
	[dreg:$0x11] =	wrdreg s13  }
0x19: {  	s23 =	sadd.s32 $0x26000, s16;
	[dreg:$0x9] =	wrdreg s7;
	s7 =	sshrl.u32 s25, $0x3  }
0x1a: {  	s24 =	sor.u32 s22, s23;
	s25 =	sor.u32 $0x100, s22;
	s26 =	sor.u32 s8, s23  }
0x1b: {  	s7 =	sadd.s32 s2, s7;
	s8 =	sor.u32 s25, s5;
	s9 =	sshrl.u32 s26, $0x3  }
0x1c: {  	s18 =	sor.u32 s25, s23;
	s25 =	sadd.s32 $0xC000, s16;
	[dreg:$0xb] =	wrdreg s7  }
0x1d: {  	s26 =	sadd.s32 $0x10000, s16;
	s7 =	sadd.s32 s2, s11;
	[dreg:$0x1e] =	wrdreg s25  }
0x1e: {  	s11 =	sor.u32 $0x180, s22;
	s19 =	sshrl.u32 s18, $0x3;
	[dreg:$0x1f] =	wrdreg s26  }
0x1f: {  	s25 =	simm.s32 $0xD800;
	s26 =	simm.s32 $0x12000;
	[dreg:$0xc] =	wrdreg s7  }
0x20: {  	s20 =	sor.u32 s11, s14;
	s14 =	sshrl.u32 s8, $0x3;
	s17 =	sor.u32 s11, s5  }
0x21: {  	[dreg:$0xf] =	wrdreg s11;
	s3 =	sor.u32 s11, s23;
	s23 =	sadd.s32 $0x20, s13  }
0x22: {  	s13 =	simm.s32 $0x80;
	s7 =	simm.s32 $0x18C00;
	s8 =	simm.s32 $0x19C00  }
0x23: {  	s5 =	simm.s32 $0x5;
	s21 =	sshrl.u32 s20, $0x3;
	s15 =	sadd.s32 s2, s14  }
0x24: {  	s3 =	sshrl.u32 s3, $0x3;
	[dreg:$0x1c] =	wrdreg s23;
	s14 =	simm.s32 $0x400  }
0x25: {  	s23 =	simm.s32 $0x4800;
	s1 =	sadd.s32 s2, s21;
	[dreg:$0x16] =	wrdreg s15  }
0x26: {  	s20 =	sadd.s32 s4, s3;
	s21 =	sadd.s32 $0x20, s12;
	[dreg:$0x13] =	wrdreg s1  }
0x27: {  	s15 =	simm.s32 $0x3;
	s1 =	sshrl.u32 s24, $0x3;
	[dreg:$0x19] =	wrdreg s20  }
0x28: {  	s3 =	simm.s32 $0x4;
	[dreg:$0x1b] =	wrdreg s21;
	s1 =	sadd.s32 s4, s1  }
0x29: {  	s24 =	sadd.s32 $0x8000, s16;
	[dreg:$0x14] =	wrdreg s1;
	s1 =	sadd.s32 s4, s9  }
0x2a: {  	v2 =	vlaneseq.u32;
	s20 =	simm.s32 $0x6;
	[dreg:$0x15] =	wrdreg s1;
	s1 =	sshrl.u32 s17, $0x3  }
0x2b: {  	v0 =	vmul.u32 $0x4, v2;
	s21 =	simm.s32 $0x7;
	[dreg:$0x1d] =	wrdreg s24;
	s1 =	sadd.s32 s2, s1  }
0x2c: {  	v1 =	vimm.s32 $0x0;
	vm0 =	vcmask $0x300;
	v2 =	vmul.u32 $0x8, v2;
	s24 =	simm.s32 $0x9000;
	[dreg:$0x17] =	wrdreg s1;
	s1 =	sadd.s32 s4, s19  }
0x2d: {  	v1 =	vsel vm0, $0x7, v1;
	v3 =	vor.u32 $0x40, v0;
	s9 =	simm.s32 $0x0;
	s19 =	simm.s32 $0x17A00;
	[dreg:$0x18] =	wrdreg s1  }
.LBB2_1:
0x2e: {  	[smem:$0x7FD] =	sst s9  }
0x2f: {  	s1 =	rddreg [dreg:$0x7]  }
0x30: {  	[tilespmem:s7], [sflag:$0x8] =	stream.strided.gather [hbm4b:s1+s13], $0x1000, s14, s13, $0x38;
	[tilespmem:$0x1AC00] =	vst v63  }
0x31: {  	s10 =	rddreg [dreg:$0x8]  }
0x32: {  	[tilespmem:s8], [sflag:$0x9] =	stream.strided.gather [hbm4b:s10+s13], $0x1000, s14, s13, $0x38;
	[tilespmem:$0x1AC00] =	vst v63  }
0x33: {  	s11 =	rddreg [dreg:$0x9]  }
0x34: {  	[tilespmem:s6], [sflag:$0x1] =	stream.strided.gather [hbm4b:s11+s13], $0x4000, s14, s13, $0x38;
	[tilespmem:$0x1AC00] =	vst v63  }
0x35: {  	s12 =	rddreg [dreg:$0xa]  }
0x36: {  	[tilespmem:s23], [sflag:$0x2] =	stream.strided.gather [hbm4b:s12+s13], $0x4000, s14, s13, $0x38;
	[tilespmem:$0x1AC00] =	vst v63  }
0x37: {  	s17 =	rddreg [dreg:$0xb]  }
0x38: {  	[tilespmem:s24], [sflag:$0x3] =	stream.strided.gather [hbm4b:s17+s13], $0x4000, s14, s13, $0x38;
	[tilespmem:$0x1AC00] =	vst v63  }
0x39: {  	s18 =	rddreg [dreg:$0xc]  }
0x3a: {  	[tilespmem:s25], [sflag:$0x4] =	stream.strided.gather [hbm4b:s18+s13], $0x4000, s14, s13, $0x38;
	[tilespmem:$0x1AC00] =	vst v63  }
0x3b: {  	s22 =	rddreg [dreg:$0xd];
	s7 =	simm.s32 $0x0  }
0x3c: {  	[tilespmem:s26], [sflag:$0x5] =	stream.strided.gather [hbm4b:s22+s13], $0x4000, s14, s13, $0x38;
	[tilespmem:$0x1AC00] =	vst v63  }
.LBB2_2:
0x3d: {  	s1 =	simm.s32 $0x0  }
0x3e: {  	s11 =	simm.s32 $0x80;
	s9 =	simm.s32 $0x380;
	s12 =	simm.s32 $0x100;
	v4 =	vmov s1  }
0x3f: {  	s10 =	simm.s32 $0x180;
	s17 =	simm.s32 $0x200;
	s18 =	simm.s32 $0x280;
	v5 =	vmov s11;
	v6 =	vmov s9;
	v7 =	vmov s12  }
0x40: {  	s22 =	simm.s32 $0x300;
	s8 =	simm.s32 $0x400;
	v8 =	vmov s10;
	v9 =	vmov s17;
	v10 =	vmov s18  }
0x41: {  	v11 =	vmov s22;
	v12 =	vmov s8;
	v4 =	vshrl.u32 v4, $0x7  }
0x42: {  	v6 =	vshrl.u32 v6, $0x7;
	v5 =	vshrl.u32 v5, $0x7;
	v7 =	vshrl.u32 v7, $0x7  }
0x43: {  	s9 =	simm.s32 $0x480;
	v8 =	vshrl.u32 v8, $0x7;
	v9 =	vshrl.u32 v9, $0x7;
	v10 =	vshrl.u32 v10, $0x7  }
0x44: {  	s10 =	simm.s32 $0x780;
	s11 =	simm.s32 $0x500;
	s12 =	simm.s32 $0x580;
	v11 =	vshrl.u32 v11, $0x7;
	v12 =	vshrl.u32 v12, $0x7;
	v13 =	vmov s9  }
0x45: {  	s17 =	simm.s32 $0x600;
	s18 =	simm.s32 $0x680;
	v14 =	vmov s10;
	v15 =	vmov s11;
	v16 =	vmov s12  }
0x46: {  	p0 =	seq.s32 s7, $0x0;
	s22 =	simm.s32 $0x700;
	v17 =	vmov s17;
	v18 =	vmov s18;
	v6 =	vshll.u32 v6, v1  }
0x47: {  	s1 =	simm.s32 @!p0 $0x6;
	v19 =	vmov s22;
	v5 =	vshll.u32 v5, v1;
	v6 =	vbroadcast v6, $0x0  }
0x48: {  	_ =	swait.ge @!p0 [sflag:s1], $0x800;
	v7 =	vshll.u32 v7, v1;
	v8 =	vshll.u32 v8, v1;
	v5 =	vbroadcast v5, $0x0  }
0x49: {  	v9 =	vshll.u32 v9, v1;
	[sflag:s1] =	ssyncset.done @!p0 $0x0;
	v7 =	vbroadcast v7, $0x0;
	v6 =	vor.u32 v2, v6  }
0x4a: {  	v10 =	vshll.u32 v10, v1;
	v8 =	vbroadcast v8, $0x0;
	[sflag:s1] =	ssyncadd.s32 @!p0 $0xFFFFF800;
	v5 =	vor.u32 v2, v5  }
0x4b: {  	v11 =	vshll.u32 v11, v1;
	v9 =	vbroadcast v9, $0x0;
	_ =	swait.ge [sflag:s28], $0x4000;
	v7 =	vor.u32 v2, v7  }
0x4c: {  	v4 =	vshll.u32 v4, v1;
	v10 =	vbroadcast v10, $0x0;
	[sflag:s28] =	ssyncset.done $0x0;
	v8 =	vor.u32 v2, v8  }
0x4d: {  	v14 =	vshrl.u32 v14, $0x7;
	v11 =	vbroadcast v11, $0x0;
	v9 =	vor.u32 v2, v9;
	[sflag:s28] =	ssyncadd.s32 $0xFFFFC000  }
0x4e: {  	v13 =	vshrl.u32 v13, $0x7;
	v4 =	vbroadcast v4, $0x0;
	v10 =	vor.u32 v2, v10;
	v6 =	vld.idx.msk [tilespmem:v6+s6+$0x0], $0xffff  }
0x4f: {  	v15 =	vshrl.u32 v15, $0x7;
	v14 =	vshll.u32 v14, v1;
	v11 =	vor.u32 v2, v11;
	v5 =	vld.idx.msk [tilespmem:v5+s6+$0x0], $0xffff  }
0x50: {  	v16 =	vshrl.u32 v16, $0x7;
	v14 =	vbroadcast v14, $0x0;
	v4 =	vor.u32 v2, v4;
	v7 =	vld.idx.msk [tilespmem:v7+s6+$0x0], $0xffff  }
0x51: {  	v57 =	vshrl.u32 v18, $0x7;
	v58 =	vshrl.u32 v19, $0x7;
	v12 =	vshll.u32 v12, v1;
	v8 =	vld.idx.msk [tilespmem:v8+s6+$0x0], $0xffff  }
0x52: {  	s17 =	simm.s32 $0x16840;
	v13 =	vshll.u32 v13, v1;
	v15 =	vshll.u32 v15, v1;
	v14 =	vor.u32 v2, v14;
	v9 =	vld.idx.msk [tilespmem:v9+s6+$0x0], $0xffff  }
0x53: {  	v60 =	vshll.u32 v57, v1;
	v13 =	vbroadcast v13, $0x0;
	v59 =	vld.idx.msk [tilespmem:v10+s6+$0x0], $0xffff;
	[tilespmem:s17+$0x30] =	vst v6;
	v6 =	vshrl.u32 v17, $0x7  }
0x54: {  	v15 =	vbroadcast v15, $0x0;
	v10 =	vshll.u32 v16, v1;
	[tilespmem:s17+$0xFFFFFFD0] =	vst v5;
	v5 =	vld.idx.msk [tilespmem:v11+s6+$0x0], $0xffff;
	v6 =	vshll.u32 v6, v1  }
0x55: {  	v61 =	vshll.u32 v58, v1;
	v10 =	vbroadcast v10, $0x0;
	[tilespmem:s17+$0xFFFFFFE0] =	vst v7;
	v62 =	vbroadcast v6, $0x0;
	v6 =	vld.idx.msk [tilespmem:v4+s6+$0x0], $0xffff  }
0x56: {  	v63 =	vbroadcast v61, $0x0;
	v11 =	vor.u32 v2, v13;
	[tilespmem:s17+$0xFFFFFFF0] =	vst v8;
	v4 =	vbroadcast v60, $0x0  }
0x57: {  	v10 =	vor.u32 v2, v10;
	v7 =	vld.idx.msk [tilespmem:v14+s6+$0x0], $0xffff;
	v13 =	vbroadcast v12, $0x0;
	v12 =	vor.u32 v2, v15;
	[tilespmem:s17+$0x0] =	vst v9  }
0x58: {  	s18 =	simm.s32 $0x8;
	s9 =	simm.s32 $0x800;
	s1 =	smul.u32 $0x5, s7;
	[tilespmem:s17+$0x10] =	vst v59;
	v9 =	vor.u32 v2, v62;
	v8 =	vor.u32 v2, v4;
	v4 =	vor.u32 v2, v63  }
.LBB2_3:
0x59: {  	v14 =	vmov s9;
	s10 =	sadd.s32 $0x80, s9;
	s22 =	sadd.s32 $0x380, s9;
	s18 =	sadd.s32 $0x8, s18;
	v13 =	vor.u32 v2, v13;
	[tilespmem:s17+$0x20] =	vst v5  }
0x5a: {  	s11 =	sadd.s32 $0x180, s9;
	v14 =	vshrl.u32 v14, $0x7;
	v5 =	vmov s10;
	s10 =	sadd.s32 $0x100, s9;
	v15 =	vmov s22;
	p0 =	slt.u32 s18, $0x78;
	[tilespmem:s17+$0xFFFFFFC0] =	vst v6  }
0x5b: {  	v16 =	vmov s11;
	s11 =	sadd.s32 $0x280, s9;
	s17 =	sadd.s32 $0x80, s17;
	v6 =	vmov s10;
	s10 =	sadd.s32 $0x200, s9;
	v15 =	vshrl.u32 v15, $0x7;
	v11 =	vld.idx.msk [tilespmem:v11+s6+$0x0], $0xffff  }
0x5c: {  	v18 =	vmov s11;
	v17 =	vmov s10;
	s10 =	sadd.s32 $0x300, s9;
	v15 =	vshll.u32 v15, v1;
	v12 =	vld.idx.msk [tilespmem:v12+s6+$0x0], $0xffff;
	[tilespmem:s17+$0x30] =	vst v7  }
0x5d: {  	v5 =	vshrl.u32 v5, $0x7;
	v7 =	vmov s10;
	v15 =	vbroadcast v15, $0x0;
	v10 =	vld.idx.msk [tilespmem:v10+s6+$0x0], $0xffff  }
0x5e: {  	v16 =	vshrl.u32 v16, $0x7;
	v6 =	vshrl.u32 v6, $0x7;
	v17 =	vshrl.u32 v17, $0x7;
	v9 =	vld.idx.msk [tilespmem:v9+s6+$0x0], $0xffff  }
0x5f: {  	v18 =	vshrl.u32 v18, $0x7;
	v7 =	vshrl.u32 v7, $0x7;
	v15 =	vor.u32 v2, v15;
	v19 =	vld.idx.msk [tilespmem:v8+s6+$0x0], $0xffff  }
0x60: {  	v16 =	vshll.u32 v16, v1;
	v20 =	vshll.u32 v6, v1;
	v8 =	vshll.u32 v5, v1;
	v5 =	vld.idx.msk [tilespmem:v4+s6+$0x0], $0xffff  }
0x61: {  	v7 =	vshll.u32 v7, v1;
	v4 =	vshll.u32 v17, v1;
	v17 =	vshll.u32 v18, v1;
	v6 =	vld.idx.msk [tilespmem:v13+s6+$0x0], $0xffff  }
.Ltmp0:
0x62: {  	v8 =	vbroadcast v8, $0x0;
	v13 =	vshll.u32 v14, v1;
	v14 =	vbroadcast v20, $0x0;
	[tilespmem:s17+$0xFFFFFFD0] =	vst v11;
	(pc) =	sbr.rel @p0 .LBB2_3-.Ltmp0, $4  }
0x63: {  	v16 =	vbroadcast v16, $0x0;
	v4 =	vbroadcast v4, $0x0;
	[tilespmem:s17+$0xFFFFFFE0] =	vst v12  }
0x64: {  	v11 =	vor.u32 v2, v8;
	v8 =	vbroadcast v17, $0x0;
	v17 =	vbroadcast v7, $0x0;
	v7 =	vld.idx.msk [tilespmem:v15+s6+$0x0], $0xffff;
	[tilespmem:s17+$0xFFFFFFF0] =	vst v10  }
0x65: {  	v13 =	vbroadcast v13, $0x0;
	v12 =	vor.u32 v2, v14;
	v10 =	vor.u32 v2, v16;
	[tilespmem:s17+$0x0] =	vst v9  }
0x66: {  	s9 =	sadd.s32 $0x400, s9;
	v8 =	vor.u32 v2, v8;
	v9 =	vor.u32 v2, v4;
	v4 =	vor.u32 v2, v17;
	[tilespmem:s17+$0x10] =	vst v19  }
0x67: {  	_ =	sdelay $0x3  }
0x68: {  	v11 =	vld.idx.msk [tilespmem:v11+s6+$0x0], $0xffff  }
0x69: {  	v13 =	vor.u32 v2, v13;
	v12 =	vld.idx.msk [tilespmem:v12+s6+$0x0], $0xffff  }
0x6a: {  	[tilespmem:s17+$0x20] =	vst v5;
	v5 =	vld.idx.msk [tilespmem:v10+s6+$0x0], $0xffff  }
0x6b: {  	[tilespmem:s17+$0xFFFFFFC0] =	vst v6;
	s9 =	sadd.s32 $0x80, s17;
	v61 =	vld.idx.msk [tilespmem:v9+s6+$0x0], $0xffff  }
0x6c: {  	v62 =	vld.idx.msk [tilespmem:v8+s6+$0x0], $0xffff;
	[tilespmem:s9+$0x30] =	vst v7  }
0x6d: {  	v4 =	vld.idx.msk [tilespmem:v4+s6+$0x0], $0xffff;
	[tilespmem:s9+$0xFFFFFFD0] =	vst v11  }
0x6e: {  	v63 =	vld.idx.msk [tilespmem:v13+s6+$0x0], $0xffff;
	[tilespmem:s9+$0xFFFFFFE0] =	vst v12  }
0x6f: {  	s8 =	rddreg [dreg:$0x3];
	[tilespmem:s9+$0xFFFFFFF0] =	vst v5  }
0x70: {  	[tilespmem:s9+$0x0] =	vst v61;
	s10 =	sadd.s32 s8, s7  }
0x71: {  	[tilespmem:s9+$0x10] =	vst v62;
	s10 =	sshll.u32 s10, $0x7  }
0x72: {  	[tilespmem:s9+$0x20] =	vst v4;
	s17 =	sand.u32 $0x380, s10  }
0x73: {  	s18 =	sadd.s32 $0x1, s7;
	s10 =	sor.u32 s16, s17;
	[tilespmem:s9+$0xFFFFFFC0] =	vst v63  }
0x74: {  	p0 =	seq.s32 s7, $0x3;
	s10 =	sshrl.u32 s10, $0x3;
	s8 =	rddreg [dreg:$0x4]  }
0x75: {  	s22 =	sadd.s32 s4, s10;
	s9 =	sadd.s32 @!p0 s8, s18  }
0x76: {  	[hbm4b:s22+s13] =	stream.strided.scatter [tilespmem:s29], [sflag:$0x6], $0x800, s14, s13, $0x38;
	[tilespmem:$0x1AC00] =	vst v63  }
0x77: {  	s10 =	sshrl.u32 @!p0 s9, $0x3  }
0x78: {  	p1 =	seq.s32 @!p0 s7, $0x0;
	s9 =	sshll.u32 @!p0 s9, $0x7;
	s10 =	smul.u32 @!p0 $0xF0000, s10  }
0x79: {  	p1 =	por p0, !p1;
	s9 =	sand.u32 @!p0 $0x380, s9  }
.Ltmp1:
0x7a: {  	s22 =	sor.u32 @!p0 s9, s10;
	(pc) =	sbr.rel @!p1 .LBB2_6-.Ltmp1, $4  }
0x7b: {  	s11 =	simm.s32 @!p0 $0x0;
	s9 =	sshrl.u32 @!p0 s22, $0x3  }
0x7c: {  	s10 =	simm.s32 @!p0 $0x400;
	s7 =	sadd.s32 @!p0 s2, s9;
	s9 =	simm.s32 @!p0 $0x80  }
0x7d: {  	[tilespmem:s11], [sflag:$0x1] =	stream.strided.gather @!p0 [hbm4b:s7+s9], $0x4000, s10, s9, $0x38;
	[tilespmem:$0x1AC00] =	vst v63  }
0x7e: {  	s7 =	sadd.s32 @!p0 $0x1, s1  }
0x7f: {  	_ =	swait.ge [sflag:s21], $0x800  }
0x80: {  	[sflag:s21] =	ssyncset.done $0x0  }
0x81: {  	s7 =	simm.s32 @p0 $0x10;
	[sflag:s21] =	ssyncadd.s32 $0xFFFFF800  }
.LBB2_6:
0x82: {  	s1 =	simm.s32 $0x0  }
0x83: {  	s12 =	simm.s32 $0x80;
	s9 =	simm.s32 $0x380;
	s8 =	simm.s32 $0x100;
	v4 =	vmov s1  }
0x84: {  	s10 =	simm.s32 $0x180;
	s11 =	simm.s32 $0x200;
	v5 =	vmov s12;
	v6 =	vmov s9;
	v7 =	vmov s8  }
0x85: {  	v8 =	vmov s10;
	s12 =	simm.s32 $0x280;
	v9 =	vmov s11;
	v4 =	vshrl.u32 v4, $0x7  }
0x86: {  	s8 =	simm.s32 $0x300;
	v6 =	vshrl.u32 v6, $0x7;
	v10 =	vmov s12;
	v5 =	vshrl.u32 v5, $0x7  }
0x87: {  	s9 =	simm.s32 $0x400;
	s10 =	simm.s32 $0x480;
	v11 =	vmov s8;
	v7 =	vshrl.u32 v7, $0x7;
	v8 =	vshrl.u32 v8, $0x7  }
0x88: {  	s11 =	simm.s32 $0x780;
	v9 =	vshrl.u32 v9, $0x7;
	v12 =	vmov s9;
	v13 =	vmov s10  }
0x89: {  	v14 =	vmov s11;
	v6 =	vshll.u32 v6, v1;
	v10 =	vshrl.u32 v10, $0x7  }
0x8a: {  	v11 =	vshrl.u32 v11, $0x7;
	v5 =	vshll.u32 v5, v1;
	v7 =	vshll.u32 v7, v1  }
0x8b: {  	s12 =	simm.s32 $0x500;
	v8 =	vshll.u32 v8, v1;
	v9 =	vshll.u32 v9, v1;
	v4 =	vshll.u32 v4, v1  }
0x8c: {  	s8 =	simm.s32 $0x580;
	v12 =	vshrl.u32 v12, $0x7;
	v15 =	vmov s12;
	v6 =	vbroadcast v6, $0x0  }
0x8d: {  	s10 =	simm.s32 $0x600;
	v16 =	vmov s8;
	v14 =	vshrl.u32 v14, $0x7;
	v5 =	vbroadcast v5, $0x0  }
0x8e: {  	s11 =	simm.s32 $0x680;
	v17 =	vmov s10;
	v7 =	vbroadcast v7, $0x0;
	v6 =	vor.u32 v2, v6  }
0x8f: {  	v18 =	vmov s11;
	v8 =	vbroadcast v8, $0x0;
	v5 =	vor.u32 v2, v5  }
0x90: {  	_ =	swait.ge [sflag:s30], $0x4000;
	v10 =	vshll.u32 v10, v1;
	v9 =	vbroadcast v9, $0x0;
	v7 =	vor.u32 v2, v7  }
0x91: {  	[sflag:s30] =	ssyncset.done $0x0;
	v11 =	vshll.u32 v11, v1;
	v10 =	vbroadcast v10, $0x0;
	v8 =	vor.u32 v2, v8  }
0x92: {  	[sflag:s30] =	ssyncadd.s32 $0xFFFFC000;
	v13 =	vshrl.u32 v13, $0x7;
	v11 =	vbroadcast v11, $0x0;
	v9 =	vor.u32 v2, v9  }
0x93: {  	s12 =	simm.s32 $0x700;
	v4 =	vbroadcast v4, $0x0;
	v14 =	vshll.u32 v14, v1;
	v10 =	vor.u32 v2, v10;
	v6 =	vld.idx.msk [tilespmem:v6+s23+$0x0], $0xffff  }
0x94: {  	v19 =	vmov s12;
	v15 =	vshrl.u32 v15, $0x7;
	v11 =	vor.u32 v2, v11;
	v5 =	vld.idx.msk [tilespmem:v5+s23+$0x0], $0xffff  }
0x95: {  	v16 =	vshrl.u32 v16, $0x7;
	v14 =	vbroadcast v14, $0x0;
	v4 =	vor.u32 v2, v4;
	v7 =	vld.idx.msk [tilespmem:v7+s23+$0x0], $0xffff  }
0x96: {  	v57 =	vshrl.u32 v18, $0x7;
	v13 =	vshll.u32 v13, v1;
	v12 =	vshll.u32 v12, v1;
	v8 =	vld.idx.msk [tilespmem:v8+s23+$0x0], $0xffff  }
0x97: {  	s1 =	simm.s32 $0x17A40;
	v58 =	vshrl.u32 v19, $0x7;
	v15 =	vshll.u32 v15, v1;
	v14 =	vor.u32 v2, v14;
	v9 =	vld.idx.msk [tilespmem:v9+s23+$0x0], $0xffff  }
0x98: {  	v60 =	vshll.u32 v57, v1;
	v13 =	vbroadcast v13, $0x0;
	v59 =	vld.idx.msk [tilespmem:v10+s23+$0x0], $0xffff;
	[tilespmem:s1+$0x30] =	vst v6;
	v6 =	vshrl.u32 v17, $0x7  }
0x99: {  	v15 =	vbroadcast v15, $0x0;
	v10 =	vshll.u32 v16, v1;
	[tilespmem:s1+$0xFFFFFFD0] =	vst v5;
	v5 =	vld.idx.msk [tilespmem:v11+s23+$0x0], $0xffff;
	v6 =	vshll.u32 v6, v1  }
0x9a: {  	v61 =	vshll.u32 v58, v1;
	v10 =	vbroadcast v10, $0x0;
	[tilespmem:s1+$0xFFFFFFE0] =	vst v7;
	v62 =	vbroadcast v6, $0x0;
	v6 =	vld.idx.msk [tilespmem:v4+s23+$0x0], $0xffff  }
0x9b: {  	v63 =	vbroadcast v61, $0x0;
	v11 =	vor.u32 v2, v13;
	[tilespmem:s1+$0xFFFFFFF0] =	vst v8;
	v4 =	vbroadcast v60, $0x0  }
0x9c: {  	v10 =	vor.u32 v2, v10;
	v7 =	vld.idx.msk [tilespmem:v14+s23+$0x0], $0xffff;
	v13 =	vbroadcast v12, $0x0;
	v12 =	vor.u32 v2, v15;
	[tilespmem:s1+$0x0] =	vst v9  }
0x9d: {  	s9 =	simm.s32 $0x8;
	s10 =	simm.s32 $0x800;
	[tilespmem:s1+$0x10] =	vst v59;
	v9 =	vor.u32 v2, v62;
	v8 =	vor.u32 v2, v4;
	v4 =	vor.u32 v2, v63  }
.LBB2_7:
0x9e: {  	v14 =	vmov s10;
	s11 =	sadd.s32 $0x80, s10;
	s12 =	sadd.s32 $0x380, s10;
	s9 =	sadd.s32 $0x8, s9;
	v13 =	vor.u32 v2, v13;
	[tilespmem:s1+$0x20] =	vst v5  }
0x9f: {  	s8 =	sadd.s32 $0x180, s10;
	v14 =	vshrl.u32 v14, $0x7;
	v5 =	vmov s11;
	s11 =	sadd.s32 $0x100, s10;
	v15 =	vmov s12;
	p1 =	slt.u32 s9, $0x78;
	[tilespmem:s1+$0xFFFFFFC0] =	vst v6  }
0xa0: {  	v16 =	vmov s8;
	s8 =	sadd.s32 $0x200, s10;
	s1 =	sadd.s32 $0x80, s1;
	v6 =	vmov s11;
	s11 =	sadd.s32 $0x280, s10;
	v15 =	vshrl.u32 v15, $0x7;
	v11 =	vld.idx.msk [tilespmem:v11+s23+$0x0], $0xffff  }
0xa1: {  	v17 =	vmov s8;
	s8 =	sadd.s32 $0x300, s10;
	v18 =	vmov s11;
	v15 =	vshll.u32 v15, v1;
	v12 =	vld.idx.msk [tilespmem:v12+s23+$0x0], $0xffff;
	[tilespmem:s1+$0x30] =	vst v7  }
0xa2: {  	v5 =	vshrl.u32 v5, $0x7;
	v7 =	vmov s8;
	v15 =	vbroadcast v15, $0x0;
	v10 =	vld.idx.msk [tilespmem:v10+s23+$0x0], $0xffff  }
0xa3: {  	v16 =	vshrl.u32 v16, $0x7;
	v6 =	vshrl.u32 v6, $0x7;
	v17 =	vshrl.u32 v17, $0x7;
	v9 =	vld.idx.msk [tilespmem:v9+s23+$0x0], $0xffff  }
0xa4: {  	v18 =	vshrl.u32 v18, $0x7;
	v7 =	vshrl.u32 v7, $0x7;
	v15 =	vor.u32 v2, v15;
	v19 =	vld.idx.msk [tilespmem:v8+s23+$0x0], $0xffff  }
0xa5: {  	v16 =	vshll.u32 v16, v1;
	v20 =	vshll.u32 v6, v1;
	v8 =	vshll.u32 v5, v1;
	v5 =	vld.idx.msk [tilespmem:v4+s23+$0x0], $0xffff  }
0xa6: {  	v7 =	vshll.u32 v7, v1;
	v4 =	vshll.u32 v17, v1;
	v17 =	vshll.u32 v18, v1;
	v6 =	vld.idx.msk [tilespmem:v13+s23+$0x0], $0xffff  }
.Ltmp2:
0xa7: {  	v8 =	vbroadcast v8, $0x0;
	v13 =	vshll.u32 v14, v1;
	v14 =	vbroadcast v20, $0x0;
	[tilespmem:s1+$0xFFFFFFD0] =	vst v11;
	(pc) =	sbr.rel @p1 .LBB2_7-.Ltmp2, $4  }
0xa8: {  	v16 =	vbroadcast v16, $0x0;
	v4 =	vbroadcast v4, $0x0;
	[tilespmem:s1+$0xFFFFFFE0] =	vst v12  }
0xa9: {  	v11 =	vor.u32 v2, v8;
	v8 =	vbroadcast v17, $0x0;
	v17 =	vbroadcast v7, $0x0;
	v7 =	vld.idx.msk [tilespmem:v15+s23+$0x0], $0xffff;
	[tilespmem:s1+$0xFFFFFFF0] =	vst v10  }
0xaa: {  	v13 =	vbroadcast v13, $0x0;
	v12 =	vor.u32 v2, v14;
	v10 =	vor.u32 v2, v16;
	[tilespmem:s1+$0x0] =	vst v9  }
0xab: {  	s10 =	sadd.s32 $0x400, s10;
	v8 =	vor.u32 v2, v8;
	v9 =	vor.u32 v2, v4;
	v4 =	vor.u32 v2, v17;
	[tilespmem:s1+$0x10] =	vst v19  }
0xac: {  	_ =	sdelay $0x3  }
0xad: {  	v11 =	vld.idx.msk [tilespmem:v11+s23+$0x0], $0xffff  }
0xae: {  	v13 =	vor.u32 v2, v13;
	v12 =	vld.idx.msk [tilespmem:v12+s23+$0x0], $0xffff;
	s8 =	smulhi.u32 $0xCCCCCCCD, s7  }
0xaf: {  	[tilespmem:s1+$0x20] =	vst v5;
	v4 =	vld.idx.msk [tilespmem:v4+s23+$0x0], $0xffff  }
0xb0: {  	[tilespmem:s1+$0xFFFFFFC0] =	vst v6;
	s9 =	sadd.s32 $0x80, s1;
	v6 =	vld.idx.msk [tilespmem:v9+s23+$0x0], $0xffff;
	s8 =	sshrl.u32 s8, $0x2  }
0xb1: {  	v5 =	vld.idx.msk [tilespmem:v10+s23+$0x0], $0xffff;
	[tilespmem:s9+$0x30] =	vst v7;
	s8 =	smul.u32 $0x5, s8  }
0xb2: {  	v7 =	vld.idx.msk [tilespmem:v8+s23+$0x0], $0xffff;
	[tilespmem:s9+$0xFFFFFFD0] =	vst v11  }
0xb3: {  	s12 =	simm.s32 $0x0;
	v8 =	vld.idx.msk [tilespmem:v13+s23+$0x0], $0xffff;
	[tilespmem:s9+$0xFFFFFFE0] =	vst v12;
	s10 =	ssub.s32 s7, s8  }
0xb4: {  	[tilespmem:s9+$0x20] =	vst v4;
	v4 =	vmov s12;
	s8 =	simm.s32 $0x380;
	s12 =	simm.s32 $0x280;
	s7 =	sshll.u32 s10, $0xE  }
0xb5: {  	[tilespmem:s9+$0x0] =	vst v6;
	v4 =	vshrl.u32 v4, $0x7;
	v6 =	vmov s8;
	v10 =	vmov s12;
	s7 =	sadd.s32 s16, s7  }
0xb6: {  	[tilespmem:s9+$0xFFFFFFF0] =	vst v5;
	s12 =	simm.s32 $0x780;
	v6 =	vshrl.u32 v6, $0x7;
	v10 =	vshrl.u32 v10, $0x7;
	v4 =	vshll.u32 v4, v1;
	s7 =	sor.u32 s17, s7  }
0xb7: {  	[tilespmem:s9+$0x10] =	vst v7;
	v14 =	vmov s12;
	s12 =	simm.s32 $0x700;
	v6 =	vshll.u32 v6, v1;
	v10 =	vshll.u32 v10, v1;
	s7 =	sshrl.u32 s7, $0x3  }
0xb8: {  	s10 =	simm.s32 $0x180;
	s8 =	sadd.s32 @!p0 $0x20000, s22;
	v4 =	vbroadcast v4, $0x0;
	v14 =	vshrl.u32 v14, $0x7;
	v19 =	vmov s12;
	[tilespmem:s9+$0xFFFFFFC0] =	vst v8;
	s11 =	sadd.s32 s4, s7  }
0xb9: {  	v6 =	vbroadcast v6, $0x0;
	v10 =	vbroadcast v10, $0x0;
	v14 =	vshll.u32 v14, v1;
	[hbm4b:s11+s13] =	stream.strided.scatter [tilespmem:s19], [sflag:$0x7], $0x800, s14, s13, $0x38;
	[tilespmem:$0x1AC00] =	vst v63  }
0xba: {  	v58 =	vshrl.u32 v19, $0x7;
	s7 =	simm.s32 $0x80;
	s9 =	simm.s32 $0x100;
	v8 =	vmov s10;
	v4 =	vor.u32 v2, v4;
	s11 =	simm.s32 $0x200  }
0xbb: {  	v14 =	vbroadcast v14, $0x0;
	v5 =	vmov s7;
	v7 =	vmov s9;
	s9 =	simm.s32 $0x300;
	s7 =	sshrl.u32 @!p0 s8, $0x3;
	s8 =	simm.s32 @!p0 $0x400  }
0xbc: {  	v61 =	vshll.u32 v58, v1;
	v5 =	vshrl.u32 v5, $0x7;
	v11 =	vmov s9;
	s1 =	sadd.s32 @!p0 s2, s7;
	s7 =	simm.s32 @!p0 $0x80;
	s9 =	simm.s32 @!p0 $0x4800  }
0xbd: {  	v8 =	vshrl.u32 v8, $0x7;
	v6 =	vor.u32 v2, v6;
	[tilespmem:s9], [sflag:$0x2] =	stream.strided.gather @!p0 [hbm4b:s1+s7], $0x4000, s8, s7, $0x38;
	v5 =	vshll.u32 v5, v1;
	[tilespmem:$0x1AC00] =	vst v63  }
0xbe: {  	v9 =	vmov s11;
	v8 =	vshll.u32 v8, v1;
	_ =	swait.ge [sflag:s20], $0x800;
	v5 =	vbroadcast v5, $0x0  }
0xbf: {  	v7 =	vshrl.u32 v7, $0x7;
	v9 =	vshrl.u32 v9, $0x7;
	v8 =	vbroadcast v8, $0x0;
	[sflag:s20] =	ssyncset.done $0x0  }
0xc0: {  	v11 =	vshrl.u32 v11, $0x7;
	v7 =	vshll.u32 v7, v1;
	[sflag:s20] =	ssyncadd.s32 $0xFFFFF800;
	v5 =	vor.u32 v2, v5  }
0xc1: {  	v9 =	vshll.u32 v9, v1;
	v7 =	vbroadcast v7, $0x0;
	v8 =	vor.u32 v2, v8;
	_ =	swait.ge [sflag:s15], $0x4000  }
0xc2: {  	s10 =	simm.s32 $0x400;
	v10 =	vor.u32 v2, v10;
	v11 =	vshll.u32 v11, v1;
	v9 =	vbroadcast v9, $0x0;
	[sflag:s15] =	ssyncset.done $0x0  }
0xc3: {  	v12 =	vmov s10;
	v11 =	vbroadcast v11, $0x0;
	v7 =	vor.u32 v2, v7;
	[sflag:s15] =	ssyncadd.s32 $0xFFFFC000  }
0xc4: {  	s10 =	simm.s32 $0x600;
	v63 =	vbroadcast v61, $0x0;
	v12 =	vshrl.u32 v12, $0x7;
	v9 =	vor.u32 v2, v9;
	v6 =	vld.idx.msk [tilespmem:v6+s24+$0x0], $0xffff  }
0xc5: {  	s11 =	simm.s32 $0x480;
	v17 =	vmov s10;
	v14 =	vor.u32 v2, v14;
	s8 =	simm.s32 $0x500;
	s9 =	simm.s32 $0x580;
	v11 =	vor.u32 v2, v11;
	v5 =	vld.idx.msk [tilespmem:v5+s24+$0x0], $0xffff  }
0xc6: {  	v13 =	vmov s11;
	s11 =	simm.s32 $0x680;
	v15 =	vmov s8;
	v16 =	vmov s9;
	v8 =	vld.idx.msk [tilespmem:v8+s24+$0x0], $0xffff  }
0xc7: {  	v18 =	vmov s11;
	v13 =	vshrl.u32 v13, $0x7;
	v15 =	vshrl.u32 v15, $0x7;
	v59 =	vld.idx.msk [tilespmem:v10+s24+$0x0], $0xffff  }
0xc8: {  	s1 =	simm.s32 $0x16840;
	v16 =	vshrl.u32 v16, $0x7;
	v57 =	vshrl.u32 v18, $0x7;
	v13 =	vshll.u32 v13, v1;
	v7 =	vld.idx.msk [tilespmem:v7+s24+$0x0], $0xffff  }
0xc9: {  	v15 =	vshll.u32 v15, v1;
	v13 =	vbroadcast v13, $0x0;
	v9 =	vld.idx.msk [tilespmem:v9+s24+$0x0], $0xffff;
	[tilespmem:s1+$0x30] =	vst v6;
	v6 =	vshrl.u32 v17, $0x7  }
0xca: {  	v15 =	vbroadcast v15, $0x0;
	v10 =	vshll.u32 v16, v1;
	v6 =	vshll.u32 v6, v1;
	[tilespmem:s1+$0xFFFFFFD0] =	vst v5;
	v5 =	vld.idx.msk [tilespmem:v11+s24+$0x0], $0xffff  }
0xcb: {  	v60 =	vshll.u32 v57, v1;
	v10 =	vbroadcast v10, $0x0;
	[tilespmem:s1+$0xFFFFFFF0] =	vst v8;
	v62 =	vbroadcast v6, $0x0;
	v6 =	vld.idx.msk [tilespmem:v4+s24+$0x0], $0xffff  }
0xcc: {  	v12 =	vshll.u32 v12, v1;
	[tilespmem:s1+$0x10] =	vst v59;
	v11 =	vor.u32 v2, v13;
	v4 =	vbroadcast v60, $0x0  }
0xcd: {  	v10 =	vor.u32 v2, v10;
	[tilespmem:s1+$0xFFFFFFE0] =	vst v7;
	v7 =	vld.idx.msk [tilespmem:v14+s24+$0x0], $0xffff;
	v13 =	vbroadcast v12, $0x0;
	v12 =	vor.u32 v2, v15  }
0xce: {  	s7 =	simm.s32 $0x8;
	s9 =	simm.s32 $0x800;
	[tilespmem:s1+$0x0] =	vst v9;
	v9 =	vor.u32 v2, v62;
	v8 =	vor.u32 v2, v4;
	v4 =	vor.u32 v2, v63  }
.LBB2_9:
0xcf: {  	v14 =	vmov s9;
	s8 =	sadd.s32 $0x80, s9;
	s10 =	sadd.s32 $0x380, s9;
	s7 =	sadd.s32 $0x8, s7;
	v13 =	vor.u32 v2, v13;
	[tilespmem:s1+$0x20] =	vst v5  }
0xd0: {  	s11 =	sadd.s32 $0x180, s9;
	v14 =	vshrl.u32 v14, $0x7;
	v5 =	vmov s8;
	s8 =	sadd.s32 $0x100, s9;
	v15 =	vmov s10;
	p1 =	slt.u32 s7, $0x78;
	[tilespmem:s1+$0xFFFFFFC0] =	vst v6  }
0xd1: {  	v16 =	vmov s11;
	s10 =	sadd.s32 $0x280, s9;
	s1 =	sadd.s32 $0x80, s1;
	v6 =	vmov s8;
	s8 =	sadd.s32 $0x200, s9;
	v15 =	vshrl.u32 v15, $0x7;
	v11 =	vld.idx.msk [tilespmem:v11+s24+$0x0], $0xffff  }
0xd2: {  	v18 =	vmov s10;
	v17 =	vmov s8;
	s8 =	sadd.s32 $0x300, s9;
	v15 =	vshll.u32 v15, v1;
	v12 =	vld.idx.msk [tilespmem:v12+s24+$0x0], $0xffff;
	[tilespmem:s1+$0x30] =	vst v7  }
0xd3: {  	v5 =	vshrl.u32 v5, $0x7;
	v7 =	vmov s8;
	v15 =	vbroadcast v15, $0x0;
	v10 =	vld.idx.msk [tilespmem:v10+s24+$0x0], $0xffff  }
0xd4: {  	v16 =	vshrl.u32 v16, $0x7;
	v6 =	vshrl.u32 v6, $0x7;
	v17 =	vshrl.u32 v17, $0x7;
	v9 =	vld.idx.msk [tilespmem:v9+s24+$0x0], $0xffff  }
0xd5: {  	v18 =	vshrl.u32 v18, $0x7;
	v7 =	vshrl.u32 v7, $0x7;
	v15 =	vor.u32 v2, v15;
	v19 =	vld.idx.msk [tilespmem:v8+s24+$0x0], $0xffff  }
0xd6: {  	v16 =	vshll.u32 v16, v1;
	v20 =	vshll.u32 v6, v1;
	v8 =	vshll.u32 v5, v1;
	v5 =	vld.idx.msk [tilespmem:v4+s24+$0x0], $0xffff  }
0xd7: {  	v7 =	vshll.u32 v7, v1;
	v4 =	vshll.u32 v17, v1;
	v17 =	vshll.u32 v18, v1;
	v6 =	vld.idx.msk [tilespmem:v13+s24+$0x0], $0xffff  }
.Ltmp3:
0xd8: {  	v8 =	vbroadcast v8, $0x0;
	v13 =	vshll.u32 v14, v1;
	v14 =	vbroadcast v20, $0x0;
	[tilespmem:s1+$0xFFFFFFD0] =	vst v11;
	(pc) =	sbr.rel @p1 .LBB2_9-.Ltmp3, $4  }
0xd9: {  	v16 =	vbroadcast v16, $0x0;
	v4 =	vbroadcast v4, $0x0;
	[tilespmem:s1+$0xFFFFFFE0] =	vst v12  }
0xda: {  	v11 =	vor.u32 v2, v8;
	v8 =	vbroadcast v17, $0x0;
	v17 =	vbroadcast v7, $0x0;
	v7 =	vld.idx.msk [tilespmem:v15+s24+$0x0], $0xffff;
	[tilespmem:s1+$0xFFFFFFF0] =	vst v10  }
0xdb: {  	v13 =	vbroadcast v13, $0x0;
	v12 =	vor.u32 v2, v14;
	v10 =	vor.u32 v2, v16;
	[tilespmem:s1+$0x0] =	vst v9  }
0xdc: {  	s9 =	sadd.s32 $0x400, s9;
	v8 =	vor.u32 v2, v8;
	v9 =	vor.u32 v2, v4;
	v4 =	vor.u32 v2, v17;
	[tilespmem:s1+$0x10] =	vst v19  }
0xdd: {  	_ =	sdelay $0x3  }
0xde: {  	v11 =	vld.idx.msk [tilespmem:v11+s24+$0x0], $0xffff  }
0xdf: {  	v12 =	vld.idx.msk [tilespmem:v12+s24+$0x0], $0xffff  }
0xe0: {  	v13 =	vor.u32 v2, v13;
	[tilespmem:s1+$0x20] =	vst v5;
	v5 =	vld.idx.msk [tilespmem:v10+s24+$0x0], $0xffff  }
0xe1: {  	[tilespmem:s1+$0xFFFFFFC0] =	vst v6;
	s11 =	sadd.s32 $0x80, s1;
	v6 =	vld.idx.msk [tilespmem:v9+s24+$0x0], $0xffff  }
0xe2: {  	[tilespmem:s11+$0x30] =	vst v7;
	v7 =	vld.idx.msk [tilespmem:v8+s24+$0x0], $0xffff  }
0xe3: {  	[tilespmem:s11+$0xFFFFFFD0] =	vst v11  }
0xe4: {  	v4 =	vld.idx.msk [tilespmem:v4+s24+$0x0], $0xffff;
	[tilespmem:s11+$0xFFFFFFE0] =	vst v12  }
0xe5: {  	s8 =	simm.s32 $0x80;
	s9 =	simm.s32 $0x380;
	v8 =	vld.idx.msk [tilespmem:v13+s24+$0x0], $0xffff;
	[tilespmem:s11+$0xFFFFFFF0] =	vst v5  }
0xe6: {  	[tilespmem:s11+$0x0] =	vst v6;
	v5 =	vmov s8;
	v6 =	vmov s9  }
0xe7: {  	s10 =	simm.s32 $0x100;
	s9 =	simm.s32 $0x300;
	v6 =	vshrl.u32 v6, $0x7;
	v5 =	vshrl.u32 v5, $0x7;
	[tilespmem:s11+$0x10] =	vst v7  }
0xe8: {  	v11 =	vmov s9;
	v7 =	vmov s10;
	v6 =	vshll.u32 v6, v1;
	s7 =	rddreg [dreg:$0x1d]  }
0xe9: {  	s8 =	simm.s32 $0x180;
	v11 =	vshrl.u32 v11, $0x7;
	v5 =	vshll.u32 v5, v1;
	s10 =	simm.s32 $0x400;
	[tilespmem:s11+$0x20] =	vst v4;
	v6 =	vbroadcast v6, $0x0;
	s7 =	sor.u32 s17, s7  }
0xea: {  	v7 =	vshrl.u32 v7, $0x7;
	v5 =	vbroadcast v5, $0x0;
	v12 =	vmov s10;
	s10 =	simm.s32 $0x600;
	s7 =	sshrl.u32 s7, $0x3;
	[tilespmem:s11+$0xFFFFFFC0] =	vst v8;
	s11 =	simm.s32 $0x200  }
0xeb: {  	v11 =	vshll.u32 v11, v1;
	v7 =	vshll.u32 v7, v1;
	v8 =	vmov s8;
	s8 =	sadd.s32 @!p0 $0x40000, s22;
	s12 =	sadd.s32 s4, s7;
	s7 =	simm.s32 $0x0  }
0xec: {  	v11 =	vbroadcast v11, $0x0;
	v12 =	vshrl.u32 v12, $0x7;
	v17 =	vmov s10;
	[hbm4b:s12+s13] =	stream.strided.scatter [tilespmem:s29], [sflag:$0x6], $0x800, s14, s13, $0x38;
	[tilespmem:$0x1AC00] =	vst v63  }
0xed: {  	s9 =	simm.s32 @!p0 $0x9000;
	v6 =	vor.u32 v2, v6;
	v9 =	vmov s11;
	s11 =	simm.s32 $0x480;
	v4 =	vmov s7;
	s7 =	sshrl.u32 @!p0 s8, $0x3  }
0xee: {  	v7 =	vbroadcast v7, $0x0;
	v5 =	vor.u32 v2, v5;
	v12 =	vshll.u32 v12, v1;
	s8 =	simm.s32 @!p0 $0x400;
	s1 =	sadd.s32 @!p0 s2, s7;
	s7 =	simm.s32 @!p0 $0x80  }
0xef: {  	v8 =	vshrl.u32 v8, $0x7;
	v11 =	vor.u32 v2, v11;
	v9 =	vshrl.u32 v9, $0x7;
	[tilespmem:s9], [sflag:$0x3] =	stream.strided.gather @!p0 [hbm4b:s1+s7], $0x4000, s8, s7, $0x38;
	[tilespmem:$0x1AC00] =	vst v63  }
0xf0: {  	s12 =	simm.s32 $0x280;
	v8 =	vshll.u32 v8, v1;
	v7 =	vor.u32 v2, v7;
	v13 =	vmov s11;
	_ =	swait.ge [sflag:s21], $0x800  }
0xf1: {  	s11 =	simm.s32 $0x680;
	v4 =	vshrl.u32 v4, $0x7;
	v10 =	vmov s12;
	v9 =	vshll.u32 v9, v1;
	[sflag:s21] =	ssyncset.done $0x0  }
0xf2: {  	v8 =	vbroadcast v8, $0x0;
	v18 =	vmov s11;
	v10 =	vshrl.u32 v10, $0x7;
	[sflag:s21] =	ssyncadd.s32 $0xFFFFF800  }
0xf3: {  	v13 =	vshrl.u32 v13, $0x7;
	v9 =	vbroadcast v9, $0x0;
	v10 =	vshll.u32 v10, v1;
	_ =	swait.ge [sflag:s3], $0x4000  }
0xf4: {  	s12 =	simm.s32 $0x780;
	v4 =	vshll.u32 v4, v1;
	v8 =	vor.u32 v2, v8;
	v10 =	vbroadcast v10, $0x0;
	[sflag:s3] =	ssyncset.done $0x0  }
0xf5: {  	v14 =	vmov s12;
	v57 =	vshrl.u32 v18, $0x7;
	v9 =	vor.u32 v2, v9;
	[sflag:s3] =	ssyncadd.s32 $0xFFFFC000  }
0xf6: {  	s8 =	simm.s32 $0x500;
	v4 =	vbroadcast v4, $0x0;
	v14 =	vshrl.u32 v14, $0x7;
	v10 =	vor.u32 v2, v10;
	v6 =	vld.idx.msk [tilespmem:v6+s25+$0x0], $0xffff  }
0xf7: {  	s9 =	simm.s32 $0x580;
	v13 =	vshll.u32 v13, v1;
	v15 =	vmov s8;
	v14 =	vshll.u32 v14, v1;
	v5 =	vld.idx.msk [tilespmem:v5+s25+$0x0], $0xffff  }
0xf8: {  	s12 =	simm.s32 $0x700;
	v16 =	vmov s9;
	v4 =	vor.u32 v2, v4;
	v14 =	vbroadcast v14, $0x0;
	v7 =	vld.idx.msk [tilespmem:v7+s25+$0x0], $0xffff  }
0xf9: {  	v19 =	vmov s12;
	v60 =	vshll.u32 v57, v1;
	v13 =	vbroadcast v13, $0x0;
	v8 =	vld.idx.msk [tilespmem:v8+s25+$0x0], $0xffff  }
0xfa: {  	s1 =	simm.s32 $0x17A40;
	v15 =	vshrl.u32 v15, $0x7;
	v16 =	vshrl.u32 v16, $0x7;
	v14 =	vor.u32 v2, v14;
	v9 =	vld.idx.msk [tilespmem:v9+s25+$0x0], $0xffff  }
0xfb: {  	v58 =	vshrl.u32 v19, $0x7;
	v15 =	vshll.u32 v15, v1;
	v59 =	vld.idx.msk [tilespmem:v10+s25+$0x0], $0xffff;
	[tilespmem:s1+$0x30] =	vst v6;
	v6 =	vshrl.u32 v17, $0x7  }
0xfc: {  	v15 =	vbroadcast v15, $0x0;
	v10 =	vshll.u32 v16, v1;
	[tilespmem:s1+$0xFFFFFFD0] =	vst v5;
	v5 =	vld.idx.msk [tilespmem:v11+s25+$0x0], $0xffff;
	v6 =	vshll.u32 v6, v1  }
0xfd: {  	v61 =	vshll.u32 v58, v1;
	v10 =	vbroadcast v10, $0x0;
	[tilespmem:s1+$0xFFFFFFE0] =	vst v7;
	v62 =	vbroadcast v6, $0x0;
	v6 =	vld.idx.msk [tilespmem:v4+s25+$0x0], $0xffff  }
0xfe: {  	v63 =	vbroadcast v61, $0x0;
	v11 =	vor.u32 v2, v13;
	[tilespmem:s1+$0xFFFFFFF0] =	vst v8;
	v4 =	vbroadcast v60, $0x0  }
0xff: {  	v7 =	vld.idx.msk [tilespmem:v14+s25+$0x0], $0xffff;
	v13 =	vbroadcast v12, $0x0;
	v12 =	vor.u32 v2, v15;
	v10 =	vor.u32 v2, v10;
	[tilespmem:s1+$0x0] =	vst v9  }
0x100: {  	s7 =	simm.s32 $0x8;
	s9 =	simm.s32 $0x800;
	[tilespmem:s1+$0x10] =	vst v59;
	v9 =	vor.u32 v2, v62;
	v8 =	vor.u32 v2, v4;
	v4 =	vor.u32 v2, v63  }
.LBB2_11:
0x101: {  	v14 =	vmov s9;
	s8 =	sadd.s32 $0x80, s9;
	s10 =	sadd.s32 $0x380, s9;
	s7 =	sadd.s32 $0x8, s7;
	v13 =	vor.u32 v2, v13;
	[tilespmem:s1+$0x20] =	vst v5  }
0x102: {  	s11 =	sadd.s32 $0x180, s9;
	v14 =	vshrl.u32 v14, $0x7;
	v5 =	vmov s8;
	s8 =	sadd.s32 $0x100, s9;
	v15 =	vmov s10;
	p1 =	slt.u32 s7, $0x78;
	[tilespmem:s1+$0xFFFFFFC0] =	vst v6  }
0x103: {  	v16 =	vmov s11;
	s10 =	sadd.s32 $0x280, s9;
	s1 =	sadd.s32 $0x80, s1;
	v6 =	vmov s8;
	s8 =	sadd.s32 $0x200, s9;
	v15 =	vshrl.u32 v15, $0x7;
	v11 =	vld.idx.msk [tilespmem:v11+s25+$0x0], $0xffff  }
0x104: {  	v18 =	vmov s10;
	v17 =	vmov s8;
	s8 =	sadd.s32 $0x300, s9;
	v15 =	vshll.u32 v15, v1;
	v12 =	vld.idx.msk [tilespmem:v12+s25+$0x0], $0xffff;
	[tilespmem:s1+$0x30] =	vst v7  }
0x105: {  	v5 =	vshrl.u32 v5, $0x7;
	v7 =	vmov s8;
	v15 =	vbroadcast v15, $0x0;
	v10 =	vld.idx.msk [tilespmem:v10+s25+$0x0], $0xffff  }
0x106: {  	v16 =	vshrl.u32 v16, $0x7;
	v6 =	vshrl.u32 v6, $0x7;
	v17 =	vshrl.u32 v17, $0x7;
	v9 =	vld.idx.msk [tilespmem:v9+s25+$0x0], $0xffff  }
0x107: {  	v18 =	vshrl.u32 v18, $0x7;
	v7 =	vshrl.u32 v7, $0x7;
	v15 =	vor.u32 v2, v15;
	v19 =	vld.idx.msk [tilespmem:v8+s25+$0x0], $0xffff  }
0x108: {  	v16 =	vshll.u32 v16, v1;
	v20 =	vshll.u32 v6, v1;
	v8 =	vshll.u32 v5, v1;
	v5 =	vld.idx.msk [tilespmem:v4+s25+$0x0], $0xffff  }
0x109: {  	v7 =	vshll.u32 v7, v1;
	v4 =	vshll.u32 v17, v1;
	v17 =	vshll.u32 v18, v1;
	v6 =	vld.idx.msk [tilespmem:v13+s25+$0x0], $0xffff  }
.Ltmp4:
0x10a: {  	v8 =	vbroadcast v8, $0x0;
	v13 =	vshll.u32 v14, v1;
	v14 =	vbroadcast v20, $0x0;
	[tilespmem:s1+$0xFFFFFFD0] =	vst v11;
	(pc) =	sbr.rel @p1 .LBB2_11-.Ltmp4, $4  }
0x10b: {  	v16 =	vbroadcast v16, $0x0;
	v4 =	vbroadcast v4, $0x0;
	[tilespmem:s1+$0xFFFFFFE0] =	vst v12  }
0x10c: {  	v11 =	vor.u32 v2, v8;
	v8 =	vbroadcast v17, $0x0;
	v17 =	vbroadcast v7, $0x0;
	v7 =	vld.idx.msk [tilespmem:v15+s25+$0x0], $0xffff;
	[tilespmem:s1+$0xFFFFFFF0] =	vst v10  }
0x10d: {  	v13 =	vbroadcast v13, $0x0;
	v12 =	vor.u32 v2, v14;
	v10 =	vor.u32 v2, v16;
	[tilespmem:s1+$0x0] =	vst v9  }
0x10e: {  	s9 =	sadd.s32 $0x400, s9;
	v8 =	vor.u32 v2, v8;
	v9 =	vor.u32 v2, v4;
	v4 =	vor.u32 v2, v17;
	[tilespmem:s1+$0x10] =	vst v19  }
0x10f: {  	_ =	sdelay $0x3  }
0x110: {  	v11 =	vld.idx.msk [tilespmem:v11+s25+$0x0], $0xffff  }
0x111: {  	v12 =	vld.idx.msk [tilespmem:v12+s25+$0x0], $0xffff  }
0x112: {  	v13 =	vor.u32 v2, v13;
	[tilespmem:s1+$0x20] =	vst v5;
	v5 =	vld.idx.msk [tilespmem:v10+s25+$0x0], $0xffff  }
0x113: {  	[tilespmem:s1+$0xFFFFFFC0] =	vst v6;
	s11 =	sadd.s32 $0x80, s1;
	v6 =	vld.idx.msk [tilespmem:v9+s25+$0x0], $0xffff  }
0x114: {  	[tilespmem:s11+$0x30] =	vst v7;
	v7 =	vld.idx.msk [tilespmem:v8+s25+$0x0], $0xffff  }
0x115: {  	[tilespmem:s11+$0xFFFFFFD0] =	vst v11  }
0x116: {  	v4 =	vld.idx.msk [tilespmem:v4+s25+$0x0], $0xffff;
	[tilespmem:s11+$0xFFFFFFE0] =	vst v12  }
0x117: {  	s8 =	simm.s32 $0x80;
	s9 =	simm.s32 $0x380;
	v8 =	vld.idx.msk [tilespmem:v13+s25+$0x0], $0xffff;
	[tilespmem:s11+$0xFFFFFFF0] =	vst v5  }
0x118: {  	[tilespmem:s11+$0x0] =	vst v6;
	v5 =	vmov s8;
	v6 =	vmov s9  }
0x119: {  	s10 =	simm.s32 $0x100;
	s9 =	simm.s32 $0x300;
	v6 =	vshrl.u32 v6, $0x7;
	v5 =	vshrl.u32 v5, $0x7;
	[tilespmem:s11+$0x10] =	vst v7  }
0x11a: {  	v11 =	vmov s9;
	v7 =	vmov s10;
	v6 =	vshll.u32 v6, v1;
	s7 =	rddreg [dreg:$0x1e]  }
0x11b: {  	s8 =	simm.s32 $0x180;
	v11 =	vshrl.u32 v11, $0x7;
	v5 =	vshll.u32 v5, v1;
	s10 =	simm.s32 $0x400;
	[tilespmem:s11+$0x20] =	vst v4;
	v6 =	vbroadcast v6, $0x0;
	s7 =	sor.u32 s17, s7  }
0x11c: {  	v7 =	vshrl.u32 v7, $0x7;
	v5 =	vbroadcast v5, $0x0;
	v12 =	vmov s10;
	s10 =	simm.s32 $0x600;
	s7 =	sshrl.u32 s7, $0x3;
	[tilespmem:s11+$0xFFFFFFC0] =	vst v8;
	s11 =	simm.s32 $0x200  }
0x11d: {  	v11 =	vshll.u32 v11, v1;
	v7 =	vshll.u32 v7, v1;
	v8 =	vmov s8;
	s8 =	sadd.s32 @!p0 $0x60000, s22;
	s12 =	sadd.s32 s4, s7;
	s7 =	simm.s32 $0x0  }
0x11e: {  	v11 =	vbroadcast v11, $0x0;
	v12 =	vshrl.u32 v12, $0x7;
	v17 =	vmov s10;
	[hbm4b:s12+s13] =	stream.strided.scatter [tilespmem:s19], [sflag:$0x7], $0x800, s14, s13, $0x38;
	[tilespmem:$0x1AC00] =	vst v63  }
0x11f: {  	s9 =	simm.s32 @!p0 $0xD800;
	v6 =	vor.u32 v2, v6;
	v9 =	vmov s11;
	s11 =	simm.s32 $0x480;
	v4 =	vmov s7;
	s7 =	sshrl.u32 @!p0 s8, $0x3  }
0x120: {  	v7 =	vbroadcast v7, $0x0;
	v5 =	vor.u32 v2, v5;
	v12 =	vshll.u32 v12, v1;
	s8 =	simm.s32 @!p0 $0x400;
	s1 =	sadd.s32 @!p0 s2, s7;
	s7 =	simm.s32 @!p0 $0x80  }
0x121: {  	v8 =	vshrl.u32 v8, $0x7;
	v11 =	vor.u32 v2, v11;
	v9 =	vshrl.u32 v9, $0x7;
	[tilespmem:s9], [sflag:$0x4] =	stream.strided.gather @!p0 [hbm4b:s1+s7], $0x4000, s8, s7, $0x38;
	[tilespmem:$0x1AC00] =	vst v63  }
0x122: {  	s12 =	simm.s32 $0x280;
	v8 =	vshll.u32 v8, v1;
	v7 =	vor.u32 v2, v7;
	v13 =	vmov s11;
	_ =	swait.ge [sflag:s20], $0x800  }
0x123: {  	s11 =	simm.s32 $0x680;
	v4 =	vshrl.u32 v4, $0x7;
	v10 =	vmov s12;
	v9 =	vshll.u32 v9, v1;
	[sflag:s20] =	ssyncset.done $0x0  }
0x124: {  	v8 =	vbroadcast v8, $0x0;
	v18 =	vmov s11;
	v10 =	vshrl.u32 v10, $0x7;
	[sflag:s20] =	ssyncadd.s32 $0xFFFFF800  }
0x125: {  	v13 =	vshrl.u32 v13, $0x7;
	v9 =	vbroadcast v9, $0x0;
	v10 =	vshll.u32 v10, v1;
	_ =	swait.ge [sflag:s5], $0x4000  }
0x126: {  	s12 =	simm.s32 $0x780;
	v4 =	vshll.u32 v4, v1;
	v8 =	vor.u32 v2, v8;
	v10 =	vbroadcast v10, $0x0;
	[sflag:s5] =	ssyncset.done $0x0  }
0x127: {  	v14 =	vmov s12;
	v57 =	vshrl.u32 v18, $0x7;
	v9 =	vor.u32 v2, v9;
	[sflag:s5] =	ssyncadd.s32 $0xFFFFC000  }
0x128: {  	s8 =	simm.s32 $0x500;
	v4 =	vbroadcast v4, $0x0;
	v14 =	vshrl.u32 v14, $0x7;
	v10 =	vor.u32 v2, v10;
	v6 =	vld.idx.msk [tilespmem:v6+s26+$0x0], $0xffff  }
0x129: {  	s9 =	simm.s32 $0x580;
	v13 =	vshll.u32 v13, v1;
	v15 =	vmov s8;
	v14 =	vshll.u32 v14, v1;
	v5 =	vld.idx.msk [tilespmem:v5+s26+$0x0], $0xffff  }
0x12a: {  	s12 =	simm.s32 $0x700;
	v16 =	vmov s9;
	v4 =	vor.u32 v2, v4;
	v14 =	vbroadcast v14, $0x0;
	v7 =	vld.idx.msk [tilespmem:v7+s26+$0x0], $0xffff  }
0x12b: {  	v19 =	vmov s12;
	v60 =	vshll.u32 v57, v1;
	v13 =	vbroadcast v13, $0x0;
	v8 =	vld.idx.msk [tilespmem:v8+s26+$0x0], $0xffff  }
0x12c: {  	s1 =	simm.s32 $0x16840;
	v15 =	vshrl.u32 v15, $0x7;
	v16 =	vshrl.u32 v16, $0x7;
	v14 =	vor.u32 v2, v14;
	v9 =	vld.idx.msk [tilespmem:v9+s26+$0x0], $0xffff  }
0x12d: {  	v58 =	vshrl.u32 v19, $0x7;
	v15 =	vshll.u32 v15, v1;
	v59 =	vld.idx.msk [tilespmem:v10+s26+$0x0], $0xffff;
	[tilespmem:s1+$0x30] =	vst v6;
	v6 =	vshrl.u32 v17, $0x7  }
0x12e: {  	v15 =	vbroadcast v15, $0x0;
	v10 =	vshll.u32 v16, v1;
	[tilespmem:s1+$0xFFFFFFD0] =	vst v5;
	v5 =	vld.idx.msk [tilespmem:v11+s26+$0x0], $0xffff;
	v6 =	vshll.u32 v6, v1  }
0x12f: {  	v61 =	vshll.u32 v58, v1;
	v10 =	vbroadcast v10, $0x0;
	[tilespmem:s1+$0xFFFFFFE0] =	vst v7;
	v62 =	vbroadcast v6, $0x0;
	v6 =	vld.idx.msk [tilespmem:v4+s26+$0x0], $0xffff  }
0x130: {  	v63 =	vbroadcast v61, $0x0;
	v11 =	vor.u32 v2, v13;
	[tilespmem:s1+$0xFFFFFFF0] =	vst v8;
	v4 =	vbroadcast v60, $0x0  }
0x131: {  	v7 =	vld.idx.msk [tilespmem:v14+s26+$0x0], $0xffff;
	v13 =	vbroadcast v12, $0x0;
	v12 =	vor.u32 v2, v15;
	v10 =	vor.u32 v2, v10;
	[tilespmem:s1+$0x0] =	vst v9  }
0x132: {  	s7 =	simm.s32 $0x8;
	s9 =	simm.s32 $0x800;
	[tilespmem:s1+$0x10] =	vst v59;
	v9 =	vor.u32 v2, v62;
	v8 =	vor.u32 v2, v4;
	v4 =	vor.u32 v2, v63  }
.LBB2_13:
0x133: {  	v14 =	vmov s9;
	s8 =	sadd.s32 $0x80, s9;
	s10 =	sadd.s32 $0x380, s9;
	s7 =	sadd.s32 $0x8, s7;
	v13 =	vor.u32 v2, v13;
	[tilespmem:s1+$0x20] =	vst v5  }
0x134: {  	s11 =	sadd.s32 $0x180, s9;
	v14 =	vshrl.u32 v14, $0x7;
	v5 =	vmov s8;
	s8 =	sadd.s32 $0x100, s9;
	v15 =	vmov s10;
	p1 =	slt.u32 s7, $0x78;
	[tilespmem:s1+$0xFFFFFFC0] =	vst v6  }
0x135: {  	v16 =	vmov s11;
	s10 =	sadd.s32 $0x280, s9;
	s1 =	sadd.s32 $0x80, s1;
	v6 =	vmov s8;
	s8 =	sadd.s32 $0x200, s9;
	v15 =	vshrl.u32 v15, $0x7;
	v11 =	vld.idx.msk [tilespmem:v11+s26+$0x0], $0xffff  }
0x136: {  	v18 =	vmov s10;
	v17 =	vmov s8;
	s8 =	sadd.s32 $0x300, s9;
	v15 =	vshll.u32 v15, v1;
	v12 =	vld.idx.msk [tilespmem:v12+s26+$0x0], $0xffff;
	[tilespmem:s1+$0x30] =	vst v7  }
0x137: {  	v5 =	vshrl.u32 v5, $0x7;
	v7 =	vmov s8;
	v15 =	vbroadcast v15, $0x0;
	v10 =	vld.idx.msk [tilespmem:v10+s26+$0x0], $0xffff  }
0x138: {  	v16 =	vshrl.u32 v16, $0x7;
	v6 =	vshrl.u32 v6, $0x7;
	v17 =	vshrl.u32 v17, $0x7;
	v9 =	vld.idx.msk [tilespmem:v9+s26+$0x0], $0xffff  }
0x139: {  	v18 =	vshrl.u32 v18, $0x7;
	v7 =	vshrl.u32 v7, $0x7;
	v15 =	vor.u32 v2, v15;
	v19 =	vld.idx.msk [tilespmem:v8+s26+$0x0], $0xffff  }
0x13a: {  	v16 =	vshll.u32 v16, v1;
	v20 =	vshll.u32 v6, v1;
	v8 =	vshll.u32 v5, v1;
	v5 =	vld.idx.msk [tilespmem:v4+s26+$0x0], $0xffff  }
0x13b: {  	v7 =	vshll.u32 v7, v1;
	v4 =	vshll.u32 v17, v1;
	v17 =	vshll.u32 v18, v1;
	v6 =	vld.idx.msk [tilespmem:v13+s26+$0x0], $0xffff  }
.Ltmp5:
0x13c: {  	v8 =	vbroadcast v8, $0x0;
	v13 =	vshll.u32 v14, v1;
	v14 =	vbroadcast v20, $0x0;
	[tilespmem:s1+$0xFFFFFFD0] =	vst v11;
	(pc) =	sbr.rel @p1 .LBB2_13-.Ltmp5, $4  }
0x13d: {  	v16 =	vbroadcast v16, $0x0;
	v4 =	vbroadcast v4, $0x0;
	[tilespmem:s1+$0xFFFFFFE0] =	vst v12  }
0x13e: {  	v11 =	vor.u32 v2, v8;
	v8 =	vbroadcast v17, $0x0;
	v17 =	vbroadcast v7, $0x0;
	v7 =	vld.idx.msk [tilespmem:v15+s26+$0x0], $0xffff;
	[tilespmem:s1+$0xFFFFFFF0] =	vst v10  }
0x13f: {  	v13 =	vbroadcast v13, $0x0;
	v12 =	vor.u32 v2, v14;
	v10 =	vor.u32 v2, v16;
	[tilespmem:s1+$0x0] =	vst v9  }
0x140: {  	s9 =	sadd.s32 $0x400, s9;
	v8 =	vor.u32 v2, v8;
	v9 =	vor.u32 v2, v4;
	v4 =	vor.u32 v2, v17;
	[tilespmem:s1+$0x10] =	vst v19  }
0x141: {  	_ =	sdelay $0x3  }
0x142: {  	v11 =	vld.idx.msk [tilespmem:v11+s26+$0x0], $0xffff  }
0x143: {  	v12 =	vld.idx.msk [tilespmem:v12+s26+$0x0], $0xffff  }
0x144: {  	[tilespmem:s1+$0x20] =	vst v5;
	v5 =	vld.idx.msk [tilespmem:v10+s26+$0x0], $0xffff  }
0x145: {  	v13 =	vor.u32 v2, v13;
	[tilespmem:s1+$0xFFFFFFC0] =	vst v6;
	s12 =	sadd.s32 $0x80, s1;
	v61 =	vld.idx.msk [tilespmem:v9+s26+$0x0], $0xffff  }
0x146: {  	v62 =	vld.idx.msk [tilespmem:v8+s26+$0x0], $0xffff;
	[tilespmem:s12+$0x30] =	vst v7  }
0x147: {  	[tilespmem:s12+$0xFFFFFFD0] =	vst v11  }
0x148: {  	[tilespmem:s12+$0xFFFFFFE0] =	vst v12  }
0x149: {  	v4 =	vld.idx.msk [tilespmem:v4+s26+$0x0], $0xffff;
	[tilespmem:s12+$0xFFFFFFF0] =	vst v5  }
0x14a: {  	v63 =	vld.idx.msk [tilespmem:v13+s26+$0x0], $0xffff;
	[tilespmem:s12+$0x0] =	vst v61  }
0x14b: {  	[tilespmem:s12+$0x10] =	vst v62  }
0x14c: {  	s7 =	rddreg [dreg:$0x1f]  }
0x14d: {  	s7 =	sor.u32 s17, s7  }
0x14e: {  	s1 =	sadd.s32 @!p0 $0x80000, s22;
	s8 =	simm.s32 @!p0 $0x400;
	[tilespmem:s12+$0x20] =	vst v4;
	s7 =	sshrl.u32 s7, $0x3  }
0x14f: {  	s9 =	simm.s32 @!p0 $0x12000;
	s1 =	sshrl.u32 @!p0 s1, $0x3;
	s17 =	sadd.s32 s4, s7;
	[tilespmem:s12+$0xFFFFFFC0] =	vst v63  }
0x150: {  	[hbm4b:s17+s13] =	stream.strided.scatter [tilespmem:s29], [sflag:$0x6], $0x800, s14, s13, $0x38;
	[tilespmem:$0x1AC00] =	vst v63  }
0x151: {  	p1 =	sne.s32 @!p0 s18, $0x4;
	s1 =	sadd.s32 @!p0 s2, s1;
	s7 =	simm.s32 @!p0 $0x80  }
0x152: {  	[tilespmem:s9], [sflag:$0x5] =	stream.strided.gather @!p0 [hbm4b:s1+s7], $0x4000, s8, s7, $0x38;
	[tilespmem:$0x1AC00] =	vst v63  }
0x153: {  	p0 =	por p0, !p1  }
.Ltmp6:
0x154: {  	_ = 	snop;
	(pc) =	sbr.rel @!p0 .LBB2_2-.Ltmp6, $2  }
0x155: {  	_ =	sdelay $0x2  }
0x156: {  	s7 =	smov.u32 s18  }
0x157: {  	_ =	swait.ge [sflag:s20], $0x800  }
0x158: {  	[sflag:s20] =	ssyncset.done $0x0  }
0x159: {  	[sflag:s20] =	ssyncadd.s32 $0xFFFFF800  }
0x15a: {  	_ =	swait.ge [sflag:s21], $0x800  }
0x15b: {  	[sflag:s21] =	ssyncset.done $0x0;
	s1 =	rddreg [dreg:$0x10]  }
0x15c: {  	s7 =	simm.s32 $0x0;
	s18 =	rddreg [dreg:$0x11];
	[sflag:s21] =	ssyncadd.s32 $0xFFFFF800  }
0x15d: {  	[tilespmem:s7], [sflag:$0x1] =	stream.strided.gather [hbm4b:s1+s13], $0x4800, s14, s13, $0x38;
	[tilespmem:$0x1AC00] =	vst v63  }
0x15e: {  	s22 =	rddreg [dreg:$0x12]  }
0x15f: {  	[tilespmem:s23], [sflag:$0x2] =	stream.strided.gather [hbm4b:s18+s13], $0x4800, s14, s13, $0x38;
	[tilespmem:$0x1AC00] =	vst v63  }
0x160: {  	s1 =	rddreg [dreg:$0x6]  }
0x161: {  	[tilespmem:s24], [sflag:$0x3] =	stream.strided.gather [hbm4b:s22+s13], $0x4800, s14, s13, $0x38;
	[tilespmem:$0x1AC00] =	vst v63  }
0x162: {  	p1 =	por $0x1, $0x1;
	p2 =	por $0x0, $0x0;
	s22 =	rddreg [dreg:$0x5]  }
.LBB2_16:
0x163: {  	s8 =	simm.s32 $0x1C0  }
0x164: {  	s9 =	simm.s32 $0x80;
	s10 =	simm.s32 $0x180;
	s11 =	simm.s32 $0x100;
	v4 =	vmov s8  }
0x165: {  	s12 =	simm.s32 $0x0;
	s17 =	simm.s32 $0x140;
	v5 =	vmov s9;
	v6 =	vmov s10;
	v8 =	vmov s11  }
0x166: {  	s18 =	rddreg [dreg:$0xe];
	s9 =	simm.s32 $0xC0;
	v9 =	vmov s12;
	v10 =	vmov s17;
	v4 =	vshrl.u32 v4, $0x7  }
0x167: {  	s1 =	sor.u32 s1, s18;
	s17 =	simm.s32 $0x3C0;
	v7 =	vmov s9;
	v6 =	vshrl.u32 v6, $0x7;
	v9 =	vshrl.u32 v9, $0x7  }
0x168: {  	s8 =	simm.s32 $0x280;
	s10 =	simm.s32 $0x2C0;
	s11 =	simm.s32 $0x300;
	v5 =	vshrl.u32 v5, $0x7;
	v8 =	vshrl.u32 v8, $0x7;
	v10 =	vshrl.u32 v10, $0x7  }
0x169: {  	s12 =	simm.s32 $0x200;
	s18 =	simm.s32 $0x340;
	s1 =	sshrl.u32 s1, $0x3;
	v12 =	vmov s17;
	v13 =	vmov s8;
	v15 =	vmov s10  }
0x16a: {  	v16 =	vmov s11;
	v17 =	vmov s12;
	v18 =	vmov s18;
	s1 =	sadd.s32 s2, s1  }
0x16b: {  	v6 =	vshll.u32 v6, v1;
	v7 =	vshrl.u32 v7, $0x7;
	v9 =	vshll.u32 v9, v1;
	[tilespmem:s25], [sflag:$0x4] =	stream.strided.gather [hbm4b:s1+s13], $0x4800, s14, s13, $0x38;
	[tilespmem:$0x1AC00] =	vst v63  }
0x16c: {  	s9 =	simm.s32 $0x380;
	v5 =	vshll.u32 v5, v1;
	v8 =	vshll.u32 v8, v1;
	v6 =	vbroadcast v6, $0x0;
	s1 =	simm.s32 @p2 $0x6  }
0x16d: {  	v10 =	vshll.u32 v10, v1;
	v4 =	vshll.u32 v4, v1;
	v14 =	vmov s9;
	_ =	swait.ge @p2 [sflag:s1], $0x1200  }
0x16e: {  	v12 =	vshrl.u32 v12, $0x7;
	v9 =	vbroadcast v9, $0x0;
	v6 =	vor.u32 v0, v6;
	[sflag:s1] =	ssyncset.done @p2 $0x0  }
0x16f: {  	v17 =	vshrl.u32 v17, $0x7;
	v13 =	vshrl.u32 v13, $0x7;
	v15 =	vshrl.u32 v15, $0x7;
	[sflag:s1] =	ssyncadd.s32 @p2 $0xFFFFEE00  }
0x170: {  	v7 =	vshll.u32 v7, v1;
	v5 =	vbroadcast v5, $0x0;
	v11 =	vor.u32 v0, v9;
	_ =	swait.ge [sflag:s28], $0x4800  }
0x171: {  	v16 =	vshrl.u32 v16, $0x7;
	v7 =	vbroadcast v7, $0x0;
	v9 =	vor.u32 v3, v9;
	[sflag:s28] =	ssyncset.done $0x0  }
0x172: {  	v8 =	vbroadcast v8, $0x0;
	v14 =	vshrl.u32 v14, $0x7;
	v5 =	vor.u32 v0, v5;
	[sflag:s28] =	ssyncadd.s32 $0xFFFFB800  }
0x173: {  	v10 =	vbroadcast v10, $0x0;
	v14 =	vshll.u32 v14, v1;
	v7 =	vor.u32 v3, v7;
	v6 =	vld.idx.msk [tilespmem:v6+s6+$0x0], $0xffff  }
0x174: {  	v18 =	vshrl.u32 v18, $0x7;
	v8 =	vor.u32 v0, v8;
	v14 =	vbroadcast v14, $0x0  }
0x175: {  	v4 =	vbroadcast v4, $0x0;
	v17 =	vshll.u32 v17, v1;
	v10 =	vor.u32 v3, v10;
	v11 =	vld.idx.msk [tilespmem:v11+s6+$0x0], $0xffff  }
0x176: {  	v13 =	vshll.u32 v13, v1;
	v17 =	vbroadcast v17, $0x0;
	v19 =	vor.u32 v0, v14;
	v9 =	vld.idx.msk [tilespmem:v9+s6+$0x0], $0xffff  }
0x177: {  	s1 =	simm.s32 $0x70;
	v14 =	vshll.u32 v15, v1;
	v15 =	vshll.u32 v16, v1;
	v16 =	vshll.u32 v18, v1;
	v5 =	vld.idx.msk [tilespmem:v5+s6+$0x0], $0xffff  }
0x178: {  	v18 =	vbroadcast v13, $0x0;
	v13 =	vshll.u32 v12, v1;
	v12 =	vor.u32 v0, v17;
	[tilespmem:s1+$0x167F0] =	vst v6;
	v6 =	vld.idx.msk [tilespmem:v7+s6+$0x0], $0xffff  }
0x179: {  	v20 =	vbroadcast v14, $0x0;
	v15 =	vbroadcast v15, $0x0;
	v14 =	vor.u32 v3, v4;
	v7 =	vld.idx.msk [tilespmem:v8+s6+$0x0], $0xffff  }
0x17a: {  	v16 =	vbroadcast v16, $0x0;
	v4 =	vbroadcast v13, $0x0;
	v13 =	vor.u32 v3, v17;
	[tilespmem:s1+$0x16790] =	vst v11;
	v8 =	vld.idx.msk [tilespmem:v10+s6+$0x0], $0xffff  }
0x17b: {  	p0 =	por p1, p1;
	s10 =	simm.s32 $0x5C0;
	s9 =	simm.s32 $0x8;
	[tilespmem:s1+$0x167A0] =	vst v9;
	v10 =	vor.u32 v0, v18;
	v9 =	vor.u32 v3, v20;
	v11 =	vld.idx.msk [tilespmem:v19+s6+$0x0], $0xffff  }
.LBB2_17:
0x17c: {  	s8 =	sadd.s32 $0xFFFFFEC0, s10;
	s11 =	sadd.s32 $0xFFFFFFC0, s10;
	v17 =	vmov s10;
	s9 =	sadd.s32 $0x8, s9;
	v15 =	vor.u32 v0, v15;
	v16 =	vor.u32 v3, v16;
	[tilespmem:s1+$0x167B0] =	vst v5  }
0x17d: {  	s12 =	sadd.s32 $0xFFFFFF40, s10;
	v5 =	vmov s8;
	s8 =	sadd.s32 $0xFFFFFF00, s10;
	v18 =	vmov s11;
	v17 =	vshrl.u32 v17, $0x7;
	p1 =	slt.u32 s9, $0x118;
	[tilespmem:s1+$0x167C0] =	vst v6  }
0x17e: {  	s11 =	sadd.s32 $0xFFFFFE40, s10;
	v19 =	vmov s12;
	v6 =	vmov s8;
	s8 =	sadd.s32 $0xFFFFFF80, s10;
	v18 =	vshrl.u32 v18, $0x7;
	[tilespmem:s1+$0x167D0] =	vst v7;
	v14 =	vld.idx.msk [tilespmem:v14+s6+$0x0], $0xffff  }
0x17f: {  	v7 =	vmov s11;
	v20 =	vmov s8;
	v18 =	vshll.u32 v18, v1;
	v12 =	vld.idx.msk [tilespmem:v12+s6+$0x0], $0xffff;
	[tilespmem:s1+$0x167E0] =	vst v8  }
0x180: {  	v7 =	vshrl.u32 v7, $0x7;
	v8 =	vshrl.u32 v5, $0x7;
	s8 =	sshra.s32 s17, $0x2;
	s17 =	smov.u32 s10;
	v18 =	vbroadcast v18, $0x0;
	v13 =	vld.idx.msk [tilespmem:v13+s6+$0x0], $0xffff  }
0x181: {  	v19 =	vshrl.u32 v19, $0x7;
	v21 =	vshrl.u32 v6, $0x7;
	v20 =	vshrl.u32 v20, $0x7;
	v5 =	vld.idx.msk [tilespmem:v10+s6+$0x0], $0xffff;
	[tilespmem:s8+$0x167F0] =	vst v11  }
0x182: {  	v8 =	vshll.u32 v8, v1;
	v10 =	vshll.u32 v7, v1;
	v11 =	vor.u32 v0, v18;
	v6 =	vld.idx.msk [tilespmem:v9+s6+$0x0], $0xffff  }
.Ltmp7:
0x183: {  	v9 =	vshll.u32 v21, v1;
	v18 =	vshll.u32 v19, v1;
	v19 =	vshll.u32 v20, v1;
	v7 =	vld.idx.msk [tilespmem:v15+s6+$0x0], $0xffff;
	(pc) =	sbr.rel @p1 .LBB2_17-.Ltmp7, $4  }
0x184: {  	v17 =	vshll.u32 v17, v1;
	v10 =	vbroadcast v10, $0x0;
	v20 =	vbroadcast v8, $0x0;
	v8 =	vld.idx.msk [tilespmem:v16+s6+$0x0], $0xffff;
	[tilespmem:s1+$0x16800] =	vst v14;
	s1 =	smov.u32 s8  }
0x185: {  	v9 =	vbroadcast v9, $0x0;
	v15 =	vbroadcast v18, $0x0;
	v14 =	vor.u32 v3, v4;
	[tilespmem:s1+$0x16790] =	vst v12  }
0x186: {  	v16 =	vbroadcast v19, $0x0;
	v4 =	vbroadcast v17, $0x0;
	v12 =	vor.u32 v0, v10;
	[tilespmem:s1+$0x167A0] =	vst v13  }
0x187: {  	s10 =	sadd.s32 $0x200, s10;
	v9 =	vor.u32 v3, v9;
	v13 =	vor.u32 v3, v10;
	v10 =	vor.u32 v0, v20;
	v11 =	vld.idx.msk [tilespmem:v11+s6+$0x0], $0xffff  }
0x188: {  	_ =	sdelay $0x3  }
0x189: {  	[tilespmem:s1+$0x167B0] =	vst v5;
	v5 =	vld.idx.msk [tilespmem:v14+s6+$0x0], $0xffff  }
0x18a: {  	v15 =	vor.u32 v0, v15;
	[tilespmem:s1+$0x167C0] =	vst v6;
	v6 =	vld.idx.msk [tilespmem:v12+s6+$0x0], $0xffff  }
0x18b: {  	v14 =	vor.u32 v3, v16;
	[tilespmem:s1+$0x167D0] =	vst v7;
	v7 =	vld.idx.msk [tilespmem:v13+s6+$0x0], $0xffff  }
0x18c: {  	v4 =	vor.u32 v3, v4;
	s8 =	sshra.s32 s17, $0x2;
	v9 =	vld.idx.msk [tilespmem:v9+s6+$0x0], $0xffff;
	s17 =	sor.u32 s22, s7  }
0x18d: {  	[tilespmem:s1+$0x167E0] =	vst v8;
	v8 =	vld.idx.msk [tilespmem:v10+s6+$0x0], $0xffff;
	s11 =	sor.u32 s31, s17  }
0x18e: {  	s12 =	sshrl.u32 s11, $0x3;
	s11 =	simm.s32 $0x280;
	[tilespmem:s1+$0x16800] =	vst v5  }
0x18f: {  	v13 =	vmov s11;
	s11 =	simm.s32 $0x200;
	v10 =	vld.idx.msk [tilespmem:v15+s6+$0x0], $0xffff;
	[tilespmem:s8+$0x16790] =	vst v6  }
0x190: {  	s18 =	simm.s32 $0x1C0;
	s9 =	simm.s32 $0x80;
	v17 =	vmov s11;
	v13 =	vshrl.u32 v13, $0x7;
	v5 =	vld.idx.msk [tilespmem:v14+s6+$0x0], $0xffff;
	[tilespmem:s8+$0x167A0] =	vst v7  }
0x191: {  	s10 =	simm.s32 $0x180;
	v4 =	vld.idx.msk [tilespmem:v4+s6+$0x0], $0xffff;
	[tilespmem:s8+$0x167C0] =	vst v9;
	v6 =	vmov s18;
	v7 =	vmov s9;
	s9 =	simm.s32 $0x100;
	v17 =	vshrl.u32 v17, $0x7  }
0x192: {  	v13 =	vshll.u32 v13, v1;
	[tilespmem:s8+$0x167B0] =	vst v8;
	v8 =	vmov s10;
	v9 =	vmov s9  }
0x193: {  	[tilespmem:s8+$0x167F0] =	vst v11;
	s10 =	sadd.s32 s4, s12;
	v7 =	vshrl.u32 v7, $0x7;
	s12 =	simm.s32 $0x380;
	v17 =	vshll.u32 v17, v1;
	v9 =	vshrl.u32 v9, $0x7  }
0x194: {  	v7 =	vshll.u32 v7, v1;
	v14 =	vmov s12;
	v17 =	vbroadcast v17, $0x0;
	[tilespmem:s8+$0x167D0] =	vst v10  }
0x195: {  	s1 =	simm.s32 $0xC0;
	s18 =	simm.s32 $0x0;
	v9 =	vshll.u32 v9, v1;
	v7 =	vbroadcast v7, $0x0;
	[tilespmem:s8+$0x167E0] =	vst v5;
	v5 =	vshrl.u32 v6, $0x7  }
0x196: {  	v6 =	vmov s1;
	[tilespmem:s8+$0x16800] =	vst v4;
	v4 =	vshrl.u32 v8, $0x7;
	v8 =	vmov s18;
	s1 =	simm.s32 @!p0 $0x7  }
0x197: {  	v14 =	vshrl.u32 v14, $0x7;
	[hbm4b:s10+s13] =	stream.strided.scatter [tilespmem:s29], [sflag:$0x6], $0x1200, s14, s13, $0x38;
	v4 =	vshll.u32 v4, v1;
	v8 =	vshrl.u32 v8, $0x7;
	[tilespmem:$0x1AC00] =	vst v63  }
0x198: {  	s9 =	simm.s32 $0x140;
	v9 =	vbroadcast v9, $0x0;
	v4 =	vbroadcast v4, $0x0;
	_ =	swait.ge @!p0 [sflag:s1], $0x1200;
	v8 =	vshll.u32 v8, v1  }
0x199: {  	v14 =	vshll.u32 v14, v1;
	v10 =	vmov s9;
	s8 =	simm.s32 @p0 $0x400;
	s9 =	simm.s32 @p0 $0x0;
	[sflag:s1] =	ssyncset.done @!p0 $0x0;
	v8 =	vbroadcast v8, $0x0  }
0x19a: {  	v6 =	vshrl.u32 v6, $0x7;
	v10 =	vshrl.u32 v10, $0x7;
	s10 =	rddreg [dreg:$0x1b];
	v4 =	vor.u32 v0, v4;
	[sflag:s1] =	ssyncadd.s32 @!p0 $0xFFFFEE00;
	s1 =	simm.s32 @p0 $0x80  }
0x19b: {  	v5 =	vshll.u32 v5, v1;
	v6 =	vshll.u32 v6, v1;
	[tilespmem:s9], [sflag:$0x1] =	stream.strided.gather @p0 [hbm4b:s10+s1], $0x4800, s8, s1, $0x38;
	v11 =	vor.u32 v0, v8;
	[tilespmem:$0x1AC00] =	vst v63  }
0x19c: {  	v12 =	vbroadcast v5, $0x0;
	v6 =	vbroadcast v6, $0x0;
	v5 =	vor.u32 v3, v8;
	_ =	swait.ge [sflag:s30], $0x4800  }
0x19d: {  	s12 =	simm.s32 $0x340;
	v7 =	vor.u32 v0, v7;
	v14 =	vbroadcast v14, $0x0;
	v10 =	vshll.u32 v10, v1;
	[sflag:s30] =	ssyncset.done $0x0  }
0x19e: {  	v18 =	vmov s12;
	v10 =	vbroadcast v10, $0x0;
	v6 =	vor.u32 v3, v6;
	[sflag:s30] =	ssyncadd.s32 $0xFFFFB800  }
0x19f: {  	v18 =	vshrl.u32 v18, $0x7;
	v9 =	vor.u32 v0, v9;
	v20 =	vor.u32 v0, v14;
	s9 =	simm.s32 $0x2C0;
	s10 =	simm.s32 $0x300;
	v4 =	vld.idx.msk [tilespmem:v4+s23+$0x0], $0xffff  }
0x1a0: {  	s18 =	simm.s32 $0x3C0;
	v10 =	vor.u32 v3, v10;
	v15 =	vmov s9;
	v16 =	vmov s10;
	v11 =	vld.idx.msk [tilespmem:v11+s23+$0x0], $0xffff  }
0x1a1: {  	v8 =	vmov s18;
	v15 =	vshrl.u32 v15, $0x7;
	v16 =	vshrl.u32 v16, $0x7;
	v19 =	vld.idx.msk [tilespmem:v5+s23+$0x0], $0xffff  }
0x1a2: {  	v8 =	vshrl.u32 v8, $0x7;
	v14 =	vshll.u32 v15, v1;
	v15 =	vshll.u32 v16, v1;
	v5 =	vld.idx.msk [tilespmem:v7+s23+$0x0], $0xffff  }
0x1a3: {  	s1 =	simm.s32 $0x70;
	v16 =	vshll.u32 v18, v1;
	v18 =	vbroadcast v13, $0x0;
	v13 =	vor.u32 v3, v17;
	v6 =	vld.idx.msk [tilespmem:v6+s23+$0x0], $0xffff  }
0x1a4: {  	v15 =	vbroadcast v15, $0x0;
	v7 =	vld.idx.msk [tilespmem:v9+s23+$0x0], $0xffff;
	v9 =	vbroadcast v14, $0x0;
	v14 =	vor.u32 v3, v12;
	[tilespmem:s1+$0x179F0] =	vst v4  }
0x1a5: {  	v16 =	vbroadcast v16, $0x0;
	v12 =	vor.u32 v0, v17;
	v4 =	vshll.u32 v8, v1;
	v8 =	vld.idx.msk [tilespmem:v10+s23+$0x0], $0xffff;
	[tilespmem:s1+$0x17990] =	vst v11  }
0x1a6: {  	s9 =	simm.s32 $0x8;
	s10 =	simm.s32 $0x5C0;
	v9 =	vor.u32 v3, v9;
	v10 =	vor.u32 v0, v18;
	v4 =	vbroadcast v4, $0x0;
	[tilespmem:s1+$0x179A0] =	vst v19;
	v11 =	vld.idx.msk [tilespmem:v20+s23+$0x0], $0xffff  }
.LBB2_19:
0x1a7: {  	s8 =	sadd.s32 $0xFFFFFEC0, s10;
	s11 =	sadd.s32 $0xFFFFFFC0, s10;
	v17 =	vmov s10;
	s9 =	sadd.s32 $0x8, s9;
	v15 =	vor.u32 v0, v15;
	v16 =	vor.u32 v3, v16;
	[tilespmem:s1+$0x179B0] =	vst v5  }
0x1a8: {  	s12 =	sadd.s32 $0xFFFFFF40, s10;
	v5 =	vmov s8;
	s8 =	sadd.s32 $0xFFFFFF00, s10;
	v18 =	vmov s11;
	v17 =	vshrl.u32 v17, $0x7;
	p1 =	slt.u32 s9, $0x118;
	[tilespmem:s1+$0x179C0] =	vst v6  }
0x1a9: {  	s11 =	sadd.s32 $0xFFFFFE40, s10;
	v19 =	vmov s12;
	v6 =	vmov s8;
	s8 =	sadd.s32 $0xFFFFFF80, s10;
	v18 =	vshrl.u32 v18, $0x7;
	[tilespmem:s1+$0x179D0] =	vst v7;
	v14 =	vld.idx.msk [tilespmem:v14+s23+$0x0], $0xffff  }
0x1aa: {  	v7 =	vmov s11;
	v20 =	vmov s8;
	v18 =	vshll.u32 v18, v1;
	v12 =	vld.idx.msk [tilespmem:v12+s23+$0x0], $0xffff;
	[tilespmem:s1+$0x179E0] =	vst v8  }
0x1ab: {  	v7 =	vshrl.u32 v7, $0x7;
	v8 =	vshrl.u32 v5, $0x7;
	s8 =	sshra.s32 s18, $0x2;
	s18 =	smov.u32 s10;
	v18 =	vbroadcast v18, $0x0;
	v13 =	vld.idx.msk [tilespmem:v13+s23+$0x0], $0xffff  }
0x1ac: {  	v19 =	vshrl.u32 v19, $0x7;
	v21 =	vshrl.u32 v6, $0x7;
	v20 =	vshrl.u32 v20, $0x7;
	v5 =	vld.idx.msk [tilespmem:v10+s23+$0x0], $0xffff;
	[tilespmem:s8+$0x179F0] =	vst v11  }
0x1ad: {  	v8 =	vshll.u32 v8, v1;
	v10 =	vshll.u32 v7, v1;
	v11 =	vor.u32 v0, v18;
	v6 =	vld.idx.msk [tilespmem:v9+s23+$0x0], $0xffff  }
.Ltmp8:
0x1ae: {  	v9 =	vshll.u32 v21, v1;
	v18 =	vshll.u32 v19, v1;
	v19 =	vshll.u32 v20, v1;
	v7 =	vld.idx.msk [tilespmem:v15+s23+$0x0], $0xffff;
	(pc) =	sbr.rel @p1 .LBB2_19-.Ltmp8, $4  }
0x1af: {  	v17 =	vshll.u32 v17, v1;
	v10 =	vbroadcast v10, $0x0;
	v20 =	vbroadcast v8, $0x0;
	v8 =	vld.idx.msk [tilespmem:v16+s23+$0x0], $0xffff;
	[tilespmem:s1+$0x17A00] =	vst v14;
	s1 =	smov.u32 s8  }
0x1b0: {  	v9 =	vbroadcast v9, $0x0;
	v15 =	vbroadcast v18, $0x0;
	v14 =	vor.u32 v3, v4;
	[tilespmem:s1+$0x17990] =	vst v12  }
0x1b1: {  	v16 =	vbroadcast v19, $0x0;
	v4 =	vbroadcast v17, $0x0;
	v12 =	vor.u32 v0, v10;
	[tilespmem:s1+$0x179A0] =	vst v13  }
0x1b2: {  	s10 =	sadd.s32 $0x200, s10;
	v9 =	vor.u32 v3, v9;
	v13 =	vor.u32 v3, v10;
	v10 =	vor.u32 v0, v20;
	v11 =	vld.idx.msk [tilespmem:v11+s23+$0x0], $0xffff  }
0x1b3: {  	_ =	sdelay $0x3  }
0x1b4: {  	[tilespmem:s1+$0x179B0] =	vst v5;
	v5 =	vld.idx.msk [tilespmem:v14+s23+$0x0], $0xffff  }
0x1b5: {  	v15 =	vor.u32 v0, v15;
	[tilespmem:s1+$0x179C0] =	vst v6;
	v6 =	vld.idx.msk [tilespmem:v12+s23+$0x0], $0xffff  }
0x1b6: {  	v14 =	vor.u32 v3, v16;
	[tilespmem:s1+$0x179D0] =	vst v7;
	v7 =	vld.idx.msk [tilespmem:v13+s23+$0x0], $0xffff  }
0x1b7: {  	v4 =	vor.u32 v3, v4;
	s8 =	sshra.s32 s18, $0x2;
	v9 =	vld.idx.msk [tilespmem:v9+s23+$0x0], $0xffff;
	[tilespmem:s1+$0x179E0] =	vst v8  }
0x1b8: {  	v8 =	vld.idx.msk [tilespmem:v10+s23+$0x0], $0xffff;
	[tilespmem:s8+$0x179F0] =	vst v11  }
0x1b9: {  	[tilespmem:s1+$0x17A00] =	vst v5  }
0x1ba: {  	s18 =	simm.s32 $0x100;
	v10 =	vld.idx.msk [tilespmem:v15+s23+$0x0], $0xffff;
	[tilespmem:s8+$0x17990] =	vst v6  }
0x1bb: {  	s11 =	simm.s32 $0x1C0;
	s9 =	simm.s32 $0x80;
	s17 =	sor.u32 s0, s17;
	v11 =	vmov s18;
	v5 =	vld.idx.msk [tilespmem:v14+s23+$0x0], $0xffff;
	[tilespmem:s8+$0x179A0] =	vst v7  }
0x1bc: {  	s10 =	simm.s32 $0x180;
	s12 =	simm.s32 $0xC0;
	s18 =	sshrl.u32 s17, $0x3;
	v4 =	vld.idx.msk [tilespmem:v4+s23+$0x0], $0xffff;
	v6 =	vmov s11;
	v7 =	vmov s9;
	[tilespmem:s8+$0x179C0] =	vst v9  }
0x1bd: {  	v9 =	vmov s12;
	s12 =	simm.s32 $0x140;
	s1 =	sadd.s32 s4, s18;
	s18 =	simm.s32 $0x340;
	[tilespmem:s8+$0x179B0] =	vst v8;
	v8 =	vmov s10;
	v6 =	vshrl.u32 v6, $0x7  }
0x1be: {  	v12 =	vmov s12;
	v7 =	vshrl.u32 v7, $0x7;
	s12 =	simm.s32 $0x200;
	v18 =	vmov s18  }
0x1bf: {  	v8 =	vshrl.u32 v8, $0x7;
	v7 =	vshll.u32 v7, v1;
	v17 =	vmov s12;
	[tilespmem:s8+$0x179D0] =	vst v10  }
0x1c0: {  	v18 =	vshrl.u32 v18, $0x7;
	v7 =	vbroadcast v7, $0x0;
	v17 =	vshrl.u32 v17, $0x7;
	[tilespmem:s8+$0x179E0] =	vst v5  }
0x1c1: {  	s11 =	simm.s32 $0x0;
	s9 =	simm.s32 @p0 $0x4800;
	v6 =	vshll.u32 v6, v1;
	v18 =	vshll.u32 v18, v1;
	v17 =	vshll.u32 v17, v1;
	[tilespmem:s8+$0x17A00] =	vst v4  }
0x1c2: {  	v10 =	vmov s11;
	v5 =	vshll.u32 v8, v1;
	v7 =	vor.u32 v0, v7;
	[hbm4b:s1+s13] =	stream.strided.scatter [tilespmem:s19], [sflag:$0x7], $0x1200, s14, s13, $0x38;
	[tilespmem:$0x1AC00] =	vst v63  }
0x1c3: {  	s8 =	simm.s32 @p0 $0x400;
	v17 =	vbroadcast v17, $0x0;
	v8 =	vshrl.u32 v10, $0x7;
	v4 =	vbroadcast v5, $0x0;
	s1 =	simm.s32 @p0 $0x80;
	s10 =	rddreg [dreg:$0x1c]  }
0x1c4: {  	v5 =	vshrl.u32 v9, $0x7;
	v9 =	vshrl.u32 v11, $0x7;
	v8 =	vshll.u32 v8, v1;
	[tilespmem:s9], [sflag:$0x2] =	stream.strided.gather @p0 [hbm4b:s10+s1], $0x4800, s8, s1, $0x38;
	[tilespmem:$0x1AC00] =	vst v63  }
0x1c5: {  	s11 =	simm.s32 $0x300;
	v10 =	vshrl.u32 v12, $0x7;
	v12 =	vbroadcast v6, $0x0;
	v8 =	vbroadcast v8, $0x0;
	_ =	swait.ge [sflag:s20], $0x1200  }
0x1c6: {  	v16 =	vmov s11;
	v5 =	vshll.u32 v5, v1;
	v4 =	vor.u32 v0, v4;
	[sflag:s20] =	ssyncset.done $0x0  }
0x1c7: {  	v9 =	vshll.u32 v9, v1;
	v10 =	vshll.u32 v10, v1;
	s9 =	simm.s32 $0x380;
	v11 =	vor.u32 v0, v8;
	[sflag:s20] =	ssyncadd.s32 $0xFFFFEE00  }
0x1c8: {  	v5 =	vbroadcast v5, $0x0;
	v14 =	vmov s9;
	v6 =	vor.u32 v3, v8;
	_ =	swait.ge [sflag:s15], $0x4800  }
0x1c9: {  	v16 =	vshrl.u32 v16, $0x7;
	v9 =	vbroadcast v9, $0x0;
	v14 =	vshrl.u32 v14, $0x7;
	[sflag:s15] =	ssyncset.done $0x0  }
0x1ca: {  	v10 =	vbroadcast v10, $0x0;
	s8 =	simm.s32 $0x280;
	v8 =	vor.u32 v3, v5;
	v14 =	vshll.u32 v14, v1;
	[sflag:s15] =	ssyncadd.s32 $0xFFFFB800  }
0x1cb: {  	s17 =	simm.s32 $0x3C0;
	v13 =	vmov s8;
	v9 =	vor.u32 v0, v9;
	v14 =	vbroadcast v14, $0x0;
	v4 =	vld.idx.msk [tilespmem:v4+s24+$0x0], $0xffff  }
0x1cc: {  	s10 =	simm.s32 $0x2C0;
	v5 =	vmov s17;
	v10 =	vor.u32 v3, v10;
	v13 =	vshrl.u32 v13, $0x7;
	v11 =	vld.idx.msk [tilespmem:v11+s24+$0x0], $0xffff  }
0x1cd: {  	v15 =	vshrl.u32 v5, $0x7;
	v5 =	vmov s10;
	v20 =	vor.u32 v0, v14;
	v19 =	vld.idx.msk [tilespmem:v6+s24+$0x0], $0xffff  }
0x1ce: {  	v16 =	vshll.u32 v16, v1;
	v13 =	vshll.u32 v13, v1;
	v6 =	vshrl.u32 v5, $0x7;
	v5 =	vld.idx.msk [tilespmem:v7+s24+$0x0], $0xffff  }
0x1cf: {  	s1 =	simm.s32 $0x70;
	v21 =	vbroadcast v13, $0x0;
	v13 =	vor.u32 v3, v17;
	v14 =	vshll.u32 v6, v1;
	v6 =	vld.idx.msk [tilespmem:v8+s24+$0x0], $0xffff  }
0x1d0: {  	v7 =	vld.idx.msk [tilespmem:v9+s24+$0x0], $0xffff;
	v9 =	vbroadcast v14, $0x0;
	v14 =	vor.u32 v3, v12;
	v12 =	vor.u32 v0, v17;
	[tilespmem:s1+$0x167F0] =	vst v4  }
0x1d1: {  	v8 =	vld.idx.msk [tilespmem:v10+s24+$0x0], $0xffff;
	v4 =	vshll.u32 v15, v1;
	v15 =	vbroadcast v16, $0x0;
	[tilespmem:s1+$0x16790] =	vst v11;
	v16 =	vbroadcast v18, $0x0  }
0x1d2: {  	s9 =	simm.s32 $0x8;
	s10 =	simm.s32 $0x5C0;
	v10 =	vor.u32 v0, v21;
	v9 =	vor.u32 v3, v9;
	[tilespmem:s1+$0x167A0] =	vst v19;
	v11 =	vld.idx.msk [tilespmem:v20+s24+$0x0], $0xffff;
	v4 =	vbroadcast v4, $0x0  }
.LBB2_21:
0x1d3: {  	s8 =	sadd.s32 $0xFFFFFEC0, s10;
	s11 =	sadd.s32 $0xFFFFFFC0, s10;
	v17 =	vmov s10;
	s9 =	sadd.s32 $0x8, s9;
	v15 =	vor.u32 v0, v15;
	v16 =	vor.u32 v3, v16;
	[tilespmem:s1+$0x167B0] =	vst v5  }
0x1d4: {  	s12 =	sadd.s32 $0xFFFFFF40, s10;
	v5 =	vmov s8;
	s8 =	sadd.s32 $0xFFFFFF00, s10;
	v18 =	vmov s11;
	v17 =	vshrl.u32 v17, $0x7;
	p1 =	slt.u32 s9, $0x118;
	[tilespmem:s1+$0x167C0] =	vst v6  }
0x1d5: {  	s11 =	sadd.s32 $0xFFFFFE40, s10;
	v19 =	vmov s12;
	v6 =	vmov s8;
	s8 =	sadd.s32 $0xFFFFFF80, s10;
	v18 =	vshrl.u32 v18, $0x7;
	[tilespmem:s1+$0x167D0] =	vst v7;
	v14 =	vld.idx.msk [tilespmem:v14+s24+$0x0], $0xffff  }
0x1d6: {  	v7 =	vmov s11;
	v20 =	vmov s8;
	v18 =	vshll.u32 v18, v1;
	v12 =	vld.idx.msk [tilespmem:v12+s24+$0x0], $0xffff;
	[tilespmem:s1+$0x167E0] =	vst v8  }
0x1d7: {  	v7 =	vshrl.u32 v7, $0x7;
	v8 =	vshrl.u32 v5, $0x7;
	s8 =	sshra.s32 s17, $0x2;
	s17 =	smov.u32 s10;
	v18 =	vbroadcast v18, $0x0;
	v13 =	vld.idx.msk [tilespmem:v13+s24+$0x0], $0xffff  }
0x1d8: {  	v19 =	vshrl.u32 v19, $0x7;
	v21 =	vshrl.u32 v6, $0x7;
	v20 =	vshrl.u32 v20, $0x7;
	v5 =	vld.idx.msk [tilespmem:v10+s24+$0x0], $0xffff;
	[tilespmem:s8+$0x167F0] =	vst v11  }
0x1d9: {  	v8 =	vshll.u32 v8, v1;
	v10 =	vshll.u32 v7, v1;
	v11 =	vor.u32 v0, v18;
	v6 =	vld.idx.msk [tilespmem:v9+s24+$0x0], $0xffff  }
.Ltmp9:
0x1da: {  	v9 =	vshll.u32 v21, v1;
	v18 =	vshll.u32 v19, v1;
	v19 =	vshll.u32 v20, v1;
	v7 =	vld.idx.msk [tilespmem:v15+s24+$0x0], $0xffff;
	(pc) =	sbr.rel @p1 .LBB2_21-.Ltmp9, $4  }
0x1db: {  	v17 =	vshll.u32 v17, v1;
	v10 =	vbroadcast v10, $0x0;
	v20 =	vbroadcast v8, $0x0;
	v8 =	vld.idx.msk [tilespmem:v16+s24+$0x0], $0xffff;
	[tilespmem:s1+$0x16800] =	vst v14;
	s1 =	smov.u32 s8  }
0x1dc: {  	v9 =	vbroadcast v9, $0x0;
	v15 =	vbroadcast v18, $0x0;
	v14 =	vor.u32 v3, v4;
	[tilespmem:s1+$0x16790] =	vst v12  }
0x1dd: {  	v16 =	vbroadcast v19, $0x0;
	v4 =	vbroadcast v17, $0x0;
	v12 =	vor.u32 v0, v10;
	[tilespmem:s1+$0x167A0] =	vst v13  }
0x1de: {  	s10 =	sadd.s32 $0x200, s10;
	v9 =	vor.u32 v3, v9;
	v13 =	vor.u32 v3, v10;
	v10 =	vor.u32 v0, v20;
	v11 =	vld.idx.msk [tilespmem:v11+s24+$0x0], $0xffff  }
0x1df: {  	_ =	sdelay $0x3  }
0x1e0: {  	[tilespmem:s1+$0x167B0] =	vst v5;
	v5 =	vld.idx.msk [tilespmem:v14+s24+$0x0], $0xffff  }
0x1e1: {  	[tilespmem:s1+$0x167C0] =	vst v6;
	v6 =	vld.idx.msk [tilespmem:v12+s24+$0x0], $0xffff  }
0x1e2: {  	v15 =	vor.u32 v0, v15;
	[tilespmem:s1+$0x167D0] =	vst v7;
	v7 =	vld.idx.msk [tilespmem:v13+s24+$0x0], $0xffff  }
0x1e3: {  	v14 =	vor.u32 v3, v16;
	s8 =	sshra.s32 s17, $0x2;
	v9 =	vld.idx.msk [tilespmem:v9+s24+$0x0], $0xffff;
	[tilespmem:s1+$0x167E0] =	vst v8  }
0x1e4: {  	v4 =	vor.u32 v3, v4;
	v8 =	vld.idx.msk [tilespmem:v10+s24+$0x0], $0xffff;
	[tilespmem:s8+$0x167F0] =	vst v11  }
0x1e5: {  	[tilespmem:s1+$0x16800] =	vst v5  }
0x1e6: {  	[tilespmem:s8+$0x16790] =	vst v6  }
0x1e7: {  	s17 =	simm.s32 $0x100;
	v10 =	vld.idx.msk [tilespmem:v15+s24+$0x0], $0xffff;
	[tilespmem:s8+$0x167A0] =	vst v7  }
0x1e8: {  	s9 =	simm.s32 $0x80;
	s12 =	simm.s32 $0xC0;
	v11 =	vmov s17;
	v5 =	vld.idx.msk [tilespmem:v14+s24+$0x0], $0xffff;
	[tilespmem:s8+$0x167C0] =	vst v9  }
0x1e9: {  	s11 =	simm.s32 $0x1C0;
	v4 =	vld.idx.msk [tilespmem:v4+s24+$0x0], $0xffff;
	v7 =	vmov s9;
	v9 =	vmov s12;
	s12 =	simm.s32 $0x140;
	[tilespmem:s8+$0x167B0] =	vst v8  }
0x1ea: {  	s10 =	simm.s32 $0x180;
	v6 =	vmov s11;
	v12 =	vmov s12;
	v7 =	vshrl.u32 v7, $0x7;
	s12 =	simm.s32 $0x200;
	s18 =	rddreg [dreg:$0x6]  }
0x1eb: {  	v8 =	vmov s10;
	v7 =	vshll.u32 v7, v1;
	v17 =	vmov s12;
	s7 =	sor.u32 s18, s7  }
0x1ec: {  	v6 =	vshrl.u32 v6, $0x7;
	v7 =	vbroadcast v7, $0x0;
	v17 =	vshrl.u32 v17, $0x7;
	s17 =	sor.u32 s31, s7;
	[tilespmem:s8+$0x167D0] =	vst v10  }
0x1ed: {  	s11 =	simm.s32 $0x0;
	v8 =	vshrl.u32 v8, $0x7;
	v6 =	vshll.u32 v6, v1;
	v17 =	vshll.u32 v17, v1;
	[tilespmem:s8+$0x167E0] =	vst v5;
	s18 =	sshrl.u32 s17, $0x3  }
0x1ee: {  	s9 =	simm.s32 @p0 $0x9000;
	v10 =	vmov s11;
	v5 =	vshll.u32 v8, v1;
	[tilespmem:s8+$0x16800] =	vst v4;
	s8 =	simm.s32 @p0 $0x400;
	v7 =	vor.u32 v0, v7;
	s1 =	sadd.s32 s4, s18  }
0x1ef: {  	v17 =	vbroadcast v17, $0x0;
	v8 =	vshrl.u32 v10, $0x7;
	v4 =	vbroadcast v5, $0x0;
	[hbm4b:s1+s13] =	stream.strided.scatter [tilespmem:s29], [sflag:$0x6], $0x1200, s14, s13, $0x38;
	[tilespmem:$0x1AC00] =	vst v63  }
0x1f0: {  	s11 =	simm.s32 $0x300;
	v5 =	vshrl.u32 v9, $0x7;
	v9 =	vshrl.u32 v11, $0x7;
	v10 =	vshrl.u32 v12, $0x7;
	s10 =	rddreg [dreg:$0x13];
	s1 =	simm.s32 @p0 $0x80  }
0x1f1: {  	v12 =	vbroadcast v6, $0x0;
	v16 =	vmov s11;
	v8 =	vshll.u32 v8, v1;
	[tilespmem:s9], [sflag:$0x3] =	stream.strided.gather @p0 [hbm4b:s10+s1], $0x4800, s8, s1, $0x38;
	[tilespmem:$0x1AC00] =	vst v63  }
0x1f2: {  	s18 =	simm.s32 $0x340;
	v5 =	vshll.u32 v5, v1;
	v9 =	vshll.u32 v9, v1;
	v8 =	vbroadcast v8, $0x0;
	_ =	swait.ge [sflag:s21], $0x1200  }
0x1f3: {  	v10 =	vshll.u32 v10, v1;
	v18 =	vmov s18;
	v4 =	vor.u32 v0, v4;
	[sflag:s21] =	ssyncset.done $0x0  }
0x1f4: {  	v16 =	vshrl.u32 v16, $0x7;
	v5 =	vbroadcast v5, $0x0;
	s9 =	simm.s32 $0x380;
	v11 =	vor.u32 v0, v8;
	[sflag:s21] =	ssyncadd.s32 $0xFFFFEE00  }
0x1f5: {  	v9 =	vbroadcast v9, $0x0;
	v6 =	vor.u32 v3, v8;
	v14 =	vmov s9;
	_ =	swait.ge [sflag:s3], $0x4800  }
0x1f6: {  	v10 =	vbroadcast v10, $0x0;
	v18 =	vshrl.u32 v18, $0x7;
	v14 =	vshrl.u32 v14, $0x7;
	[sflag:s3] =	ssyncset.done $0x0  }
0x1f7: {  	s17 =	simm.s32 $0x3C0;
	v16 =	vshll.u32 v16, v1;
	v8 =	vor.u32 v3, v5;
	v14 =	vshll.u32 v14, v1;
	[sflag:s3] =	ssyncadd.s32 $0xFFFFB800  }
0x1f8: {  	s8 =	simm.s32 $0x280;
	v5 =	vmov s17;
	v9 =	vor.u32 v0, v9;
	v14 =	vbroadcast v14, $0x0;
	v4 =	vld.idx.msk [tilespmem:v4+s25+$0x0], $0xffff  }
0x1f9: {  	s10 =	simm.s32 $0x2C0;
	v10 =	vor.u32 v3, v10;
	v13 =	vmov s8;
	v15 =	vshrl.u32 v5, $0x7;
	v11 =	vld.idx.msk [tilespmem:v11+s25+$0x0], $0xffff  }
0x1fa: {  	v5 =	vmov s10;
	v13 =	vshrl.u32 v13, $0x7;
	v20 =	vor.u32 v0, v14;
	v19 =	vld.idx.msk [tilespmem:v6+s25+$0x0], $0xffff  }
0x1fb: {  	v18 =	vshll.u32 v18, v1;
	v13 =	vshll.u32 v13, v1;
	v6 =	vshrl.u32 v5, $0x7;
	v5 =	vld.idx.msk [tilespmem:v7+s25+$0x0], $0xffff  }
0x1fc: {  	s1 =	simm.s32 $0x70;
	v21 =	vbroadcast v13, $0x0;
	v13 =	vor.u32 v3, v17;
	v14 =	vshll.u32 v6, v1;
	v6 =	vld.idx.msk [tilespmem:v8+s25+$0x0], $0xffff  }
0x1fd: {  	v7 =	vld.idx.msk [tilespmem:v9+s25+$0x0], $0xffff;
	v9 =	vbroadcast v14, $0x0;
	v14 =	vor.u32 v3, v12;
	v12 =	vor.u32 v0, v17;
	[tilespmem:s1+$0x179F0] =	vst v4  }
0x1fe: {  	v8 =	vld.idx.msk [tilespmem:v10+s25+$0x0], $0xffff;
	v4 =	vshll.u32 v15, v1;
	v15 =	vbroadcast v16, $0x0;
	[tilespmem:s1+$0x17990] =	vst v11;
	v16 =	vbroadcast v18, $0x0  }
0x1ff: {  	s9 =	simm.s32 $0x8;
	s10 =	simm.s32 $0x5C0;
	v10 =	vor.u32 v0, v21;
	v9 =	vor.u32 v3, v9;
	[tilespmem:s1+$0x179A0] =	vst v19;
	v11 =	vld.idx.msk [tilespmem:v20+s25+$0x0], $0xffff;
	v4 =	vbroadcast v4, $0x0  }
.LBB2_23:
0x200: {  	s8 =	sadd.s32 $0xFFFFFEC0, s10;
	s11 =	sadd.s32 $0xFFFFFFC0, s10;
	v17 =	vmov s10;
	s9 =	sadd.s32 $0x8, s9;
	v15 =	vor.u32 v0, v15;
	v16 =	vor.u32 v3, v16;
	[tilespmem:s1+$0x179B0] =	vst v5  }
0x201: {  	s12 =	sadd.s32 $0xFFFFFF40, s10;
	v5 =	vmov s8;
	s8 =	sadd.s32 $0xFFFFFF00, s10;
	v18 =	vmov s11;
	v17 =	vshrl.u32 v17, $0x7;
	p1 =	slt.u32 s9, $0x118;
	[tilespmem:s1+$0x179C0] =	vst v6  }
0x202: {  	s11 =	sadd.s32 $0xFFFFFE40, s10;
	v19 =	vmov s12;
	v6 =	vmov s8;
	s8 =	sadd.s32 $0xFFFFFF80, s10;
	v18 =	vshrl.u32 v18, $0x7;
	[tilespmem:s1+$0x179D0] =	vst v7;
	v14 =	vld.idx.msk [tilespmem:v14+s25+$0x0], $0xffff  }
0x203: {  	v7 =	vmov s11;
	v20 =	vmov s8;
	v18 =	vshll.u32 v18, v1;
	v12 =	vld.idx.msk [tilespmem:v12+s25+$0x0], $0xffff;
	[tilespmem:s1+$0x179E0] =	vst v8  }
0x204: {  	v7 =	vshrl.u32 v7, $0x7;
	v8 =	vshrl.u32 v5, $0x7;
	s8 =	sshra.s32 s17, $0x2;
	s17 =	smov.u32 s10;
	v18 =	vbroadcast v18, $0x0;
	v13 =	vld.idx.msk [tilespmem:v13+s25+$0x0], $0xffff  }
0x205: {  	v19 =	vshrl.u32 v19, $0x7;
	v21 =	vshrl.u32 v6, $0x7;
	v20 =	vshrl.u32 v20, $0x7;
	v5 =	vld.idx.msk [tilespmem:v10+s25+$0x0], $0xffff;
	[tilespmem:s8+$0x179F0] =	vst v11  }
0x206: {  	v8 =	vshll.u32 v8, v1;
	v10 =	vshll.u32 v7, v1;
	v11 =	vor.u32 v0, v18;
	v6 =	vld.idx.msk [tilespmem:v9+s25+$0x0], $0xffff  }
.Ltmp10:
0x207: {  	v9 =	vshll.u32 v21, v1;
	v18 =	vshll.u32 v19, v1;
	v19 =	vshll.u32 v20, v1;
	v7 =	vld.idx.msk [tilespmem:v15+s25+$0x0], $0xffff;
	(pc) =	sbr.rel @p1 .LBB2_23-.Ltmp10, $4  }
0x208: {  	v17 =	vshll.u32 v17, v1;
	v10 =	vbroadcast v10, $0x0;
	v20 =	vbroadcast v8, $0x0;
	v8 =	vld.idx.msk [tilespmem:v16+s25+$0x0], $0xffff;
	[tilespmem:s1+$0x17A00] =	vst v14;
	s1 =	smov.u32 s8  }
0x209: {  	v9 =	vbroadcast v9, $0x0;
	v15 =	vbroadcast v18, $0x0;
	v14 =	vor.u32 v3, v4;
	[tilespmem:s1+$0x17990] =	vst v12  }
0x20a: {  	v16 =	vbroadcast v19, $0x0;
	v4 =	vbroadcast v17, $0x0;
	v12 =	vor.u32 v0, v10;
	[tilespmem:s1+$0x179A0] =	vst v13  }
0x20b: {  	s10 =	sadd.s32 $0x200, s10;
	v9 =	vor.u32 v3, v9;
	v13 =	vor.u32 v3, v10;
	v10 =	vor.u32 v0, v20;
	v11 =	vld.idx.msk [tilespmem:v11+s25+$0x0], $0xffff  }
0x20c: {  	_ =	sdelay $0x3  }
0x20d: {  	v15 =	vor.u32 v0, v15;
	[tilespmem:s1+$0x179B0] =	vst v5;
	v5 =	vld.idx.msk [tilespmem:v14+s25+$0x0], $0xffff  }
0x20e: {  	v59 =	vor.u32 v3, v16;
	[tilespmem:s1+$0x179C0] =	vst v6;
	v60 =	vld.idx.msk [tilespmem:v12+s25+$0x0], $0xffff  }
0x20f: {  	[tilespmem:s1+$0x179D0] =	vst v7;
	v61 =	vld.idx.msk [tilespmem:v13+s25+$0x0], $0xffff;
	v4 =	vor.u32 v3, v4  }
0x210: {  	s8 =	sshra.s32 s17, $0x2;
	v62 =	vld.idx.msk [tilespmem:v10+s25+$0x0], $0xffff;
	[tilespmem:s1+$0x179E0] =	vst v8  }
0x211: {  	v9 =	vld.idx.msk [tilespmem:v9+s25+$0x0], $0xffff;
	[tilespmem:s8+$0x179F0] =	vst v11  }
0x212: {  	v63 =	vld.idx.msk [tilespmem:v15+s25+$0x0], $0xffff;
	[tilespmem:s1+$0x17A00] =	vst v5  }
0x213: {  	v5 =	vld.idx.msk [tilespmem:v59+s25+$0x0], $0xffff;
	[tilespmem:s8+$0x17990] =	vst v60  }
0x214: {  	[tilespmem:s8+$0x179A0] =	vst v61;
	v4 =	vld.idx.msk [tilespmem:v4+s25+$0x0], $0xffff  }
0x215: {  	[tilespmem:s8+$0x179B0] =	vst v62  }
0x216: {  	[tilespmem:s8+$0x179C0] =	vst v9  }
.Ltmp11:
0x217: {  	s18 =	sor.u32 s0, s7;
	[tilespmem:s8+$0x179D0] =	vst v63;
	(pc) =	sbr.rel @p0 .LBB2_16-.Ltmp11, $4  }
0x218: {  	s1 =	sshrl.u32 s18, $0x3;
	[tilespmem:s8+$0x179E0] =	vst v5  }
0x219: {  	s7 =	simm.s32 $0x100;
	s1 =	sadd.s32 s4, s1;
	[tilespmem:s8+$0x17A00] =	vst v4  }
0x21a: {  	[hbm4b:s1+s13] =	stream.strided.scatter [tilespmem:s19], [sflag:$0x7], $0x1200, s14, s13, $0x38;
	[tilespmem:$0x1AC00] =	vst v63  }
0x21b: {  	p1 =	por $0x0, $0x0;
	p2 =	por $0x1, $0x1;
	s1 =	rddreg [dreg:$0xf]  }
0x21c: {  	_ =	swait.ge [sflag:s20], $0x1200  }
0x21d: {  	[sflag:s20] =	ssyncset.done $0x0  }
0x21e: {  	[sflag:s20] =	ssyncadd.s32 $0xFFFFEE00  }
0x21f: {  	_ =	swait.ge [sflag:s21], $0x1200  }
0x220: {  	[sflag:s21] =	ssyncset.done $0x0  }
0x221: {  	s9 =	simm.s32 $0x8;
	[sflag:s21] =	ssyncadd.s32 $0xFFFFEE00  }
0x222: {  	_ =	swait.ge [sflag:s9], $0x1000  }
0x223: {  	s7 =	simm.s32 $0x18C00;
	[sflag:s9] =	ssyncset.done $0x0  }
0x224: {  	s10 =	simm.s32 $0x9;
	s1 =	rddreg [dreg:$0x14];
	[sflag:s9] =	ssyncadd.s32 $0xFFFFF000  }
0x225: {  	[hbm4b:s1+s13] =	stream.strided.scatter [tilespmem:s7], [sflag:$0x6], $0x1000, s14, s13, $0x38;
	[tilespmem:$0x1AC00] =	vst v63  }
0x226: {  	_ =	swait.ge [sflag:s10], $0x1000  }
0x227: {  	[sflag:s10] =	ssyncset.done $0x0  }
0x228: {  	s8 =	simm.s32 $0x19C00;
	s18 =	rddreg [dreg:$0x15];
	[sflag:s10] =	ssyncadd.s32 $0xFFFFF000  }
0x229: {  	[hbm4b:s18+s13] =	stream.strided.scatter [tilespmem:s8], [sflag:$0x7], $0x1000, s14, s13, $0x38;
	[tilespmem:$0x1AC00] =	vst v63  }
0x22a: {  	_ =	swait.ge [sflag:s20], $0x1000  }
0x22b: {  	[sflag:s20] =	ssyncset.done $0x0  }
0x22c: {  	s22 =	rddreg [dreg:$0x16];
	[sflag:s20] =	ssyncadd.s32 $0xFFFFF000  }
0x22d: {  	[tilespmem:s7], [sflag:$0x8] =	stream.strided.gather [hbm4b:s22+s13], $0x1000, s14, s13, $0x38;
	[tilespmem:$0x1AC00] =	vst v63  }
0x22e: {  	_ =	swait.ge [sflag:s21], $0x1000  }
0x22f: {  	[sflag:s21] =	ssyncset.done $0x0  }
0x230: {  	s11 =	rddreg [dreg:$0x17];
	[sflag:s21] =	ssyncadd.s32 $0xFFFFF000  }
0x231: {  	[tilespmem:s8], [sflag:$0x9] =	stream.strided.gather [hbm4b:s11+s13], $0x1000, s14, s13, $0x38;
	[tilespmem:$0x1AC00] =	vst v63  }
0x232: {  	_ =	swait.ge [sflag:s9], $0x1000  }
0x233: {  	[sflag:s9] =	ssyncset.done $0x0  }
0x234: {  	s12 =	rddreg [dreg:$0x18];
	[sflag:s9] =	ssyncadd.s32 $0xFFFFF000  }
0x235: {  	[hbm4b:s12+s13] =	stream.strided.scatter [tilespmem:s7], [sflag:$0x6], $0x1000, s14, s13, $0x38;
	[tilespmem:$0x1AC00] =	vst v63  }
0x236: {  	_ =	swait.ge [sflag:s10], $0x1000  }
0x237: {  	[sflag:s10] =	ssyncset.done $0x0  }
0x238: {  	s17 =	rddreg [dreg:$0x19];
	[sflag:s10] =	ssyncadd.s32 $0xFFFFF000  }
0x239: {  	[hbm4b:s17+s13] =	stream.strided.scatter [tilespmem:s8], [sflag:$0x7], $0x1000, s14, s13, $0x38;
	[tilespmem:$0x1AC00] =	vst v63  }
0x23a: {  	_ =	swait.ge [sflag:s20], $0x1000  }
0x23b: {  	[sflag:s20] =	ssyncset.done $0x0  }
0x23c: {  	[sflag:s20] =	ssyncadd.s32 $0xFFFFF000  }
0x23d: {  	_ =	swait.ge [sflag:s21], $0x1000  }
0x23e: {  	s18 =	sld [smem:$0x7FD];
	_ =	sdelay $0x2  }
0x23f: {  	s22 =	rddreg [dreg:$0x1a];
	s9 =	sadd.s32 $0x1, s18  }
0x240: {  	p0 =	sne.s32 s9, s22  }
.Ltmp12:
0x241: {  	_ = 	snop;
	(pc) =	sbr.rel @p0 .LBB2_1-.Ltmp12, $3  }
0x242: {  	_ =	sdelay $0x1  }
0x243: {  	[sflag:s21] =	ssyncset.done $0x0  }
0x244: {  	[sflag:s21] =	ssyncadd.s32 $0xFFFFF000  }
0x245: {  	_ =	sfence.sel $0x180000  }
0x246: {  	[bflag:$0x0] =	sbarrier.arrive $0xFFFF  }
0x247: {  	_ =	strace $0x90000047  }
0x248: {  	s0 =	stileid.u32;
	[bflag:$0x2] =	sbarrier.arrive $0xFFFF  }
0x249: {  	p0 =	sne.s32 s0, $0x0;
	s0 =	rddreg [dreg:$0x2]  }
0x24a: {  	s0 =	sadd.s32 @!p0 $0x100000, s0  }
0x24b: {  	[sflag:s0] =	ssyncadd.tile.s32 @!p0 $0x1;
	_ =	shalt  }
.Lfunc_end2:
_tile_overlayer_lowered:
.L_overlay_start_2:
0x24c: {  	(tag) =	ssettag $0x2  }
0x24d: {  	s0 =	rddreg [dreg:$0x0];
	s2 =	stileid.u32  }
0x24e: {  	s1 =	rddreg [dreg:$0x1];
	p0 =	sne.s32 s2, $0x0  }
0x24f: {  	s3 =	rddreg [dreg:$0x2];
	[bflag:$0x3] =	sbarrier.arrive $0xFFFF;
	s2 =	simm.s32 @!p0 $0x1C0A  }
0x250: {  	[timem:s3], [sflag:s2] =	dma.local @!p0 [hbm:s0], s1  }
0x251: {  	s0 =	simm.s32 @!p0 $0xA  }
0x252: {  	_ =	swait.ge @!p0 [sflag:s0], s1  }
0x253: {  	s1 =	ssub.s32 @!p0 $0x0, s1;
	[sflag:s0] =	ssyncset.done @!p0 $0x0  }
0x254: {  	[sflag:s0] =	ssyncadd.s32 @!p0 s1  }
0x255: {  	[bflag:$0x3] =	sbarrier.arrive $0xFFFF  }
0x256: {  	_ =	shalt  }

</sc_bundles>
